<compile_context>
chip_gen: v7x
topology: tpu7x:2x2x1
jax: 0.10.2.dev20260603
libtpu: 0.0.44.dev20260713+nightly
codegen_flags: <defaults>
</compile_context>

<pallas_src>
import functools

import jax
import jax.numpy as jnp
from jax import lax
from jax.experimental import pallas as pl
from jax.experimental.pallas import tpu as pltpu
from jax.experimental.pallas import tpu_sc as plsc

N = 10000
E = 320000
D = 128

NC = 2
NS = 16
NW = NC * NS

CH = 128
NCH = 80
NCHL = 79
NCHB = 16
NBLK = NCH // NCHB
EPT = NCH * CH
E_PAD = NW * EPT
DUMMY = N
NDUM = 15

AGG_ROWS = 10240
ZROWS = 16
ROWS_PER_TILE_ZERO = AGG_ROWS // NS
OCH = 80
NOCH = N // OCH

_MESH = plsc.VectorSubcoreMesh(
    core_axis_name="c", subcore_axis_name="s", num_cores=NC, num_subcores=NS
)


def _zero_shared(zbuf, shared, zbase, sem):
    nz = ROWS_PER_TILE_ZERO // ZROWS

    def fire(t, _):
        pltpu.async_copy(zbuf, shared.at[pl.ds(zbase + t * ZROWS, ZROWS)], sem)
        return 0

    def drain(t, _):
        pltpu.make_async_copy(
            zbuf, shared.at[pl.ds(zbase + t * ZROWS, ZROWS)], sem
        ).wait()
        return 0

    lax.fori_loop(0, nz, fire, 0)
    lax.fori_loop(0, nz, drain, 0)


def _copy_out(shared, out_hbm, cid, sid, sem):
    nt = (NOCH + NS - 1) // NS

    def fire(t, _):
        j = t * NS + sid

        @pl.when(j < NOCH)
        def _():
            pltpu.async_copy(
                shared.at[pl.ds(j * OCH, OCH)],
                out_hbm.at[cid, pl.ds(j * OCH, OCH)],
                sem,
            )

        return 0

    def drain(t, _):
        j = t * NS + sid

        @pl.when(j < NOCH)
        def _():
            pltpu.make_async_copy(
                shared.at[pl.ds(j * OCH, OCH)],
                out_hbm.at[cid, pl.ds(j * OCH, OCH)],
                sem,
            ).wait()

        return 0

    lax.fori_loop(0, nt, fire, 0)
    lax.fori_loop(0, nt, drain, 0)


def _zero_fill(ref, nrows, ncols):
    zv = jnp.zeros((16,), jnp.float32)

    def body(i, _):
        r = i // (ncols // 16)
        c = (i % (ncols // 16)) * 16
        ref[r, pl.ds(c, 16)] = zv
        return 0

    lax.fori_loop(0, nrows * (ncols // 16), body, 0)


@functools.partial(
    pl.kernel,
    out_type=jax.ShapeDtypeStruct((NC, N, D), jnp.float32),
    mesh=_MESH,
    scratch_types=[
        pltpu.VMEM((NCH, CH), jnp.int32),
        pltpu.VMEM((CH, D), jnp.float32),
        pltpu.VMEM((ZROWS, D), jnp.float32),
        pltpu.VMEM_SHARED((AGG_ROWS, D), jnp.float32),
        pltpu.SemaphoreType.DMA,
    ],
)
def _sc_deg(dst_hbm, out_hbm, dstv, onesv, zbuf, dega, sem):
    cid = lax.axis_index("c")
    sid = lax.axis_index("s")
    wid = sid * NC + cid

    _zero_fill(zbuf, ZROWS, D)
    _zero_fill(onesv, CH, D)
    e0 = jnp.where(lax.iota(jnp.int32, 16) == 0, 1.0, 0.0).astype(jnp.float32)

    def fill_ones(i, _):
        onesv[i, pl.ds(0, 16)] = e0
        return 0

    lax.fori_loop(0, CH, fill_ones, 0)

    zbase = sid * ROWS_PER_TILE_ZERO

    _zero_shared(zbuf, dega, zbase, sem)

    pltpu.sync_copy(dst_hbm.at[wid], dstv)
    plsc.subcore_barrier()

    def edge_chunk(j, _):
        pltpu.sync_copy(onesv, dega.at[dstv.at[j]], add=True)
        return 0

    lax.fori_loop(0, NCHL, edge_chunk, 0)
    plsc.subcore_barrier()

    _copy_out(dega, out_hbm, cid, sid, sem)


@functools.partial(
    pl.kernel,
    out_type=jax.ShapeDtypeStruct((NC, N, D), jnp.float32),
    mesh=_MESH,
    scratch_types=[
        pltpu.VMEM((2, NCHB, CH), jnp.int32),
        pltpu.VMEM((2, NCHB, CH), jnp.int32),
        pltpu.VMEM((2, CH, D), jnp.float32),
        pltpu.VMEM((ZROWS, D), jnp.float32),
        pltpu.VMEM_SHARED((AGG_ROWS, D), jnp.float32),
        pltpu.SemaphoreType.DMA,
        pltpu.SemaphoreType.DMA,
    ],
)
def _sc_agg(y_hbm, src_hbm, dst_hbm, out_hbm, srcv, dstv, rows, zbuf, agg, sem, sems):
    cid = lax.axis_index("c")
    sid = lax.axis_index("s")
    wid = sid * NC + cid

    _zero_fill(zbuf, ZROWS, D)

    zbase = sid * ROWS_PER_TILE_ZERO

    _zero_shared(zbuf, agg, zbase, sem)

    pltpu.sync_copy(src_hbm.at[wid, pl.ds(0, NCHB)], srcv.at[0])
    pltpu.sync_copy(dst_hbm.at[wid, pl.ds(0, NCHB)], dstv.at[0])
    plsc.subcore_barrier()

    pltpu.async_copy(y_hbm.at[srcv.at[0, 0]], rows.at[0], sem)

    def edge_chunk(j, _):
        blk = j // NCHB
        pos = lax.rem(j, NCHB)
        ib = lax.rem(blk, 2)
        buf = lax.rem(j, 2)

        @pl.when(jnp.logical_and(pos == 0, blk < NBLK - 1))
        def _():
            nb = blk + 1
            pltpu.sync_copy(src_hbm.at[wid, pl.ds(nb * NCHB, NCHB)], srcv.at[1 - ib])
            pltpu.sync_copy(dst_hbm.at[wid, pl.ds(nb * NCHB, NCHB)], dstv.at[1 - ib])

        pltpu.make_async_copy(y_hbm.at[srcv.at[ib, pos]], rows.at[buf], sem).wait()
        pltpu.async_copy(rows.at[buf], agg.at[dstv.at[ib, pos]], sems, add=True)

        @pl.when(j >= 1)
        def _():
            jp = j - 1
            pltpu.make_async_copy(
                rows.at[1 - buf],
                agg.at[dstv.at[lax.rem(jp // NCHB, 2), lax.rem(jp, NCHB)]],
                sems,
            ).wait()

        @pl.when(j < NCHL - 1)
        def _():
            jn = j + 1
            pltpu.async_copy(
                y_hbm.at[srcv.at[lax.rem(jn // NCHB, 2), lax.rem(jn, NCHB)]],
                rows.at[1 - buf],
                sem,
            )

        return 0

    lax.fori_loop(0, NCHL, edge_chunk, 0)
    jl = NCHL - 1
    pltpu.make_async_copy(
        rows.at[lax.rem(jl, 2)],
        agg.at[dstv.at[lax.rem(jl // NCHB, 2), lax.rem(jl, NCHB)]],
        sems,
    ).wait()
    plsc.subcore_barrier()

    _copy_out(agg, out_hbm, cid, sid, sem)


_RB = 1000
_GRID = N // _RB


def _dis_from_degp(degp_ref):
    deg = degp_ref[0, :, 0] + degp_ref[1, :, 0] + 1.0
    return lax.rsqrt(deg)[:, None]


def _tc1_body(degp_ref, x_ref, w_ref, y_ref):
    dis = _dis_from_degp(degp_ref)
    y_ref[...] = dis * jnp.dot(
        x_ref[...], w_ref[...], preferred_element_type=jnp.float32
    )


def _tc2_body(degp_ref, p_ref, y1_ref, w_ref, b_ref, y2_ref):
    dis = _dis_from_degp(degp_ref)
    aggr = p_ref[0] + p_ref[1] + y1_ref[...]
    h1 = jnp.maximum(dis * aggr + b_ref[...], 0.0)
    y2_ref[...] = dis * jnp.dot(h1, w_ref[...], preferred_element_type=jnp.float32)


def _tc3_body(degp_ref, p_ref, y2_ref, b_ref, h2_ref):
    dis = _dis_from_degp(degp_ref)
    aggr = p_ref[0] + p_ref[1] + y2_ref[...]
    h2_ref[...] = jnp.maximum(dis * aggr + b_ref[...], 0.0)


_degp_spec = pl.BlockSpec((NC, _RB, D), lambda i: (0, i, 0))
_row_spec = pl.BlockSpec((_RB, D), lambda i: (i, 0))
_part_spec = pl.BlockSpec((NC, _RB, D), lambda i: (0, i, 0))
_w_spec = pl.BlockSpec((D, D), lambda i: (0, 0))
_b_spec = pl.BlockSpec((D,), lambda i: (0,))

_tc1 = pl.pallas_call(
    _tc1_body,
    grid=(_GRID,),
    in_specs=[_degp_spec, _row_spec, _w_spec],
    out_specs=_row_spec,
    out_shape=jax.ShapeDtypeStruct((N, D), jnp.float32),
)

_tc2 = pl.pallas_call(
    _tc2_body,
    grid=(_GRID,),
    in_specs=[_degp_spec, _part_spec, _row_spec, _w_spec, _b_spec],
    out_specs=_row_spec,
    out_shape=jax.ShapeDtypeStruct((N, D), jnp.float32),
)

_tc3 = pl.pallas_call(
    _tc3_body,
    grid=(_GRID,),
    in_specs=[_degp_spec, _part_spec, _row_spec, _b_spec],
    out_specs=_row_spec,
    out_shape=jax.ShapeDtypeStruct((N, D), jnp.float32),
)


def kernel(x, edge_index, W1, b1, W2, b2):
    src = edge_index[0].astype(jnp.int32)
    dst = edge_index[1].astype(jnp.int32)
    ept_real = E // NW
    pad = EPT - ept_real
    sid = jnp.arange(NW, dtype=jnp.int32)[:, None] // NC
    dum = DUMMY + sid * NDUM + jnp.arange(pad, dtype=jnp.int32)[None, :] % NDUM
    src_p = jnp.concatenate(
        [src.reshape(NW, ept_real), jnp.zeros((NW, pad), jnp.int32)], axis=1
    ).reshape(NW, NCH, CH)
    dst_p = jnp.concatenate([dst.reshape(NW, ept_real), dum], axis=1).reshape(
        NW, NCH, CH
    )

    degp = _sc_deg(dst_p)
    y1 = _tc1(degp, x, W1)
    p1 = _sc_agg(y1, src_p, dst_p)
    y2 = _tc2(degp, p1, y1, W2, b1)
    p2 = _sc_agg(y2, src_p, dst_p)
    h2 = _tc3(degp, p2, y2, b2)
    return h2

# --- scband reference (transcript-rebuilt; emitter-appended) ---
"""Pipeline reference for scband-territory-gnn-3015067041913 (READ-ONLY COPY).

The authoritative reference and input builder live on the scoring server;
editing this copy changes nothing except your own understanding.
"""

import jax, jax.numpy as jnp
import numpy as np

N_NODES = 10000
N_EDGES = 320000
D_IN = 128
D_HID = 128


def setup_inputs(seed: int = 0) -> dict:
    key = jax.random.key(seed)
    k1, k2, k3, k4 = jax.random.split(key, 4)
    x = jax.random.normal(k1, (N_NODES, D_IN), dtype=jnp.float32)
    edge_index = jax.random.randint(k2, (2, N_EDGES), 0, N_NODES)
    # GCNConv layer parameters (glorot-ish init), layer1: in->hid, layer2: hid->hid
    W1 = jax.random.normal(k3, (D_IN, D_HID), dtype=jnp.float32) * (1.0 / np.sqrt(D_IN))
    b1 = jnp.zeros((D_HID,), dtype=jnp.float32)
    W2 = jax.random.normal(k4, (D_HID, D_HID), dtype=jnp.float32) * (1.0 / np.sqrt(D_HID))
    b2 = jnp.zeros((D_HID,), dtype=jnp.float32)
    return {"x": x, "edge_index": edge_index, "W1": W1, "b1": b1, "W2": W2, "b2": b2}


def _gcn_conv(x, src, dst, W, b, n_nodes):
    # PyG GCNConv: add self-loops, symmetric normalization, sum aggregation, bias.
    xw = x @ W
    deg = jnp.zeros((n_nodes,), dtype=x.dtype).at[dst].add(1.0)
    deg_inv_sqrt = jnp.where(deg > 0, 1.0 / jnp.sqrt(deg), 0.0)
    norm = deg_inv_sqrt[src] * deg_inv_sqrt[dst]
    msgs = norm[:, None] * jnp.take(xw, src, axis=0)
    out = jnp.zeros((n_nodes, xw.shape[1]), dtype=x.dtype).at[dst].add(msgs)
    return out + b


def reference(x, edge_index, W1, b1, W2, b2):
    n_nodes = x.shape[0]
    loops = jnp.arange(n_nodes, dtype=edge_index.dtype)
    src = jnp.concatenate([edge_index[0], loops])
    dst = jnp.concatenate([edge_index[1], loops])
    h = _gcn_conv(x, src, dst, W1, b1, n_nodes)
    h = jax.nn.relu(h)
    h = _gcn_conv(h, src, dst, W2, b2, n_nodes)
    h = jax.nn.relu(h)
    return h

if __name__ == "__main__":
    import jax
    _d = setup_inputs()
    print(jax.jit(kernel)(*tuple(_d.values())))

</pallas_src>

<mosaic_0001>
#map = affine_map<(d0, d1) -> (0, 0, 0)>
module attributes {stable_mosaic.version = 14 : i64} {
  func.func @_sc_deg(%arg0: i32, %arg1: i32, %arg2: memref<32x80x128xi32, #tpu.memory_space<hbm>>, %arg3: memref<2x10000x128xf32, #tpu.memory_space<hbm>>, %arg4: memref<80x128xi32, #tpu.memory_space<vmem>>, %arg5: memref<128x128xf32, #tpu.memory_space<vmem>>, %arg6: memref<16x128xf32, #tpu.memory_space<vmem>>, %arg7: memref<10240x128xf32, #tpu.memory_space<vmem_shared>>, %arg8: memref<!tpu.dma_semaphore, #tpu.memory_space<semaphore_mem>>) attributes {dimension_semantics = [#tpu.dimension_semantics<core_parallel>, #tpu.dimension_semantics<subcore_parallel>], iteration_bounds = array<i64: 2, 16>, scalar_prefetch = 0 : i64, scratch_operands = 5 : i64, tpu.core_type = #tpu.core_type<sc_vector_subcore>, window_params = [{transform_indices = #map}, {transform_indices = #map}]} {
    %mul3A = arith.constant 2 : i32
    %mul3A_0 = arith.muli %arg1, %mul3A : i32
    %add3A = arith.addi %mul3A_0, %arg0 : i32
    %broadcast_in_dim3A = arith.constant 0.000000e+00 : f32
    %broadcast_in_dim3A_1 = vector.broadcast %broadcast_in_dim3A : f32 to vector<16xf32>
    %scan3A = arith.constant 0 : i32
    %scan3A_2 = arith.constant 0 : i32
    %scan3A_3 = arith.constant 128 : i32
    %scan3A_4 = arith.addi %scan3A_2, %scan3A_3 : i32
    %scan3A_5 = arith.constant 1 : i32
    %scan3A_6 = scf.for %scan3A_67 = %scan3A_2 to %scan3A_4 step %scan3A_5 iter_args(%scan3A_68 = %scan3A) -> (i32)  : i32 {
      %jit3A_69 = arith.constant 8 : i32
      %div3A = arith.divsi %scan3A_67, %jit3A_69 : i32
      %sign3A = arith.constant 0 : i32
      %sign3A_70 = arith.cmpi sgt, %scan3A_67, %sign3A : i32
      %sign3A_71 = arith.extui %sign3A_70 : i1 to i32
      %sign3A_72 = arith.constant 0 : i32
      %sign3A_73 = arith.cmpi slt, %scan3A_67, %sign3A_72 : i32
      %sign3A_74 = arith.extui %sign3A_73 : i1 to i32
      %sign3A_75 = arith.subi %sign3A_71, %sign3A_74 : i32
      %sign3A_76 = arith.constant 0 : i32
      %sign3A_77 = arith.cmpi sgt, %jit3A_69, %sign3A_76 : i32
      %sign3A_78 = arith.extui %sign3A_77 : i1 to i32
      %sign3A_79 = arith.constant 0 : i32
      %sign3A_80 = arith.cmpi slt, %jit3A_69, %sign3A_79 : i32
      %sign3A_81 = arith.extui %sign3A_80 : i1 to i32
      %sign3A_82 = arith.subi %sign3A_78, %sign3A_81 : i32
      %ne3A = arith.cmpi ne, %sign3A_75, %sign3A_82 : i32
      %rem3A = arith.remsi %scan3A_67, %jit3A_69 : i32
      %ne3A_83 = arith.constant 0 : i32
      %ne3A_84 = arith.cmpi ne, %rem3A, %ne3A_83 : i32
      %and3A = arith.andi %ne3A, %ne3A_84 : i1
      %sub3A = arith.constant 1 : i32
      %sub3A_85 = arith.subi %div3A, %sub3A : i32
      %select_n3A_86 = arith.select %and3A, %sub3A_85, %div3A : i32
      %jit3A_87 = arith.constant 8 : i32
      %eq3A_88 = arith.constant 0 : i32
      %eq3A_89 = arith.cmpi eq, %jit3A_87, %eq3A_88 : i32
      %jit3A_90 = arith.constant 1 : i32
      %select_n3A_91 = arith.select %eq3A_89, %jit3A_90, %jit3A_87 : i32
      %rem3A_92 = arith.remsi %scan3A_67, %select_n3A_91 : i32
      %ne3A_93 = arith.constant 0 : i32
      %ne3A_94 = arith.cmpi ne, %rem3A_92, %ne3A_93 : i32
      %lt3A = arith.constant 0 : i32
      %lt3A_95 = arith.cmpi slt, %rem3A_92, %lt3A : i32
      %lt3A_96 = arith.constant 0 : i32
      %lt3A_97 = arith.cmpi slt, %select_n3A_91, %lt3A_96 : i32
      %ne3A_98 = arith.xori %lt3A_95, %lt3A_97 : i1
      %and3A_99 = arith.andi %ne3A_98, %ne3A_94 : i1
      %add3A_100 = arith.addi %rem3A_92, %select_n3A_91 : i32
      %select_n3A_101 = arith.select %and3A_99, %add3A_100, %rem3A_92 : i32
      %mul3A_102 = arith.constant 16 : i32
      %mul3A_103 = arith.muli %select_n3A_101, %mul3A_102 : i32
      %swap3A = arith.index_cast %select_n3A_86 : i32 to index
      %swap3A_104 = arith.index_cast %mul3A_103 : i32 to index
      %swap3A_105 = tpu.vector_load %arg6[%swap3A, %swap3A_104] {strides = array<i32>} : memref<16x128xf32, #tpu.memory_space<vmem>>, vector<1x16xf32>,
      %swap3A_106 = vector.shape_cast %swap3A_105 : vector<1x16xf32> to vector<16xf32>
      %swap3A_107 = vector.shape_cast %broadcast_in_dim3A_1 : vector<16xf32> to vector<1x16xf32>
      tpu.vector_store %arg6[%swap3A, %swap3A_104], %swap3A_107 {strides = array<i32>} : memref<16x128xf32, #tpu.memory_space<vmem>>, vector<1x16xf32>,
      %scan3A_108 = arith.constant 0 : i32
      scf.yield %scan3A_108 : i32
    }
    %scan3A_7 = arith.constant 128 : i32
    %broadcast_in_dim3A_8 = arith.constant 0.000000e+00 : f32
    %broadcast_in_dim3A_9 = vector.broadcast %broadcast_in_dim3A_8 : f32 to vector<16xf32>
    %scan3A_10 = arith.constant 0 : i32
    %scan3A_11 = arith.constant 0 : i32
    %scan3A_12 = arith.constant 1024 : i32
    %scan3A_13 = arith.addi %scan3A_11, %scan3A_12 : i32
    %scan3A_14 = arith.constant 1 : i32
    %scan3A_15 = scf.for %scan3A_67 = %scan3A_11 to %scan3A_13 step %scan3A_14 iter_args(%scan3A_68 = %scan3A_10) -> (i32)  : i32 {
      %jit3A_69 = arith.constant 8 : i32
      %div3A = arith.divsi %scan3A_67, %jit3A_69 : i32
      %sign3A = arith.constant 0 : i32
      %sign3A_70 = arith.cmpi sgt, %scan3A_67, %sign3A : i32
      %sign3A_71 = arith.extui %sign3A_70 : i1 to i32
      %sign3A_72 = arith.constant 0 : i32
      %sign3A_73 = arith.cmpi slt, %scan3A_67, %sign3A_72 : i32
      %sign3A_74 = arith.extui %sign3A_73 : i1 to i32
      %sign3A_75 = arith.subi %sign3A_71, %sign3A_74 : i32
      %sign3A_76 = arith.constant 0 : i32
      %sign3A_77 = arith.cmpi sgt, %jit3A_69, %sign3A_76 : i32
      %sign3A_78 = arith.extui %sign3A_77 : i1 to i32
      %sign3A_79 = arith.constant 0 : i32
      %sign3A_80 = arith.cmpi slt, %jit3A_69, %sign3A_79 : i32
      %sign3A_81 = arith.extui %sign3A_80 : i1 to i32
      %sign3A_82 = arith.subi %sign3A_78, %sign3A_81 : i32
      %ne3A = arith.cmpi ne, %sign3A_75, %sign3A_82 : i32
      %rem3A = arith.remsi %scan3A_67, %jit3A_69 : i32
      %ne3A_83 = arith.constant 0 : i32
      %ne3A_84 = arith.cmpi ne, %rem3A, %ne3A_83 : i32
      %and3A = arith.andi %ne3A, %ne3A_84 : i1
      %sub3A = arith.constant 1 : i32
      %sub3A_85 = arith.subi %div3A, %sub3A : i32
      %select_n3A_86 = arith.select %and3A, %sub3A_85, %div3A : i32
      %jit3A_87 = arith.constant 8 : i32
      %eq3A_88 = arith.constant 0 : i32
      %eq3A_89 = arith.cmpi eq, %jit3A_87, %eq3A_88 : i32
      %jit3A_90 = arith.constant 1 : i32
      %select_n3A_91 = arith.select %eq3A_89, %jit3A_90, %jit3A_87 : i32
      %rem3A_92 = arith.remsi %scan3A_67, %select_n3A_91 : i32
      %ne3A_93 = arith.constant 0 : i32
      %ne3A_94 = arith.cmpi ne, %rem3A_92, %ne3A_93 : i32
      %lt3A = arith.constant 0 : i32
      %lt3A_95 = arith.cmpi slt, %rem3A_92, %lt3A : i32
      %lt3A_96 = arith.constant 0 : i32
      %lt3A_97 = arith.cmpi slt, %select_n3A_91, %lt3A_96 : i32
      %ne3A_98 = arith.xori %lt3A_95, %lt3A_97 : i1
      %and3A_99 = arith.andi %ne3A_98, %ne3A_94 : i1
      %add3A_100 = arith.addi %rem3A_92, %select_n3A_91 : i32
      %select_n3A_101 = arith.select %and3A_99, %add3A_100, %rem3A_92 : i32
      %mul3A_102 = arith.constant 16 : i32
      %mul3A_103 = arith.muli %select_n3A_101, %mul3A_102 : i32
      %swap3A = arith.index_cast %select_n3A_86 : i32 to index
      %swap3A_104 = arith.index_cast %mul3A_103 : i32 to index
      %swap3A_105 = tpu.vector_load %arg5[%swap3A, %swap3A_104] {strides = array<i32>} : memref<128x128xf32, #tpu.memory_space<vmem>>, vector<1x16xf32>,
      %swap3A_106 = vector.shape_cast %swap3A_105 : vector<1x16xf32> to vector<16xf32>
      %swap3A_107 = vector.shape_cast %broadcast_in_dim3A_9 : vector<16xf32> to vector<1x16xf32>
      tpu.vector_store %arg5[%swap3A, %swap3A_104], %swap3A_107 {strides = array<i32>} : memref<128x128xf32, #tpu.memory_space<vmem>>, vector<1x16xf32>,
      %scan3A_108 = arith.constant 0 : i32
      scf.yield %scan3A_108 : i32
    }
    %scan3A_16 = arith.constant 1024 : i32
    %iota3A = tpu.iota {dimensions = array<i32: 0>} : vector<16xi32>
    %eq3A = arith.constant 0 : i32
    %eq3A_17 = vector.broadcast %eq3A : i32 to vector<16xi32>
    %eq3A_18 = arith.cmpi eq, %iota3A, %eq3A_17 : vector<16xi32>
    %jit3A = arith.constant 1.000000e+00 : f32
    %jit3A_19 = arith.constant 0.000000e+00 : f32
    %broadcast_in_dim3A_20 = vector.broadcast %jit3A : f32 to vector<16xf32>
    %broadcast_in_dim3A_21 = vector.broadcast %jit3A_19 : f32 to vector<16xf32>
    %select_n3A = arith.select %eq3A_18, %broadcast_in_dim3A_20, %broadcast_in_dim3A_21 : vector<16xi1>, vector<16xf32>
    %scan3A_22 = arith.constant 0 : i32
    %scan3A_23 = arith.constant 0 : i32
    %scan3A_24 = arith.constant 128 : i32
    %scan3A_25 = arith.addi %scan3A_23, %scan3A_24 : i32
    %scan3A_26 = arith.constant 1 : i32
    %scan3A_27 = scf.for %scan3A_67 = %scan3A_23 to %scan3A_25 step %scan3A_26 iter_args(%scan3A_68 = %scan3A_22) -> (i32)  : i32 {
      %swap3A = arith.index_cast %scan3A_67 : i32 to index
      %swap3A_69 = arith.constant 0 : index
      %swap3A_70 = tpu.vector_load %arg5[%swap3A, %swap3A_69] {strides = array<i32>} : memref<128x128xf32, #tpu.memory_space<vmem>>, vector<1x16xf32>,
      %swap3A_71 = vector.shape_cast %swap3A_70 : vector<1x16xf32> to vector<16xf32>
      %swap3A_72 = vector.shape_cast %select_n3A : vector<16xf32> to vector<1x16xf32>
      tpu.vector_store %arg5[%swap3A, %swap3A_69], %swap3A_72 {strides = array<i32>} : memref<128x128xf32, #tpu.memory_space<vmem>>, vector<1x16xf32>,
      %scan3A_73 = arith.constant 0 : i32
      scf.yield %scan3A_73 : i32
    }
    %scan3A_28 = arith.constant 128 : i32
    %mul3A_29 = arith.constant 640 : i32
    %mul3A_30 = arith.muli %arg1, %mul3A_29 : i32
    %scan3A_31 = arith.constant 0 : i32
    %scan3A_32 = arith.constant 0 : i32
    %scan3A_33 = arith.constant 40 : i32
    %scan3A_34 = arith.addi %scan3A_32, %scan3A_33 : i32
    %scan3A_35 = arith.constant 1 : i32
    %scan3A_36 = scf.for %scan3A_67 = %scan3A_32 to %scan3A_34 step %scan3A_35 iter_args(%scan3A_68 = %scan3A_31) -> (i32)  : i32 {
      %mul3A_69 = arith.constant 16 : i32
      %mul3A_70 = arith.muli %scan3A_67, %mul3A_69 : i32
      %add3A_71 = arith.addi %mul3A_30, %mul3A_70 : i32
      %dma_start3A = arith.constant 0 : i32
      %dma_start3A_72 = tpu.memref_slice %arg7[%add3A_71, %dma_start3A] : memref<10240x128xf32, #tpu.memory_space<vmem_shared>> -> memref<16x128xf32, #tpu.memory_space<vmem_shared>>
      %dma_start3A_73 = arith.constant 0 : i32
      %dma_start3A_74 = tpu.memref_slice %arg7[%add3A_71, %dma_start3A_73] : memref<10240x128xf32, #tpu.memory_space<vmem_shared>> -> memref<16x128xf32, #tpu.memory_space<vmem_shared>>
      tpu.enqueue_dma source(%arg6 : memref<16x128xf32, #tpu.memory_space<vmem>>) target(%dma_start3A_74 : memref<16x128xf32, #tpu.memory_space<vmem_shared>>) target_semaphore(%arg8 : memref<!tpu.dma_semaphore, #tpu.memory_space<semaphore_mem>>)
      %scan3A_75 = arith.constant 0 : i32
      scf.yield %scan3A_75 : i32
    }
    %scan3A_37 = arith.constant 40 : i32
    %scan3A_38 = arith.constant 0 : i32
    %scan3A_39 = arith.constant 0 : i32
    %scan3A_40 = arith.constant 40 : i32
    %scan3A_41 = arith.addi %scan3A_39, %scan3A_40 : i32
    %scan3A_42 = arith.constant 1 : i32
    %scan3A_43 = scf.for %scan3A_67 = %scan3A_39 to %scan3A_41 step %scan3A_42 iter_args(%scan3A_68 = %scan3A_38) -> (i32)  : i32 {
      %mul3A_69 = arith.constant 16 : i32
      %mul3A_70 = arith.muli %scan3A_67, %mul3A_69 : i32
      %add3A_71 = arith.addi %mul3A_30, %mul3A_70 : i32
      %dma_wait3A = arith.constant 0 : i32
      %dma_wait3A_72 = tpu.memref_slice %arg7[%add3A_71, %dma_wait3A] : memref<10240x128xf32, #tpu.memory_space<vmem_shared>> -> memref<16x128xf32, #tpu.memory_space<vmem_shared>>
      %dma_wait3A_73 = arith.constant 0 : i32
      %dma_wait3A_74 = tpu.memref_slice %arg7[%add3A_71, %dma_wait3A_73] : memref<10240x128xf32, #tpu.memory_space<vmem_shared>> -> memref<16x128xf32, #tpu.memory_space<vmem_shared>>
      tpu.wait_dma2 semaphore(%arg8 : memref<!tpu.dma_semaphore, #tpu.memory_space<semaphore_mem>>) src(%arg6 : memref<16x128xf32, #tpu.memory_space<vmem>>) dst(%dma_wait3A_74 : memref<16x128xf32, #tpu.memory_space<vmem_shared>>)
      %scan3A_75 = arith.constant 0 : i32
      scf.yield %scan3A_75 : i32
    }
    %scan3A_44 = arith.constant 40 : i32
    "tpu.region"() ({
      %run_scoped3A = tpu.sem_alloc : memref<!tpu.dma_semaphore, #tpu.memory_space<semaphore_mem>>
      %dma_start3A = arith.constant 0 : i32
      %dma_start3A_67 = arith.constant 0 : i32
      %dma_start3A_68 = tpu.memref_slice %arg2[%add3A, %dma_start3A, %dma_start3A_67] : memref<32x80x128xi32, #tpu.memory_space<hbm>> -> memref<1x80x128xi32, #tpu.memory_space<hbm>>
      %dma_start3A_69 = tpu.memref_squeeze %dma_start3A_68 : memref<1x80x128xi32, #tpu.memory_space<hbm>> -> memref<80x128xi32, #tpu.memory_space<hbm>>
      %dma_start3A_70 = arith.constant 0 : i32
      %dma_start3A_71 = arith.constant 0 : i32
      %dma_start3A_72 = tpu.memref_slice %arg2[%add3A, %dma_start3A_70, %dma_start3A_71] : memref<32x80x128xi32, #tpu.memory_space<hbm>> -> memref<1x80x128xi32, #tpu.memory_space<hbm>>
      %dma_start3A_73 = tpu.memref_squeeze %dma_start3A_72 : memref<1x80x128xi32, #tpu.memory_space<hbm>> -> memref<80x128xi32, #tpu.memory_space<hbm>>
      tpu.enqueue_dma source(%dma_start3A_73 : memref<80x128xi32, #tpu.memory_space<hbm>>) target(%arg4 : memref<80x128xi32, #tpu.memory_space<vmem>>) target_semaphore(%run_scoped3A : memref<!tpu.dma_semaphore, #tpu.memory_space<semaphore_mem>>)
      %dma_wait3A = arith.constant 0 : i32
      %dma_wait3A_74 = arith.constant 0 : i32
      %dma_wait3A_75 = tpu.memref_slice %arg2[%add3A, %dma_wait3A, %dma_wait3A_74] : memref<32x80x128xi32, #tpu.memory_space<hbm>> -> memref<1x80x128xi32, #tpu.memory_space<hbm>>
      %dma_wait3A_76 = tpu.memref_squeeze %dma_wait3A_75 : memref<1x80x128xi32, #tpu.memory_space<hbm>> -> memref<80x128xi32, #tpu.memory_space<hbm>>
      %dma_wait3A_77 = arith.constant 0 : i32
      %dma_wait3A_78 = arith.constant 0 : i32
      %dma_wait3A_79 = tpu.memref_slice %arg2[%add3A, %dma_wait3A_77, %dma_wait3A_78] : memref<32x80x128xi32, #tpu.memory_space<hbm>> -> memref<1x80x128xi32, #tpu.memory_space<hbm>>
      %dma_wait3A_80 = tpu.memref_squeeze %dma_wait3A_79 : memref<1x80x128xi32, #tpu.memory_space<hbm>> -> memref<80x128xi32, #tpu.memory_space<hbm>>
      tpu.wait_dma2 semaphore(%run_scoped3A : memref<!tpu.dma_semaphore, #tpu.memory_space<semaphore_mem>>) src(%dma_wait3A_80 : memref<80x128xi32, #tpu.memory_space<hbm>>) dst(%arg4 : memref<80x128xi32, #tpu.memory_space<vmem>>)
      tpu.yield
    }) : () -> ()
    %barrier3A = arith.constant 0 : index
    tpu.barrier barrier_id(%barrier3A)
    %scan3A_45 = arith.constant 0 : i32
    %scan3A_46 = arith.constant 0 : i32
    %scan3A_47 = arith.constant 79 : i32
    %scan3A_48 = arith.addi %scan3A_46, %scan3A_47 : i32
    %scan3A_49 = arith.constant 1 : i32
    %scan3A_50 = scf.for %scan3A_67 = %scan3A_46 to %scan3A_48 step %scan3A_49 iter_args(%scan3A_68 = %scan3A_45) -> (i32)  : i32 {
      "tpu.region"() ({
        %run_scoped3A = tpu.sem_alloc : memref<!tpu.dma_semaphore, #tpu.memory_space<semaphore_mem>>
        %dma_start3A = arith.constant 0 : i32
        %dma_start3A_70 = tpu.memref_slice %arg4[%scan3A_67, %dma_start3A] : memref<80x128xi32, #tpu.memory_space<vmem>> -> memref<1x128xi32, #tpu.memory_space<vmem>>
        %dma_start3A_71 = tpu.memref_squeeze %dma_start3A_70 : memref<1x128xi32, #tpu.memory_space<vmem>> -> memref<128xi32, #tpu.memory_space<vmem>>
        %dma_start3A_72 = arith.constant 0 : i32
        %dma_start3A_73 = arith.constant 0 : i32
        %dma_start3A_74 = tpu.memref_slice %arg7[%dma_start3A_72, %dma_start3A_73] : memref<10240x128xf32, #tpu.memory_space<vmem_shared>> -> memref<10240x128xf32, #tpu.memory_space<vmem_shared>>
        tpu.enqueue_indirect_dma source(%arg5 : memref<128x128xf32, #tpu.memory_space<vmem>>) target(%dma_start3A_74 : memref<10240x128xf32, #tpu.memory_space<vmem_shared>>) offsets(%dma_start3A_71 : memref<128xi32, #tpu.memory_space<vmem>>) semaphore(%run_scoped3A : memref<!tpu.dma_semaphore, #tpu.memory_space<semaphore_mem>>) {add = true}
        %dma_wait3A = arith.constant 0 : i32
        %dma_wait3A_75 = tpu.memref_slice %arg4[%scan3A_67, %dma_wait3A] : memref<80x128xi32, #tpu.memory_space<vmem>> -> memref<1x128xi32, #tpu.memory_space<vmem>>
        %dma_wait3A_76 = tpu.memref_squeeze %dma_wait3A_75 : memref<1x128xi32, #tpu.memory_space<vmem>> -> memref<128xi32, #tpu.memory_space<vmem>>
        %dma_wait3A_77 = arith.constant 0 : i32
        %dma_wait3A_78 = arith.constant 0 : i32
        %dma_wait3A_79 = tpu.memref_slice %arg7[%dma_wait3A_77, %dma_wait3A_78] : memref<10240x128xf32, #tpu.memory_space<vmem_shared>> -> memref<10240x128xf32, #tpu.memory_space<vmem_shared>>
        tpu.wait_indirect_dma semaphore(%run_scoped3A : memref<!tpu.dma_semaphore, #tpu.memory_space<semaphore_mem>>) src(%arg5 : memref<128x128xf32, #tpu.memory_space<vmem>>) dst(%dma_wait3A_79 : memref<10240x128xf32, #tpu.memory_space<vmem_shared>>)
        tpu.yield
      }) : () -> ()
      %scan3A_69 = arith.constant 0 : i32
      scf.yield %scan3A_69 : i32
    }
    %scan3A_51 = arith.constant 79 : i32
    %barrier3A_52 = arith.constant 0 : index
    tpu.barrier barrier_id(%barrier3A_52)
    %scan3A_53 = arith.constant 0 : i32
    %scan3A_54 = arith.constant 0 : i32
    %scan3A_55 = arith.constant 8 : i32
    %scan3A_56 = arith.addi %scan3A_54, %scan3A_55 : i32
    %scan3A_57 = arith.constant 1 : i32
    %scan3A_58 = scf.for %scan3A_67 = %scan3A_54 to %scan3A_56 step %scan3A_57 iter_args(%scan3A_68 = %scan3A_53) -> (i32)  : i32 {
      %mul3A_69 = arith.constant 16 : i32
      %mul3A_70 = arith.muli %scan3A_67, %mul3A_69 : i32
      %add3A_71 = arith.addi %mul3A_70, %arg1 : i32
      %lt3A = arith.constant 125 : i32
      %lt3A_72 = arith.cmpi slt, %add3A_71, %lt3A : i32
      %convert_element_type3A = arith.extui %lt3A_72 : i1 to i32
      %cond3A = arith.constant 0 : i32
      %cond3A_73 = arith.cmpi ne, %convert_element_type3A, %cond3A : i32
      scf.if %cond3A_73 {
        %mul3A_75 = arith.constant 80 : i32
        %mul3A_76 = arith.muli %add3A_71, %mul3A_75 : i32
        %mul3A_77 = arith.constant 80 : i32
        %mul3A_78 = arith.muli %add3A_71, %mul3A_77 : i32
        %dma_start3A = arith.constant 0 : i32
        %dma_start3A_79 = tpu.memref_slice %arg3[%arg0, %mul3A_78, %dma_start3A] : memref<2x10000x128xf32, #tpu.memory_space<hbm>> -> memref<1x80x128xf32, #tpu.memory_space<hbm>>
        %dma_start3A_80 = tpu.memref_squeeze %dma_start3A_79 : memref<1x80x128xf32, #tpu.memory_space<hbm>> -> memref<80x128xf32, #tpu.memory_space<hbm>>
        %dma_start3A_81 = arith.constant 0 : i32
        %dma_start3A_82 = tpu.memref_slice %arg7[%mul3A_76, %dma_start3A_81] : memref<10240x128xf32, #tpu.memory_space<vmem_shared>> -> memref<80x128xf32, #tpu.memory_space<vmem_shared>>
        tpu.enqueue_dma source(%dma_start3A_82 : memref<80x128xf32, #tpu.memory_space<vmem_shared>>) target(%dma_start3A_80 : memref<80x128xf32, #tpu.memory_space<hbm>>) target_semaphore(%arg8 : memref<!tpu.dma_semaphore, #tpu.memory_space<semaphore_mem>>)
      } else {
      }
      %scan3A_74 = arith.constant 0 : i32
      scf.yield %scan3A_74 : i32
    }
    %scan3A_59 = arith.constant 8 : i32
    %scan3A_60 = arith.constant 0 : i32
    %scan3A_61 = arith.constant 0 : i32
    %scan3A_62 = arith.constant 8 : i32
    %scan3A_63 = arith.addi %scan3A_61, %scan3A_62 : i32
    %scan3A_64 = arith.constant 1 : i32
    %scan3A_65 = scf.for %scan3A_67 = %scan3A_61 to %scan3A_63 step %scan3A_64 iter_args(%scan3A_68 = %scan3A_60) -> (i32)  : i32 {
      %mul3A_69 = arith.constant 16 : i32
      %mul3A_70 = arith.muli %scan3A_67, %mul3A_69 : i32
      %add3A_71 = arith.addi %mul3A_70, %arg1 : i32
      %lt3A = arith.constant 125 : i32
      %lt3A_72 = arith.cmpi slt, %add3A_71, %lt3A : i32
      %convert_element_type3A = arith.extui %lt3A_72 : i1 to i32
      %cond3A = arith.constant 0 : i32
      %cond3A_73 = arith.cmpi ne, %convert_element_type3A, %cond3A : i32
      scf.if %cond3A_73 {
        %mul3A_75 = arith.constant 80 : i32
        %mul3A_76 = arith.muli %add3A_71, %mul3A_75 : i32
        %mul3A_77 = arith.constant 80 : i32
        %mul3A_78 = arith.muli %add3A_71, %mul3A_77 : i32
        %dma_wait3A = arith.constant 0 : i32
        %dma_wait3A_79 = tpu.memref_slice %arg3[%arg0, %mul3A_78, %dma_wait3A] : memref<2x10000x128xf32, #tpu.memory_space<hbm>> -> memref<1x80x128xf32, #tpu.memory_space<hbm>>
        %dma_wait3A_80 = tpu.memref_squeeze %dma_wait3A_79 : memref<1x80x128xf32, #tpu.memory_space<hbm>> -> memref<80x128xf32, #tpu.memory_space<hbm>>
        %dma_wait3A_81 = arith.constant 0 : i32
        %dma_wait3A_82 = tpu.memref_slice %arg7[%mul3A_76, %dma_wait3A_81] : memref<10240x128xf32, #tpu.memory_space<vmem_shared>> -> memref<80x128xf32, #tpu.memory_space<vmem_shared>>
        tpu.wait_dma2 semaphore(%arg8 : memref<!tpu.dma_semaphore, #tpu.memory_space<semaphore_mem>>) src(%dma_wait3A_82 : memref<80x128xf32, #tpu.memory_space<vmem_shared>>) dst(%dma_wait3A_80 : memref<80x128xf32, #tpu.memory_space<hbm>>)
      } else {
      }
      %scan3A_74 = arith.constant 0 : i32
      scf.yield %scan3A_74 : i32
    }
    %scan3A_66 = arith.constant 8 : i32
    return
  }
}

#map = affine_map<(d0, d1) -> (0, 0)>
#map1 = affine_map<(d0, d1) -> (0, 0, 0)>
module attributes {stable_mosaic.version = 14 : i64} {
  func.func @_sc_agg(%arg0: i32, %arg1: i32, %arg2: memref<10000x128xf32, #tpu.memory_space<hbm>>, %arg3: memref<32x80x128xi32, #tpu.memory_space<hbm>>, %arg4: memref<32x80x128xi32, #tpu.memory_space<hbm>>, %arg5: memref<2x10000x128xf32, #tpu.memory_space<hbm>>, %arg6: memref<2x16x128xi32, #tpu.memory_space<vmem>>, %arg7: memref<2x16x128xi32, #tpu.memory_space<vmem>>, %arg8: memref<2x128x128xf32, #tpu.memory_space<vmem>>, %arg9: memref<16x128xf32, #tpu.memory_space<vmem>>, %arg10: memref<10240x128xf32, #tpu.memory_space<vmem_shared>>, %arg11: memref<!tpu.dma_semaphore, #tpu.memory_space<semaphore_mem>>, %arg12: memref<!tpu.dma_semaphore, #tpu.memory_space<semaphore_mem>>) attributes {dimension_semantics = [#tpu.dimension_semantics<core_parallel>, #tpu.dimension_semantics<subcore_parallel>], iteration_bounds = array<i64: 2, 16>, scalar_prefetch = 0 : i64, scratch_operands = 7 : i64, tpu.core_type = #tpu.core_type<sc_vector_subcore>, window_params = [{transform_indices = #map}, {transform_indices = #map1}, {transform_indices = #map1}, {transform_indices = #map1}]} {
    %mul3A = arith.constant 2 : i32
    %mul3A_0 = arith.muli %arg1, %mul3A : i32
    %add3A = arith.addi %mul3A_0, %arg0 : i32
    %broadcast_in_dim3A = arith.constant 0.000000e+00 : f32
    %broadcast_in_dim3A_1 = vector.broadcast %broadcast_in_dim3A : f32 to vector<16xf32>
    %scan3A = arith.constant 0 : i32
    %scan3A_2 = arith.constant 0 : i32
    %scan3A_3 = arith.constant 128 : i32
    %scan3A_4 = arith.addi %scan3A_2, %scan3A_3 : i32
    %scan3A_5 = arith.constant 1 : i32
    %scan3A_6 = scf.for %scan3A_76 = %scan3A_2 to %scan3A_4 step %scan3A_5 iter_args(%scan3A_77 = %scan3A) -> (i32)  : i32 {
      %jit3A = arith.constant 8 : i32
      %div3A = arith.divsi %scan3A_76, %jit3A : i32
      %sign3A = arith.constant 0 : i32
      %sign3A_78 = arith.cmpi sgt, %scan3A_76, %sign3A : i32
      %sign3A_79 = arith.extui %sign3A_78 : i1 to i32
      %sign3A_80 = arith.constant 0 : i32
      %sign3A_81 = arith.cmpi slt, %scan3A_76, %sign3A_80 : i32
      %sign3A_82 = arith.extui %sign3A_81 : i1 to i32
      %sign3A_83 = arith.subi %sign3A_79, %sign3A_82 : i32
      %sign3A_84 = arith.constant 0 : i32
      %sign3A_85 = arith.cmpi sgt, %jit3A, %sign3A_84 : i32
      %sign3A_86 = arith.extui %sign3A_85 : i1 to i32
      %sign3A_87 = arith.constant 0 : i32
      %sign3A_88 = arith.cmpi slt, %jit3A, %sign3A_87 : i32
      %sign3A_89 = arith.extui %sign3A_88 : i1 to i32
      %sign3A_90 = arith.subi %sign3A_86, %sign3A_89 : i32
      %ne3A = arith.cmpi ne, %sign3A_83, %sign3A_90 : i32
      %rem3A_91 = arith.remsi %scan3A_76, %jit3A : i32
      %ne3A_92 = arith.constant 0 : i32
      %ne3A_93 = arith.cmpi ne, %rem3A_91, %ne3A_92 : i32
      %and3A = arith.andi %ne3A, %ne3A_93 : i1
      %sub3A = arith.constant 1 : i32
      %sub3A_94 = arith.subi %div3A, %sub3A : i32
      %select_n3A = arith.select %and3A, %sub3A_94, %div3A : i32
      %jit3A_95 = arith.constant 8 : i32
      %eq3A = arith.constant 0 : i32
      %eq3A_96 = arith.cmpi eq, %jit3A_95, %eq3A : i32
      %jit3A_97 = arith.constant 1 : i32
      %select_n3A_98 = arith.select %eq3A_96, %jit3A_97, %jit3A_95 : i32
      %rem3A_99 = arith.remsi %scan3A_76, %select_n3A_98 : i32
      %ne3A_100 = arith.constant 0 : i32
      %ne3A_101 = arith.cmpi ne, %rem3A_99, %ne3A_100 : i32
      %lt3A = arith.constant 0 : i32
      %lt3A_102 = arith.cmpi slt, %rem3A_99, %lt3A : i32
      %lt3A_103 = arith.constant 0 : i32
      %lt3A_104 = arith.cmpi slt, %select_n3A_98, %lt3A_103 : i32
      %ne3A_105 = arith.xori %lt3A_102, %lt3A_104 : i1
      %and3A_106 = arith.andi %ne3A_105, %ne3A_101 : i1
      %add3A_107 = arith.addi %rem3A_99, %select_n3A_98 : i32
      %select_n3A_108 = arith.select %and3A_106, %add3A_107, %rem3A_99 : i32
      %mul3A_109 = arith.constant 16 : i32
      %mul3A_110 = arith.muli %select_n3A_108, %mul3A_109 : i32
      %swap3A = arith.index_cast %select_n3A : i32 to index
      %swap3A_111 = arith.index_cast %mul3A_110 : i32 to index
      %swap3A_112 = tpu.vector_load %arg9[%swap3A, %swap3A_111] {strides = array<i32>} : memref<16x128xf32, #tpu.memory_space<vmem>>, vector<1x16xf32>,
      %swap3A_113 = vector.shape_cast %swap3A_112 : vector<1x16xf32> to vector<16xf32>
      %swap3A_114 = vector.shape_cast %broadcast_in_dim3A_1 : vector<16xf32> to vector<1x16xf32>
      tpu.vector_store %arg9[%swap3A, %swap3A_111], %swap3A_114 {strides = array<i32>} : memref<16x128xf32, #tpu.memory_space<vmem>>, vector<1x16xf32>,
      %scan3A_115 = arith.constant 0 : i32
      scf.yield %scan3A_115 : i32
    }
    %scan3A_7 = arith.constant 128 : i32
    %mul3A_8 = arith.constant 640 : i32
    %mul3A_9 = arith.muli %arg1, %mul3A_8 : i32
    %scan3A_10 = arith.constant 0 : i32
    %scan3A_11 = arith.constant 0 : i32
    %scan3A_12 = arith.constant 40 : i32
    %scan3A_13 = arith.addi %scan3A_11, %scan3A_12 : i32
    %scan3A_14 = arith.constant 1 : i32
    %scan3A_15 = scf.for %scan3A_76 = %scan3A_11 to %scan3A_13 step %scan3A_14 iter_args(%scan3A_77 = %scan3A_10) -> (i32)  : i32 {
      %mul3A_78 = arith.constant 16 : i32
      %mul3A_79 = arith.muli %scan3A_76, %mul3A_78 : i32
      %add3A_80 = arith.addi %mul3A_9, %mul3A_79 : i32
      %dma_start3A_81 = arith.constant 0 : i32
      %dma_start3A_82 = tpu.memref_slice %arg10[%add3A_80, %dma_start3A_81] : memref<10240x128xf32, #tpu.memory_space<vmem_shared>> -> memref<16x128xf32, #tpu.memory_space<vmem_shared>>
      %dma_start3A_83 = arith.constant 0 : i32
      %dma_start3A_84 = tpu.memref_slice %arg10[%add3A_80, %dma_start3A_83] : memref<10240x128xf32, #tpu.memory_space<vmem_shared>> -> memref<16x128xf32, #tpu.memory_space<vmem_shared>>
      tpu.enqueue_dma source(%arg9 : memref<16x128xf32, #tpu.memory_space<vmem>>) target(%dma_start3A_84 : memref<16x128xf32, #tpu.memory_space<vmem_shared>>) target_semaphore(%arg11 : memref<!tpu.dma_semaphore, #tpu.memory_space<semaphore_mem>>)
      %scan3A_85 = arith.constant 0 : i32
      scf.yield %scan3A_85 : i32
    }
    %scan3A_16 = arith.constant 40 : i32
    %scan3A_17 = arith.constant 0 : i32
    %scan3A_18 = arith.constant 0 : i32
    %scan3A_19 = arith.constant 40 : i32
    %scan3A_20 = arith.addi %scan3A_18, %scan3A_19 : i32
    %scan3A_21 = arith.constant 1 : i32
    %scan3A_22 = scf.for %scan3A_76 = %scan3A_18 to %scan3A_20 step %scan3A_21 iter_args(%scan3A_77 = %scan3A_17) -> (i32)  : i32 {
      %mul3A_78 = arith.constant 16 : i32
      %mul3A_79 = arith.muli %scan3A_76, %mul3A_78 : i32
      %add3A_80 = arith.addi %mul3A_9, %mul3A_79 : i32
      %dma_wait3A_81 = arith.constant 0 : i32
      %dma_wait3A_82 = tpu.memref_slice %arg10[%add3A_80, %dma_wait3A_81] : memref<10240x128xf32, #tpu.memory_space<vmem_shared>> -> memref<16x128xf32, #tpu.memory_space<vmem_shared>>
      %dma_wait3A_83 = arith.constant 0 : i32
      %dma_wait3A_84 = tpu.memref_slice %arg10[%add3A_80, %dma_wait3A_83] : memref<10240x128xf32, #tpu.memory_space<vmem_shared>> -> memref<16x128xf32, #tpu.memory_space<vmem_shared>>
      tpu.wait_dma2 semaphore(%arg11 : memref<!tpu.dma_semaphore, #tpu.memory_space<semaphore_mem>>) src(%arg9 : memref<16x128xf32, #tpu.memory_space<vmem>>) dst(%dma_wait3A_84 : memref<16x128xf32, #tpu.memory_space<vmem_shared>>)
      %scan3A_85 = arith.constant 0 : i32
      scf.yield %scan3A_85 : i32
    }
    %scan3A_23 = arith.constant 40 : i32
    %run_scoped3A = arith.constant 0 : i32
    "tpu.region"() ({
      %run_scoped3A_76 = tpu.sem_alloc : memref<!tpu.dma_semaphore, #tpu.memory_space<semaphore_mem>>
      %dma_start3A_77 = arith.constant 0 : i32
      %dma_start3A_78 = arith.constant 0 : i32
      %dma_start3A_79 = tpu.memref_slice %arg6[%run_scoped3A, %dma_start3A_77, %dma_start3A_78] : memref<2x16x128xi32, #tpu.memory_space<vmem>> -> memref<1x16x128xi32, #tpu.memory_space<vmem>>
      %dma_start3A_80 = tpu.memref_squeeze %dma_start3A_79 : memref<1x16x128xi32, #tpu.memory_space<vmem>> -> memref<16x128xi32, #tpu.memory_space<vmem>>
      %dma_start3A_81 = arith.constant 0 : i32
      %dma_start3A_82 = arith.constant 0 : i32
      %dma_start3A_83 = tpu.memref_slice %arg3[%add3A, %dma_start3A_81, %dma_start3A_82] : memref<32x80x128xi32, #tpu.memory_space<hbm>> -> memref<1x16x128xi32, #tpu.memory_space<hbm>>
      %dma_start3A_84 = tpu.memref_squeeze %dma_start3A_83 : memref<1x16x128xi32, #tpu.memory_space<hbm>> -> memref<16x128xi32, #tpu.memory_space<hbm>>
      %dma_start3A_85 = arith.constant 0 : i32
      %dma_start3A_86 = arith.constant 0 : i32
      %dma_start3A_87 = tpu.memref_slice %arg6[%run_scoped3A, %dma_start3A_85, %dma_start3A_86] : memref<2x16x128xi32, #tpu.memory_space<vmem>> -> memref<1x16x128xi32, #tpu.memory_space<vmem>>
      %dma_start3A_88 = tpu.memref_squeeze %dma_start3A_87 : memref<1x16x128xi32, #tpu.memory_space<vmem>> -> memref<16x128xi32, #tpu.memory_space<vmem>>
      %dma_start3A_89 = arith.constant 0 : i32
      %dma_start3A_90 = arith.constant 0 : i32
      %dma_start3A_91 = tpu.memref_slice %arg3[%add3A, %dma_start3A_89, %dma_start3A_90] : memref<32x80x128xi32, #tpu.memory_space<hbm>> -> memref<1x16x128xi32, #tpu.memory_space<hbm>>
      %dma_start3A_92 = tpu.memref_squeeze %dma_start3A_91 : memref<1x16x128xi32, #tpu.memory_space<hbm>> -> memref<16x128xi32, #tpu.memory_space<hbm>>
      tpu.enqueue_dma source(%dma_start3A_92 : memref<16x128xi32, #tpu.memory_space<hbm>>) target(%dma_start3A_88 : memref<16x128xi32, #tpu.memory_space<vmem>>) target_semaphore(%run_scoped3A_76 : memref<!tpu.dma_semaphore, #tpu.memory_space<semaphore_mem>>)
      %dma_wait3A_93 = arith.constant 0 : i32
      %dma_wait3A_94 = arith.constant 0 : i32
      %dma_wait3A_95 = tpu.memref_slice %arg6[%run_scoped3A, %dma_wait3A_93, %dma_wait3A_94] : memref<2x16x128xi32, #tpu.memory_space<vmem>> -> memref<1x16x128xi32, #tpu.memory_space<vmem>>
      %dma_wait3A_96 = tpu.memref_squeeze %dma_wait3A_95 : memref<1x16x128xi32, #tpu.memory_space<vmem>> -> memref<16x128xi32, #tpu.memory_space<vmem>>
      %dma_wait3A_97 = arith.constant 0 : i32
      %dma_wait3A_98 = arith.constant 0 : i32
      %dma_wait3A_99 = tpu.memref_slice %arg3[%add3A, %dma_wait3A_97, %dma_wait3A_98] : memref<32x80x128xi32, #tpu.memory_space<hbm>> -> memref<1x16x128xi32, #tpu.memory_space<hbm>>
      %dma_wait3A_100 = tpu.memref_squeeze %dma_wait3A_99 : memref<1x16x128xi32, #tpu.memory_space<hbm>> -> memref<16x128xi32, #tpu.memory_space<hbm>>
      %dma_wait3A_101 = arith.constant 0 : i32
      %dma_wait3A_102 = arith.constant 0 : i32
      %dma_wait3A_103 = tpu.memref_slice %arg6[%run_scoped3A, %dma_wait3A_101, %dma_wait3A_102] : memref<2x16x128xi32, #tpu.memory_space<vmem>> -> memref<1x16x128xi32, #tpu.memory_space<vmem>>
      %dma_wait3A_104 = tpu.memref_squeeze %dma_wait3A_103 : memref<1x16x128xi32, #tpu.memory_space<vmem>> -> memref<16x128xi32, #tpu.memory_space<vmem>>
      %dma_wait3A_105 = arith.constant 0 : i32
      %dma_wait3A_106 = arith.constant 0 : i32
      %dma_wait3A_107 = tpu.memref_slice %arg3[%add3A, %dma_wait3A_105, %dma_wait3A_106] : memref<32x80x128xi32, #tpu.memory_space<hbm>> -> memref<1x16x128xi32, #tpu.memory_space<hbm>>
      %dma_wait3A_108 = tpu.memref_squeeze %dma_wait3A_107 : memref<1x16x128xi32, #tpu.memory_space<hbm>> -> memref<16x128xi32, #tpu.memory_space<hbm>>
      tpu.wait_dma2 semaphore(%run_scoped3A_76 : memref<!tpu.dma_semaphore, #tpu.memory_space<semaphore_mem>>) src(%dma_wait3A_108 : memref<16x128xi32, #tpu.memory_space<hbm>>) dst(%dma_wait3A_104 : memref<16x128xi32, #tpu.memory_space<vmem>>)
      tpu.yield
    }) : () -> ()
    %run_scoped3A_24 = arith.constant 0 : i32
    "tpu.region"() ({
      %run_scoped3A_76 = tpu.sem_alloc : memref<!tpu.dma_semaphore, #tpu.memory_space<semaphore_mem>>
      %dma_start3A_77 = arith.constant 0 : i32
      %dma_start3A_78 = arith.constant 0 : i32
      %dma_start3A_79 = tpu.memref_slice %arg7[%run_scoped3A_24, %dma_start3A_77, %dma_start3A_78] : memref<2x16x128xi32, #tpu.memory_space<vmem>> -> memref<1x16x128xi32, #tpu.memory_space<vmem>>
      %dma_start3A_80 = tpu.memref_squeeze %dma_start3A_79 : memref<1x16x128xi32, #tpu.memory_space<vmem>> -> memref<16x128xi32, #tpu.memory_space<vmem>>
      %dma_start3A_81 = arith.constant 0 : i32
      %dma_start3A_82 = arith.constant 0 : i32
      %dma_start3A_83 = tpu.memref_slice %arg4[%add3A, %dma_start3A_81, %dma_start3A_82] : memref<32x80x128xi32, #tpu.memory_space<hbm>> -> memref<1x16x128xi32, #tpu.memory_space<hbm>>
      %dma_start3A_84 = tpu.memref_squeeze %dma_start3A_83 : memref<1x16x128xi32, #tpu.memory_space<hbm>> -> memref<16x128xi32, #tpu.memory_space<hbm>>
      %dma_start3A_85 = arith.constant 0 : i32
      %dma_start3A_86 = arith.constant 0 : i32
      %dma_start3A_87 = tpu.memref_slice %arg7[%run_scoped3A_24, %dma_start3A_85, %dma_start3A_86] : memref<2x16x128xi32, #tpu.memory_space<vmem>> -> memref<1x16x128xi32, #tpu.memory_space<vmem>>
      %dma_start3A_88 = tpu.memref_squeeze %dma_start3A_87 : memref<1x16x128xi32, #tpu.memory_space<vmem>> -> memref<16x128xi32, #tpu.memory_space<vmem>>
      %dma_start3A_89 = arith.constant 0 : i32
      %dma_start3A_90 = arith.constant 0 : i32
      %dma_start3A_91 = tpu.memref_slice %arg4[%add3A, %dma_start3A_89, %dma_start3A_90] : memref<32x80x128xi32, #tpu.memory_space<hbm>> -> memref<1x16x128xi32, #tpu.memory_space<hbm>>
      %dma_start3A_92 = tpu.memref_squeeze %dma_start3A_91 : memref<1x16x128xi32, #tpu.memory_space<hbm>> -> memref<16x128xi32, #tpu.memory_space<hbm>>
      tpu.enqueue_dma source(%dma_start3A_92 : memref<16x128xi32, #tpu.memory_space<hbm>>) target(%dma_start3A_88 : memref<16x128xi32, #tpu.memory_space<vmem>>) target_semaphore(%run_scoped3A_76 : memref<!tpu.dma_semaphore, #tpu.memory_space<semaphore_mem>>)
      %dma_wait3A_93 = arith.constant 0 : i32
      %dma_wait3A_94 = arith.constant 0 : i32
      %dma_wait3A_95 = tpu.memref_slice %arg7[%run_scoped3A_24, %dma_wait3A_93, %dma_wait3A_94] : memref<2x16x128xi32, #tpu.memory_space<vmem>> -> memref<1x16x128xi32, #tpu.memory_space<vmem>>
      %dma_wait3A_96 = tpu.memref_squeeze %dma_wait3A_95 : memref<1x16x128xi32, #tpu.memory_space<vmem>> -> memref<16x128xi32, #tpu.memory_space<vmem>>
      %dma_wait3A_97 = arith.constant 0 : i32
      %dma_wait3A_98 = arith.constant 0 : i32
      %dma_wait3A_99 = tpu.memref_slice %arg4[%add3A, %dma_wait3A_97, %dma_wait3A_98] : memref<32x80x128xi32, #tpu.memory_space<hbm>> -> memref<1x16x128xi32, #tpu.memory_space<hbm>>
      %dma_wait3A_100 = tpu.memref_squeeze %dma_wait3A_99 : memref<1x16x128xi32, #tpu.memory_space<hbm>> -> memref<16x128xi32, #tpu.memory_space<hbm>>
      %dma_wait3A_101 = arith.constant 0 : i32
      %dma_wait3A_102 = arith.constant 0 : i32
      %dma_wait3A_103 = tpu.memref_slice %arg7[%run_scoped3A_24, %dma_wait3A_101, %dma_wait3A_102] : memref<2x16x128xi32, #tpu.memory_space<vmem>> -> memref<1x16x128xi32, #tpu.memory_space<vmem>>
      %dma_wait3A_104 = tpu.memref_squeeze %dma_wait3A_103 : memref<1x16x128xi32, #tpu.memory_space<vmem>> -> memref<16x128xi32, #tpu.memory_space<vmem>>
      %dma_wait3A_105 = arith.constant 0 : i32
      %dma_wait3A_106 = arith.constant 0 : i32
      %dma_wait3A_107 = tpu.memref_slice %arg4[%add3A, %dma_wait3A_105, %dma_wait3A_106] : memref<32x80x128xi32, #tpu.memory_space<hbm>> -> memref<1x16x128xi32, #tpu.memory_space<hbm>>
      %dma_wait3A_108 = tpu.memref_squeeze %dma_wait3A_107 : memref<1x16x128xi32, #tpu.memory_space<hbm>> -> memref<16x128xi32, #tpu.memory_space<hbm>>
      tpu.wait_dma2 semaphore(%run_scoped3A_76 : memref<!tpu.dma_semaphore, #tpu.memory_space<semaphore_mem>>) src(%dma_wait3A_108 : memref<16x128xi32, #tpu.memory_space<hbm>>) dst(%dma_wait3A_104 : memref<16x128xi32, #tpu.memory_space<vmem>>)
      tpu.yield
    }) : () -> ()
    %barrier3A = arith.constant 0 : index
    tpu.barrier barrier_id(%barrier3A)
    %dma_start3A = arith.constant 0 : i32
    %dma_start3A_25 = arith.constant 0 : i32
    %dma_start3A_26 = arith.constant 0 : i32
    %dma_start3A_27 = arith.constant 0 : i32
    %dma_start3A_28 = arith.constant 0 : i32
    %dma_start3A_29 = tpu.memref_slice %arg8[%dma_start3A_26, %dma_start3A_27, %dma_start3A_28] : memref<2x128x128xf32, #tpu.memory_space<vmem>> -> memref<1x128x128xf32, #tpu.memory_space<vmem>>
    %dma_start3A_30 = tpu.memref_squeeze %dma_start3A_29 : memref<1x128x128xf32, #tpu.memory_space<vmem>> -> memref<128x128xf32, #tpu.memory_space<vmem>>
    %dma_start3A_31 = arith.constant 0 : i32
    %dma_start3A_32 = tpu.memref_slice %arg6[%dma_start3A, %dma_start3A_25, %dma_start3A_31] : memref<2x16x128xi32, #tpu.memory_space<vmem>> -> memref<1x1x128xi32, #tpu.memory_space<vmem>>
    %dma_start3A_33 = tpu.memref_squeeze %dma_start3A_32 : memref<1x1x128xi32, #tpu.memory_space<vmem>> -> memref<128xi32, #tpu.memory_space<vmem>>
    %dma_start3A_34 = arith.constant 0 : i32
    %dma_start3A_35 = arith.constant 0 : i32
    %dma_start3A_36 = tpu.memref_slice %arg2[%dma_start3A_34, %dma_start3A_35] : memref<10000x128xf32, #tpu.memory_space<hbm>> -> memref<10000x128xf32, #tpu.memory_space<hbm>>
    tpu.enqueue_indirect_dma source(%dma_start3A_36 : memref<10000x128xf32, #tpu.memory_space<hbm>>) target(%dma_start3A_30 : memref<128x128xf32, #tpu.memory_space<vmem>>) offsets(%dma_start3A_33 : memref<128xi32, #tpu.memory_space<vmem>>) semaphore(%arg11 : memref<!tpu.dma_semaphore, #tpu.memory_space<semaphore_mem>>)
    %scan3A_37 = arith.constant 0 : i32
    %scan3A_38 = arith.constant 0 : i32
    %scan3A_39 = arith.constant 79 : i32
    %scan3A_40 = arith.addi %scan3A_38, %scan3A_39 : i32
    %scan3A_41 = arith.constant 1 : i32
    %scan3A_42 = scf.for %scan3A_76 = %scan3A_38 to %scan3A_40 step %scan3A_41 iter_args(%scan3A_77 = %scan3A_37) -> (i32)  : i32 {
      %jit3A = arith.constant 16 : i32
      %div3A = arith.divsi %scan3A_76, %jit3A : i32
      %sign3A = arith.constant 0 : i32
      %sign3A_78 = arith.cmpi sgt, %scan3A_76, %sign3A : i32
      %sign3A_79 = arith.extui %sign3A_78 : i1 to i32
      %sign3A_80 = arith.constant 0 : i32
      %sign3A_81 = arith.cmpi slt, %scan3A_76, %sign3A_80 : i32
      %sign3A_82 = arith.extui %sign3A_81 : i1 to i32
      %sign3A_83 = arith.subi %sign3A_79, %sign3A_82 : i32
      %sign3A_84 = arith.constant 0 : i32
      %sign3A_85 = arith.cmpi sgt, %jit3A, %sign3A_84 : i32
      %sign3A_86 = arith.extui %sign3A_85 : i1 to i32
      %sign3A_87 = arith.constant 0 : i32
      %sign3A_88 = arith.cmpi slt, %jit3A, %sign3A_87 : i32
      %sign3A_89 = arith.extui %sign3A_88 : i1 to i32
      %sign3A_90 = arith.subi %sign3A_86, %sign3A_89 : i32
      %ne3A = arith.cmpi ne, %sign3A_83, %sign3A_90 : i32
      %rem3A_91 = arith.remsi %scan3A_76, %jit3A : i32
      %ne3A_92 = arith.constant 0 : i32
      %ne3A_93 = arith.cmpi ne, %rem3A_91, %ne3A_92 : i32
      %and3A = arith.andi %ne3A, %ne3A_93 : i1
      %sub3A = arith.constant 1 : i32
      %sub3A_94 = arith.subi %div3A, %sub3A : i32
      %select_n3A = arith.select %and3A, %sub3A_94, %div3A : i32
      %rem3A_95 = arith.constant 16 : i32
      %rem3A_96 = arith.remsi %scan3A_76, %rem3A_95 : i32
      %rem3A_97 = arith.constant 2 : i32
      %rem3A_98 = arith.remsi %select_n3A, %rem3A_97 : i32
      %rem3A_99 = arith.constant 2 : i32
      %rem3A_100 = arith.remsi %scan3A_76, %rem3A_99 : i32
      %eq3A = arith.constant 0 : i32
      %eq3A_101 = arith.cmpi eq, %rem3A_96, %eq3A : i32
      %lt3A = arith.constant 4 : i32
      %lt3A_102 = arith.cmpi slt, %select_n3A, %lt3A : i32
      %and3A_103 = arith.andi %eq3A_101, %lt3A_102 : i1
      %convert_element_type3A = arith.extui %and3A_103 : i1 to i32
      %cond3A = arith.constant 0 : i32
      %cond3A_104 = arith.cmpi ne, %convert_element_type3A, %cond3A : i32
      scf.if %cond3A_104 {
        %add3A_135 = arith.constant 1 : i32
        %add3A_136 = arith.addi %select_n3A, %add3A_135 : i32
        %mul3A_137 = arith.constant 16 : i32
        %mul3A_138 = arith.muli %add3A_136, %mul3A_137 : i32
        %sub3A_139 = arith.constant 1 : i32
        %sub3A_140 = arith.subi %sub3A_139, %rem3A_98 : i32
        "tpu.region"() ({
          %run_scoped3A_145 = tpu.sem_alloc : memref<!tpu.dma_semaphore, #tpu.memory_space<semaphore_mem>>
          %dma_start3A_146 = arith.constant 0 : i32
          %dma_start3A_147 = arith.constant 0 : i32
          %dma_start3A_148 = tpu.memref_slice %arg6[%sub3A_140, %dma_start3A_146, %dma_start3A_147] : memref<2x16x128xi32, #tpu.memory_space<vmem>> -> memref<1x16x128xi32, #tpu.memory_space<vmem>>
          %dma_start3A_149 = tpu.memref_squeeze %dma_start3A_148 : memref<1x16x128xi32, #tpu.memory_space<vmem>> -> memref<16x128xi32, #tpu.memory_space<vmem>>
          %dma_start3A_150 = arith.constant 0 : i32
          %dma_start3A_151 = tpu.memref_slice %arg3[%add3A, %mul3A_138, %dma_start3A_150] : memref<32x80x128xi32, #tpu.memory_space<hbm>> -> memref<1x16x128xi32, #tpu.memory_space<hbm>>
          %dma_start3A_152 = tpu.memref_squeeze %dma_start3A_151 : memref<1x16x128xi32, #tpu.memory_space<hbm>> -> memref<16x128xi32, #tpu.memory_space<hbm>>
          %dma_start3A_153 = arith.constant 0 : i32
          %dma_start3A_154 = arith.constant 0 : i32
          %dma_start3A_155 = tpu.memref_slice %arg6[%sub3A_140, %dma_start3A_153, %dma_start3A_154] : memref<2x16x128xi32, #tpu.memory_space<vmem>> -> memref<1x16x128xi32, #tpu.memory_space<vmem>>
          %dma_start3A_156 = tpu.memref_squeeze %dma_start3A_155 : memref<1x16x128xi32, #tpu.memory_space<vmem>> -> memref<16x128xi32, #tpu.memory_space<vmem>>
          %dma_start3A_157 = arith.constant 0 : i32
          %dma_start3A_158 = tpu.memref_slice %arg3[%add3A, %mul3A_138, %dma_start3A_157] : memref<32x80x128xi32, #tpu.memory_space<hbm>> -> memref<1x16x128xi32, #tpu.memory_space<hbm>>
          %dma_start3A_159 = tpu.memref_squeeze %dma_start3A_158 : memref<1x16x128xi32, #tpu.memory_space<hbm>> -> memref<16x128xi32, #tpu.memory_space<hbm>>
          tpu.enqueue_dma source(%dma_start3A_159 : memref<16x128xi32, #tpu.memory_space<hbm>>) target(%dma_start3A_156 : memref<16x128xi32, #tpu.memory_space<vmem>>) target_semaphore(%run_scoped3A_145 : memref<!tpu.dma_semaphore, #tpu.memory_space<semaphore_mem>>)
          %dma_wait3A_160 = arith.constant 0 : i32
          %dma_wait3A_161 = arith.constant 0 : i32
          %dma_wait3A_162 = tpu.memref_slice %arg6[%sub3A_140, %dma_wait3A_160, %dma_wait3A_161] : memref<2x16x128xi32, #tpu.memory_space<vmem>> -> memref<1x16x128xi32, #tpu.memory_space<vmem>>
          %dma_wait3A_163 = tpu.memref_squeeze %dma_wait3A_162 : memref<1x16x128xi32, #tpu.memory_space<vmem>> -> memref<16x128xi32, #tpu.memory_space<vmem>>
          %dma_wait3A_164 = arith.constant 0 : i32
          %dma_wait3A_165 = tpu.memref_slice %arg3[%add3A, %mul3A_138, %dma_wait3A_164] : memref<32x80x128xi32, #tpu.memory_space<hbm>> -> memref<1x16x128xi32, #tpu.memory_space<hbm>>
          %dma_wait3A_166 = tpu.memref_squeeze %dma_wait3A_165 : memref<1x16x128xi32, #tpu.memory_space<hbm>> -> memref<16x128xi32, #tpu.memory_space<hbm>>
          %dma_wait3A_167 = arith.constant 0 : i32
          %dma_wait3A_168 = arith.constant 0 : i32
          %dma_wait3A_169 = tpu.memref_slice %arg6[%sub3A_140, %dma_wait3A_167, %dma_wait3A_168] : memref<2x16x128xi32, #tpu.memory_space<vmem>> -> memref<1x16x128xi32, #tpu.memory_space<vmem>>
          %dma_wait3A_170 = tpu.memref_squeeze %dma_wait3A_169 : memref<1x16x128xi32, #tpu.memory_space<vmem>> -> memref<16x128xi32, #tpu.memory_space<vmem>>
          %dma_wait3A_171 = arith.constant 0 : i32
          %dma_wait3A_172 = tpu.memref_slice %arg3[%add3A, %mul3A_138, %dma_wait3A_171] : memref<32x80x128xi32, #tpu.memory_space<hbm>> -> memref<1x16x128xi32, #tpu.memory_space<hbm>>
          %dma_wait3A_173 = tpu.memref_squeeze %dma_wait3A_172 : memref<1x16x128xi32, #tpu.memory_space<hbm>> -> memref<16x128xi32, #tpu.memory_space<hbm>>
          tpu.wait_dma2 semaphore(%run_scoped3A_145 : memref<!tpu.dma_semaphore, #tpu.memory_space<semaphore_mem>>) src(%dma_wait3A_173 : memref<16x128xi32, #tpu.memory_space<hbm>>) dst(%dma_wait3A_170 : memref<16x128xi32, #tpu.memory_space<vmem>>)
          tpu.yield
        }) : () -> ()
        %mul3A_141 = arith.constant 16 : i32
        %mul3A_142 = arith.muli %add3A_136, %mul3A_141 : i32
        %sub3A_143 = arith.constant 1 : i32
        %sub3A_144 = arith.subi %sub3A_143, %rem3A_98 : i32
        "tpu.region"() ({
          %run_scoped3A_145 = tpu.sem_alloc : memref<!tpu.dma_semaphore, #tpu.memory_space<semaphore_mem>>
          %dma_start3A_146 = arith.constant 0 : i32
          %dma_start3A_147 = arith.constant 0 : i32
          %dma_start3A_148 = tpu.memref_slice %arg7[%sub3A_144, %dma_start3A_146, %dma_start3A_147] : memref<2x16x128xi32, #tpu.memory_space<vmem>> -> memref<1x16x128xi32, #tpu.memory_space<vmem>>
          %dma_start3A_149 = tpu.memref_squeeze %dma_start3A_148 : memref<1x16x128xi32, #tpu.memory_space<vmem>> -> memref<16x128xi32, #tpu.memory_space<vmem>>
          %dma_start3A_150 = arith.constant 0 : i32
          %dma_start3A_151 = tpu.memref_slice %arg4[%add3A, %mul3A_142, %dma_start3A_150] : memref<32x80x128xi32, #tpu.memory_space<hbm>> -> memref<1x16x128xi32, #tpu.memory_space<hbm>>
          %dma_start3A_152 = tpu.memref_squeeze %dma_start3A_151 : memref<1x16x128xi32, #tpu.memory_space<hbm>> -> memref<16x128xi32, #tpu.memory_space<hbm>>
          %dma_start3A_153 = arith.constant 0 : i32
          %dma_start3A_154 = arith.constant 0 : i32
          %dma_start3A_155 = tpu.memref_slice %arg7[%sub3A_144, %dma_start3A_153, %dma_start3A_154] : memref<2x16x128xi32, #tpu.memory_space<vmem>> -> memref<1x16x128xi32, #tpu.memory_space<vmem>>
          %dma_start3A_156 = tpu.memref_squeeze %dma_start3A_155 : memref<1x16x128xi32, #tpu.memory_space<vmem>> -> memref<16x128xi32, #tpu.memory_space<vmem>>
          %dma_start3A_157 = arith.constant 0 : i32
          %dma_start3A_158 = tpu.memref_slice %arg4[%add3A, %mul3A_142, %dma_start3A_157] : memref<32x80x128xi32, #tpu.memory_space<hbm>> -> memref<1x16x128xi32, #tpu.memory_space<hbm>>
          %dma_start3A_159 = tpu.memref_squeeze %dma_start3A_158 : memref<1x16x128xi32, #tpu.memory_space<hbm>> -> memref<16x128xi32, #tpu.memory_space<hbm>>
          tpu.enqueue_dma source(%dma_start3A_159 : memref<16x128xi32, #tpu.memory_space<hbm>>) target(%dma_start3A_156 : memref<16x128xi32, #tpu.memory_space<vmem>>) target_semaphore(%run_scoped3A_145 : memref<!tpu.dma_semaphore, #tpu.memory_space<semaphore_mem>>)
          %dma_wait3A_160 = arith.constant 0 : i32
          %dma_wait3A_161 = arith.constant 0 : i32
          %dma_wait3A_162 = tpu.memref_slice %arg7[%sub3A_144, %dma_wait3A_160, %dma_wait3A_161] : memref<2x16x128xi32, #tpu.memory_space<vmem>> -> memref<1x16x128xi32, #tpu.memory_space<vmem>>
          %dma_wait3A_163 = tpu.memref_squeeze %dma_wait3A_162 : memref<1x16x128xi32, #tpu.memory_space<vmem>> -> memref<16x128xi32, #tpu.memory_space<vmem>>
          %dma_wait3A_164 = arith.constant 0 : i32
          %dma_wait3A_165 = tpu.memref_slice %arg4[%add3A, %mul3A_142, %dma_wait3A_164] : memref<32x80x128xi32, #tpu.memory_space<hbm>> -> memref<1x16x128xi32, #tpu.memory_space<hbm>>
          %dma_wait3A_166 = tpu.memref_squeeze %dma_wait3A_165 : memref<1x16x128xi32, #tpu.memory_space<hbm>> -> memref<16x128xi32, #tpu.memory_space<hbm>>
          %dma_wait3A_167 = arith.constant 0 : i32
          %dma_wait3A_168 = arith.constant 0 : i32
          %dma_wait3A_169 = tpu.memref_slice %arg7[%sub3A_144, %dma_wait3A_167, %dma_wait3A_168] : memref<2x16x128xi32, #tpu.memory_space<vmem>> -> memref<1x16x128xi32, #tpu.memory_space<vmem>>
          %dma_wait3A_170 = tpu.memref_squeeze %dma_wait3A_169 : memref<1x16x128xi32, #tpu.memory_space<vmem>> -> memref<16x128xi32, #tpu.memory_space<vmem>>
          %dma_wait3A_171 = arith.constant 0 : i32
          %dma_wait3A_172 = tpu.memref_slice %arg4[%add3A, %mul3A_142, %dma_wait3A_171] : memref<32x80x128xi32, #tpu.memory_space<hbm>> -> memref<1x16x128xi32, #tpu.memory_space<hbm>>
          %dma_wait3A_173 = tpu.memref_squeeze %dma_wait3A_172 : memref<1x16x128xi32, #tpu.memory_space<hbm>> -> memref<16x128xi32, #tpu.memory_space<hbm>>
          tpu.wait_dma2 semaphore(%run_scoped3A_145 : memref<!tpu.dma_semaphore, #tpu.memory_space<semaphore_mem>>) src(%dma_wait3A_173 : memref<16x128xi32, #tpu.memory_space<hbm>>) dst(%dma_wait3A_170 : memref<16x128xi32, #tpu.memory_space<vmem>>)
          tpu.yield
        }) : () -> ()
      } else {
      }
      %dma_wait3A_105 = arith.constant 0 : i32
      %dma_wait3A_106 = arith.constant 0 : i32
      %dma_wait3A_107 = tpu.memref_slice %arg8[%rem3A_100, %dma_wait3A_105, %dma_wait3A_106] : memref<2x128x128xf32, #tpu.memory_space<vmem>> -> memref<1x128x128xf32, #tpu.memory_space<vmem>>
      %dma_wait3A_108 = tpu.memref_squeeze %dma_wait3A_107 : memref<1x128x128xf32, #tpu.memory_space<vmem>> -> memref<128x128xf32, #tpu.memory_space<vmem>>
      %dma_wait3A_109 = arith.constant 0 : i32
      %dma_wait3A_110 = tpu.memref_slice %arg6[%rem3A_98, %rem3A_96, %dma_wait3A_109] : memref<2x16x128xi32, #tpu.memory_space<vmem>> -> memref<1x1x128xi32, #tpu.memory_space<vmem>>
      %dma_wait3A_111 = tpu.memref_squeeze %dma_wait3A_110 : memref<1x1x128xi32, #tpu.memory_space<vmem>> -> memref<128xi32, #tpu.memory_space<vmem>>
      %dma_wait3A_112 = arith.constant 0 : i32
      %dma_wait3A_113 = arith.constant 0 : i32
      %dma_wait3A_114 = tpu.memref_slice %arg2[%dma_wait3A_112, %dma_wait3A_113] : memref<10000x128xf32, #tpu.memory_space<hbm>> -> memref<10000x128xf32, #tpu.memory_space<hbm>>
      tpu.wait_indirect_dma semaphore(%arg11 : memref<!tpu.dma_semaphore, #tpu.memory_space<semaphore_mem>>) src(%dma_wait3A_114 : memref<10000x128xf32, #tpu.memory_space<hbm>>) dst(%dma_wait3A_108 : memref<128x128xf32, #tpu.memory_space<vmem>>)
      %dma_start3A_115 = arith.constant 0 : i32
      %dma_start3A_116 = arith.constant 0 : i32
      %dma_start3A_117 = tpu.memref_slice %arg8[%rem3A_100, %dma_start3A_115, %dma_start3A_116] : memref<2x128x128xf32, #tpu.memory_space<vmem>> -> memref<1x128x128xf32, #tpu.memory_space<vmem>>
      %dma_start3A_118 = tpu.memref_squeeze %dma_start3A_117 : memref<1x128x128xf32, #tpu.memory_space<vmem>> -> memref<128x128xf32, #tpu.memory_space<vmem>>
      %dma_start3A_119 = arith.constant 0 : i32
      %dma_start3A_120 = tpu.memref_slice %arg7[%rem3A_98, %rem3A_96, %dma_start3A_119] : memref<2x16x128xi32, #tpu.memory_space<vmem>> -> memref<1x1x128xi32, #tpu.memory_space<vmem>>
      %dma_start3A_121 = tpu.memref_squeeze %dma_start3A_120 : memref<1x1x128xi32, #tpu.memory_space<vmem>> -> memref<128xi32, #tpu.memory_space<vmem>>
      %dma_start3A_122 = arith.constant 0 : i32
      %dma_start3A_123 = arith.constant 0 : i32
      %dma_start3A_124 = tpu.memref_slice %arg10[%dma_start3A_122, %dma_start3A_123] : memref<10240x128xf32, #tpu.memory_space<vmem_shared>> -> memref<10240x128xf32, #tpu.memory_space<vmem_shared>>
      tpu.enqueue_indirect_dma source(%dma_start3A_118 : memref<128x128xf32, #tpu.memory_space<vmem>>) target(%dma_start3A_124 : memref<10240x128xf32, #tpu.memory_space<vmem_shared>>) offsets(%dma_start3A_121 : memref<128xi32, #tpu.memory_space<vmem>>) semaphore(%arg12 : memref<!tpu.dma_semaphore, #tpu.memory_space<semaphore_mem>>) {add = true}
      %ge3A = arith.constant 1 : i32
      %ge3A_125 = arith.cmpi sge, %scan3A_76, %ge3A : i32
      %convert_element_type3A_126 = arith.extui %ge3A_125 : i1 to i32
      %cond3A_127 = arith.constant 0 : i32
      %cond3A_128 = arith.cmpi ne, %convert_element_type3A_126, %cond3A_127 : i32
      scf.if %cond3A_128 {
        %sub3A_135 = arith.constant 1 : i32
        %sub3A_136 = arith.subi %scan3A_76, %sub3A_135 : i32
        %sub3A_137 = arith.constant 1 : i32
        %sub3A_138 = arith.subi %sub3A_137, %rem3A_100 : i32
        %jit3A_139 = arith.constant 16 : i32
        %div3A_140 = arith.divsi %sub3A_136, %jit3A_139 : i32
        %sign3A_141 = arith.constant 0 : i32
        %sign3A_142 = arith.cmpi sgt, %sub3A_136, %sign3A_141 : i32
        %sign3A_143 = arith.extui %sign3A_142 : i1 to i32
        %sign3A_144 = arith.constant 0 : i32
        %sign3A_145 = arith.cmpi slt, %sub3A_136, %sign3A_144 : i32
        %sign3A_146 = arith.extui %sign3A_145 : i1 to i32
        %sign3A_147 = arith.subi %sign3A_143, %sign3A_146 : i32
        %sign3A_148 = arith.constant 0 : i32
        %sign3A_149 = arith.cmpi sgt, %jit3A_139, %sign3A_148 : i32
        %sign3A_150 = arith.extui %sign3A_149 : i1 to i32
        %sign3A_151 = arith.constant 0 : i32
        %sign3A_152 = arith.cmpi slt, %jit3A_139, %sign3A_151 : i32
        %sign3A_153 = arith.extui %sign3A_152 : i1 to i32
        %sign3A_154 = arith.subi %sign3A_150, %sign3A_153 : i32
        %ne3A_155 = arith.cmpi ne, %sign3A_147, %sign3A_154 : i32
        %rem3A_156 = arith.remsi %sub3A_136, %jit3A_139 : i32
        %ne3A_157 = arith.constant 0 : i32
        %ne3A_158 = arith.cmpi ne, %rem3A_156, %ne3A_157 : i32
        %and3A_159 = arith.andi %ne3A_155, %ne3A_158 : i1
        %sub3A_160 = arith.constant 1 : i32
        %sub3A_161 = arith.subi %div3A_140, %sub3A_160 : i32
        %select_n3A_162 = arith.select %and3A_159, %sub3A_161, %div3A_140 : i32
        %rem3A_163 = arith.constant 2 : i32
        %rem3A_164 = arith.remsi %select_n3A_162, %rem3A_163 : i32
        %rem3A_165 = arith.constant 16 : i32
        %rem3A_166 = arith.remsi %sub3A_136, %rem3A_165 : i32
        %dma_wait3A_167 = arith.constant 0 : i32
        %dma_wait3A_168 = arith.constant 0 : i32
        %dma_wait3A_169 = tpu.memref_slice %arg8[%sub3A_138, %dma_wait3A_167, %dma_wait3A_168] : memref<2x128x128xf32, #tpu.memory_space<vmem>> -> memref<1x128x128xf32, #tpu.memory_space<vmem>>
        %dma_wait3A_170 = tpu.memref_squeeze %dma_wait3A_169 : memref<1x128x128xf32, #tpu.memory_space<vmem>> -> memref<128x128xf32, #tpu.memory_space<vmem>>
        %dma_wait3A_171 = arith.constant 0 : i32
        %dma_wait3A_172 = tpu.memref_slice %arg7[%rem3A_164, %rem3A_166, %dma_wait3A_171] : memref<2x16x128xi32, #tpu.memory_space<vmem>> -> memref<1x1x128xi32, #tpu.memory_space<vmem>>
        %dma_wait3A_173 = tpu.memref_squeeze %dma_wait3A_172 : memref<1x1x128xi32, #tpu.memory_space<vmem>> -> memref<128xi32, #tpu.memory_space<vmem>>
        %dma_wait3A_174 = arith.constant 0 : i32
        %dma_wait3A_175 = arith.constant 0 : i32
        %dma_wait3A_176 = tpu.memref_slice %arg10[%dma_wait3A_174, %dma_wait3A_175] : memref<10240x128xf32, #tpu.memory_space<vmem_shared>> -> memref<10240x128xf32, #tpu.memory_space<vmem_shared>>
        tpu.wait_indirect_dma semaphore(%arg12 : memref<!tpu.dma_semaphore, #tpu.memory_space<semaphore_mem>>) src(%dma_wait3A_170 : memref<128x128xf32, #tpu.memory_space<vmem>>) dst(%dma_wait3A_176 : memref<10240x128xf32, #tpu.memory_space<vmem_shared>>)
      } else {
      }
      %lt3A_129 = arith.constant 78 : i32
      %lt3A_130 = arith.cmpi slt, %scan3A_76, %lt3A_129 : i32
      %convert_element_type3A_131 = arith.extui %lt3A_130 : i1 to i32
      %cond3A_132 = arith.constant 0 : i32
      %cond3A_133 = arith.cmpi ne, %convert_element_type3A_131, %cond3A_132 : i32
      scf.if %cond3A_133 {
        %add3A_135 = arith.constant 1 : i32
        %add3A_136 = arith.addi %scan3A_76, %add3A_135 : i32
        %jit3A_137 = arith.constant 16 : i32
        %div3A_138 = arith.divsi %add3A_136, %jit3A_137 : i32
        %sign3A_139 = arith.constant 0 : i32
        %sign3A_140 = arith.cmpi sgt, %add3A_136, %sign3A_139 : i32
        %sign3A_141 = arith.extui %sign3A_140 : i1 to i32
        %sign3A_142 = arith.constant 0 : i32
        %sign3A_143 = arith.cmpi slt, %add3A_136, %sign3A_142 : i32
        %sign3A_144 = arith.extui %sign3A_143 : i1 to i32
        %sign3A_145 = arith.subi %sign3A_141, %sign3A_144 : i32
        %sign3A_146 = arith.constant 0 : i32
        %sign3A_147 = arith.cmpi sgt, %jit3A_137, %sign3A_146 : i32
        %sign3A_148 = arith.extui %sign3A_147 : i1 to i32
        %sign3A_149 = arith.constant 0 : i32
        %sign3A_150 = arith.cmpi slt, %jit3A_137, %sign3A_149 : i32
        %sign3A_151 = arith.extui %sign3A_150 : i1 to i32
        %sign3A_152 = arith.subi %sign3A_148, %sign3A_151 : i32
        %ne3A_153 = arith.cmpi ne, %sign3A_145, %sign3A_152 : i32
        %rem3A_154 = arith.remsi %add3A_136, %jit3A_137 : i32
        %ne3A_155 = arith.constant 0 : i32
        %ne3A_156 = arith.cmpi ne, %rem3A_154, %ne3A_155 : i32
        %and3A_157 = arith.andi %ne3A_153, %ne3A_156 : i1
        %sub3A_158 = arith.constant 1 : i32
        %sub3A_159 = arith.subi %div3A_138, %sub3A_158 : i32
        %select_n3A_160 = arith.select %and3A_157, %sub3A_159, %div3A_138 : i32
        %rem3A_161 = arith.constant 2 : i32
        %rem3A_162 = arith.remsi %select_n3A_160, %rem3A_161 : i32
        %rem3A_163 = arith.constant 16 : i32
        %rem3A_164 = arith.remsi %add3A_136, %rem3A_163 : i32
        %sub3A_165 = arith.constant 1 : i32
        %sub3A_166 = arith.subi %sub3A_165, %rem3A_100 : i32
        %dma_start3A_167 = arith.constant 0 : i32
        %dma_start3A_168 = arith.constant 0 : i32
        %dma_start3A_169 = tpu.memref_slice %arg8[%sub3A_166, %dma_start3A_167, %dma_start3A_168] : memref<2x128x128xf32, #tpu.memory_space<vmem>> -> memref<1x128x128xf32, #tpu.memory_space<vmem>>
        %dma_start3A_170 = tpu.memref_squeeze %dma_start3A_169 : memref<1x128x128xf32, #tpu.memory_space<vmem>> -> memref<128x128xf32, #tpu.memory_space<vmem>>
        %dma_start3A_171 = arith.constant 0 : i32
        %dma_start3A_172 = tpu.memref_slice %arg6[%rem3A_162, %rem3A_164, %dma_start3A_171] : memref<2x16x128xi32, #tpu.memory_space<vmem>> -> memref<1x1x128xi32, #tpu.memory_space<vmem>>
        %dma_start3A_173 = tpu.memref_squeeze %dma_start3A_172 : memref<1x1x128xi32, #tpu.memory_space<vmem>> -> memref<128xi32, #tpu.memory_space<vmem>>
        %dma_start3A_174 = arith.constant 0 : i32
        %dma_start3A_175 = arith.constant 0 : i32
        %dma_start3A_176 = tpu.memref_slice %arg2[%dma_start3A_174, %dma_start3A_175] : memref<10000x128xf32, #tpu.memory_space<hbm>> -> memref<10000x128xf32, #tpu.memory_space<hbm>>
        tpu.enqueue_indirect_dma source(%dma_start3A_176 : memref<10000x128xf32, #tpu.memory_space<hbm>>) target(%dma_start3A_170 : memref<128x128xf32, #tpu.memory_space<vmem>>) offsets(%dma_start3A_173 : memref<128xi32, #tpu.memory_space<vmem>>) semaphore(%arg11 : memref<!tpu.dma_semaphore, #tpu.memory_space<semaphore_mem>>)
      } else {
      }
      %scan3A_134 = arith.constant 0 : i32
      scf.yield %scan3A_134 : i32
    }
    %scan3A_43 = arith.constant 79 : i32
    %rem3A = arith.constant 78 : i32
    %rem3A_44 = arith.constant 2 : i32
    %rem3A_45 = arith.remsi %rem3A, %rem3A_44 : i32
    %rem3A_46 = arith.constant 4 : i32
    %rem3A_47 = arith.constant 2 : i32
    %rem3A_48 = arith.remsi %rem3A_46, %rem3A_47 : i32
    %rem3A_49 = arith.constant 78 : i32
    %rem3A_50 = arith.constant 16 : i32
    %rem3A_51 = arith.remsi %rem3A_49, %rem3A_50 : i32
    %dma_wait3A = arith.constant 0 : i32
    %dma_wait3A_52 = arith.constant 0 : i32
    %dma_wait3A_53 = tpu.memref_slice %arg8[%rem3A_45, %dma_wait3A, %dma_wait3A_52] : memref<2x128x128xf32, #tpu.memory_space<vmem>> -> memref<1x128x128xf32, #tpu.memory_space<vmem>>
    %dma_wait3A_54 = tpu.memref_squeeze %dma_wait3A_53 : memref<1x128x128xf32, #tpu.memory_space<vmem>> -> memref<128x128xf32, #tpu.memory_space<vmem>>
    %dma_wait3A_55 = arith.constant 0 : i32
    %dma_wait3A_56 = tpu.memref_slice %arg7[%rem3A_48, %rem3A_51, %dma_wait3A_55] : memref<2x16x128xi32, #tpu.memory_space<vmem>> -> memref<1x1x128xi32, #tpu.memory_space<vmem>>
    %dma_wait3A_57 = tpu.memref_squeeze %dma_wait3A_56 : memref<1x1x128xi32, #tpu.memory_space<vmem>> -> memref<128xi32, #tpu.memory_space<vmem>>
    %dma_wait3A_58 = arith.constant 0 : i32
    %dma_wait3A_59 = arith.constant 0 : i32
    %dma_wait3A_60 = tpu.memref_slice %arg10[%dma_wait3A_58, %dma_wait3A_59] : memref<10240x128xf32, #tpu.memory_space<vmem_shared>> -> memref<10240x128xf32, #tpu.memory_space<vmem_shared>>
    tpu.wait_indirect_dma semaphore(%arg12 : memref<!tpu.dma_semaphore, #tpu.memory_space<semaphore_mem>>) src(%dma_wait3A_54 : memref<128x128xf32, #tpu.memory_space<vmem>>) dst(%dma_wait3A_60 : memref<10240x128xf32, #tpu.memory_space<vmem_shared>>)
    %barrier3A_61 = arith.constant 0 : index
    tpu.barrier barrier_id(%barrier3A_61)
    %scan3A_62 = arith.constant 0 : i32
    %scan3A_63 = arith.constant 0 : i32
    %scan3A_64 = arith.constant 8 : i32
    %scan3A_65 = arith.addi %scan3A_63, %scan3A_64 : i32
    %scan3A_66 = arith.constant 1 : i32
    %scan3A_67 = scf.for %scan3A_76 = %scan3A_63 to %scan3A_65 step %scan3A_66 iter_args(%scan3A_77 = %scan3A_62) -> (i32)  : i32 {
      %mul3A_78 = arith.constant 16 : i32
      %mul3A_79 = arith.muli %scan3A_76, %mul3A_78 : i32
      %add3A_80 = arith.addi %mul3A_79, %arg1 : i32
      %lt3A = arith.constant 125 : i32
      %lt3A_81 = arith.cmpi slt, %add3A_80, %lt3A : i32
      %convert_element_type3A = arith.extui %lt3A_81 : i1 to i32
      %cond3A = arith.constant 0 : i32
      %cond3A_82 = arith.cmpi ne, %convert_element_type3A, %cond3A : i32
      scf.if %cond3A_82 {
        %mul3A_84 = arith.constant 80 : i32
        %mul3A_85 = arith.muli %add3A_80, %mul3A_84 : i32
        %mul3A_86 = arith.constant 80 : i32
        %mul3A_87 = arith.muli %add3A_80, %mul3A_86 : i32
        %dma_start3A_88 = arith.constant 0 : i32
        %dma_start3A_89 = tpu.memref_slice %arg5[%arg0, %mul3A_87, %dma_start3A_88] : memref<2x10000x128xf32, #tpu.memory_space<hbm>> -> memref<1x80x128xf32, #tpu.memory_space<hbm>>
        %dma_start3A_90 = tpu.memref_squeeze %dma_start3A_89 : memref<1x80x128xf32, #tpu.memory_space<hbm>> -> memref<80x128xf32, #tpu.memory_space<hbm>>
        %dma_start3A_91 = arith.constant 0 : i32
        %dma_start3A_92 = tpu.memref_slice %arg10[%mul3A_85, %dma_start3A_91] : memref<10240x128xf32, #tpu.memory_space<vmem_shared>> -> memref<80x128xf32, #tpu.memory_space<vmem_shared>>
        tpu.enqueue_dma source(%dma_start3A_92 : memref<80x128xf32, #tpu.memory_space<vmem_shared>>) target(%dma_start3A_90 : memref<80x128xf32, #tpu.memory_space<hbm>>) target_semaphore(%arg11 : memref<!tpu.dma_semaphore, #tpu.memory_space<semaphore_mem>>)
      } else {
      }
      %scan3A_83 = arith.constant 0 : i32
      scf.yield %scan3A_83 : i32
    }
    %scan3A_68 = arith.constant 8 : i32
    %scan3A_69 = arith.constant 0 : i32
    %scan3A_70 = arith.constant 0 : i32
    %scan3A_71 = arith.constant 8 : i32
    %scan3A_72 = arith.addi %scan3A_70, %scan3A_71 : i32
    %scan3A_73 = arith.constant 1 : i32
    %scan3A_74 = scf.for %scan3A_76 = %scan3A_70 to %scan3A_72 step %scan3A_73 iter_args(%scan3A_77 = %scan3A_69) -> (i32)  : i32 {
      %mul3A_78 = arith.constant 16 : i32
      %mul3A_79 = arith.muli %scan3A_76, %mul3A_78 : i32
      %add3A_80 = arith.addi %mul3A_79, %arg1 : i32
      %lt3A = arith.constant 125 : i32
      %lt3A_81 = arith.cmpi slt, %add3A_80, %lt3A : i32
      %convert_element_type3A = arith.extui %lt3A_81 : i1 to i32
      %cond3A = arith.constant 0 : i32
      %cond3A_82 = arith.cmpi ne, %convert_element_type3A, %cond3A : i32
      scf.if %cond3A_82 {
        %mul3A_84 = arith.constant 80 : i32
        %mul3A_85 = arith.muli %add3A_80, %mul3A_84 : i32
        %mul3A_86 = arith.constant 80 : i32
        %mul3A_87 = arith.muli %add3A_80, %mul3A_86 : i32
        %dma_wait3A_88 = arith.constant 0 : i32
        %dma_wait3A_89 = tpu.memref_slice %arg5[%arg0, %mul3A_87, %dma_wait3A_88] : memref<2x10000x128xf32, #tpu.memory_space<hbm>> -> memref<1x80x128xf32, #tpu.memory_space<hbm>>
        %dma_wait3A_90 = tpu.memref_squeeze %dma_wait3A_89 : memref<1x80x128xf32, #tpu.memory_space<hbm>> -> memref<80x128xf32, #tpu.memory_space<hbm>>
        %dma_wait3A_91 = arith.constant 0 : i32
        %dma_wait3A_92 = tpu.memref_slice %arg10[%mul3A_85, %dma_wait3A_91] : memref<10240x128xf32, #tpu.memory_space<vmem_shared>> -> memref<80x128xf32, #tpu.memory_space<vmem_shared>>
        tpu.wait_dma2 semaphore(%arg11 : memref<!tpu.dma_semaphore, #tpu.memory_space<semaphore_mem>>) src(%dma_wait3A_92 : memref<80x128xf32, #tpu.memory_space<vmem_shared>>) dst(%dma_wait3A_90 : memref<80x128xf32, #tpu.memory_space<hbm>>)
      } else {
      }
      %scan3A_83 = arith.constant 0 : i32
      scf.yield %scan3A_83 : i32
    }
    %scan3A_75 = arith.constant 8 : i32
    return
  }
}

#map = affine_map<(d0, d1) -> (0, 0)>
#map1 = affine_map<(d0, d1) -> (0, 0, 0)>
module attributes {stable_mosaic.version = 14 : i64} {
  func.func @_sc_agg(%arg0: i32, %arg1: i32, %arg2: memref<10000x128xf32, #tpu.memory_space<hbm>>, %arg3: memref<32x80x128xi32, #tpu.memory_space<hbm>>, %arg4: memref<32x80x128xi32, #tpu.memory_space<hbm>>, %arg5: memref<2x10000x128xf32, #tpu.memory_space<hbm>>, %arg6: memref<2x16x128xi32, #tpu.memory_space<vmem>>, %arg7: memref<2x16x128xi32, #tpu.memory_space<vmem>>, %arg8: memref<2x128x128xf32, #tpu.memory_space<vmem>>, %arg9: memref<16x128xf32, #tpu.memory_space<vmem>>, %arg10: memref<10240x128xf32, #tpu.memory_space<vmem_shared>>, %arg11: memref<!tpu.dma_semaphore, #tpu.memory_space<semaphore_mem>>, %arg12: memref<!tpu.dma_semaphore, #tpu.memory_space<semaphore_mem>>) attributes {dimension_semantics = [#tpu.dimension_semantics<core_parallel>, #tpu.dimension_semantics<subcore_parallel>], iteration_bounds = array<i64: 2, 16>, scalar_prefetch = 0 : i64, scratch_operands = 7 : i64, tpu.core_type = #tpu.core_type<sc_vector_subcore>, window_params = [{transform_indices = #map}, {transform_indices = #map1}, {transform_indices = #map1}, {transform_indices = #map1}]} {
    %mul3A = arith.constant 2 : i32
    %mul3A_0 = arith.muli %arg1, %mul3A : i32
    %add3A = arith.addi %mul3A_0, %arg0 : i32
    %broadcast_in_dim3A = arith.constant 0.000000e+00 : f32
    %broadcast_in_dim3A_1 = vector.broadcast %broadcast_in_dim3A : f32 to vector<16xf32>
    %scan3A = arith.constant 0 : i32
    %scan3A_2 = arith.constant 0 : i32
    %scan3A_3 = arith.constant 128 : i32
    %scan3A_4 = arith.addi %scan3A_2, %scan3A_3 : i32
    %scan3A_5 = arith.constant 1 : i32
    %scan3A_6 = scf.for %scan3A_76 = %scan3A_2 to %scan3A_4 step %scan3A_5 iter_args(%scan3A_77 = %scan3A) -> (i32)  : i32 {
      %jit3A = arith.constant 8 : i32
      %div3A = arith.divsi %scan3A_76, %jit3A : i32
      %sign3A = arith.constant 0 : i32
      %sign3A_78 = arith.cmpi sgt, %scan3A_76, %sign3A : i32
      %sign3A_79 = arith.extui %sign3A_78 : i1 to i32
      %sign3A_80 = arith.constant 0 : i32
      %sign3A_81 = arith.cmpi slt, %scan3A_76, %sign3A_80 : i32
      %sign3A_82 = arith.extui %sign3A_81 : i1 to i32
      %sign3A_83 = arith.subi %sign3A_79, %sign3A_82 : i32
      %sign3A_84 = arith.constant 0 : i32
      %sign3A_85 = arith.cmpi sgt, %jit3A, %sign3A_84 : i32
      %sign3A_86 = arith.extui %sign3A_85 : i1 to i32
      %sign3A_87 = arith.constant 0 : i32
      %sign3A_88 = arith.cmpi slt, %jit3A, %sign3A_87 : i32
      %sign3A_89 = arith.extui %sign3A_88 : i1 to i32
      %sign3A_90 = arith.subi %sign3A_86, %sign3A_89 : i32
      %ne3A = arith.cmpi ne, %sign3A_83, %sign3A_90 : i32
      %rem3A_91 = arith.remsi %scan3A_76, %jit3A : i32
      %ne3A_92 = arith.constant 0 : i32
      %ne3A_93 = arith.cmpi ne, %rem3A_91, %ne3A_92 : i32
      %and3A = arith.andi %ne3A, %ne3A_93 : i1
      %sub3A = arith.constant 1 : i32
      %sub3A_94 = arith.subi %div3A, %sub3A : i32
      %select_n3A = arith.select %and3A, %sub3A_94, %div3A : i32
      %jit3A_95 = arith.constant 8 : i32
      %eq3A = arith.constant 0 : i32
      %eq3A_96 = arith.cmpi eq, %jit3A_95, %eq3A : i32
      %jit3A_97 = arith.constant 1 : i32
      %select_n3A_98 = arith.select %eq3A_96, %jit3A_97, %jit3A_95 : i32
      %rem3A_99 = arith.remsi %scan3A_76, %select_n3A_98 : i32
      %ne3A_100 = arith.constant 0 : i32
      %ne3A_101 = arith.cmpi ne, %rem3A_99, %ne3A_100 : i32
      %lt3A = arith.constant 0 : i32
      %lt3A_102 = arith.cmpi slt, %rem3A_99, %lt3A : i32
      %lt3A_103 = arith.constant 0 : i32
      %lt3A_104 = arith.cmpi slt, %select_n3A_98, %lt3A_103 : i32
      %ne3A_105 = arith.xori %lt3A_102, %lt3A_104 : i1
      %and3A_106 = arith.andi %ne3A_105, %ne3A_101 : i1
      %add3A_107 = arith.addi %rem3A_99, %select_n3A_98 : i32
      %select_n3A_108 = arith.select %and3A_106, %add3A_107, %rem3A_99 : i32
      %mul3A_109 = arith.constant 16 : i32
      %mul3A_110 = arith.muli %select_n3A_108, %mul3A_109 : i32
      %swap3A = arith.index_cast %select_n3A : i32 to index
      %swap3A_111 = arith.index_cast %mul3A_110 : i32 to index
      %swap3A_112 = tpu.vector_load %arg9[%swap3A, %swap3A_111] {strides = array<i32>} : memref<16x128xf32, #tpu.memory_space<vmem>>, vector<1x16xf32>,
      %swap3A_113 = vector.shape_cast %swap3A_112 : vector<1x16xf32> to vector<16xf32>
      %swap3A_114 = vector.shape_cast %broadcast_in_dim3A_1 : vector<16xf32> to vector<1x16xf32>
      tpu.vector_store %arg9[%swap3A, %swap3A_111], %swap3A_114 {strides = array<i32>} : memref<16x128xf32, #tpu.memory_space<vmem>>, vector<1x16xf32>,
      %scan3A_115 = arith.constant 0 : i32
      scf.yield %scan3A_115 : i32
    }
    %scan3A_7 = arith.constant 128 : i32
    %mul3A_8 = arith.constant 640 : i32
    %mul3A_9 = arith.muli %arg1, %mul3A_8 : i32
    %scan3A_10 = arith.constant 0 : i32
    %scan3A_11 = arith.constant 0 : i32
    %scan3A_12 = arith.constant 40 : i32
    %scan3A_13 = arith.addi %scan3A_11, %scan3A_12 : i32
    %scan3A_14 = arith.constant 1 : i32
    %scan3A_15 = scf.for %scan3A_76 = %scan3A_11 to %scan3A_13 step %scan3A_14 iter_args(%scan3A_77 = %scan3A_10) -> (i32)  : i32 {
      %mul3A_78 = arith.constant 16 : i32
      %mul3A_79 = arith.muli %scan3A_76, %mul3A_78 : i32
      %add3A_80 = arith.addi %mul3A_9, %mul3A_79 : i32
      %dma_start3A_81 = arith.constant 0 : i32
      %dma_start3A_82 = tpu.memref_slice %arg10[%add3A_80, %dma_start3A_81] : memref<10240x128xf32, #tpu.memory_space<vmem_shared>> -> memref<16x128xf32, #tpu.memory_space<vmem_shared>>
      %dma_start3A_83 = arith.constant 0 : i32
      %dma_start3A_84 = tpu.memref_slice %arg10[%add3A_80, %dma_start3A_83] : memref<10240x128xf32, #tpu.memory_space<vmem_shared>> -> memref<16x128xf32, #tpu.memory_space<vmem_shared>>
      tpu.enqueue_dma source(%arg9 : memref<16x128xf32, #tpu.memory_space<vmem>>) target(%dma_start3A_84 : memref<16x128xf32, #tpu.memory_space<vmem_shared>>) target_semaphore(%arg11 : memref<!tpu.dma_semaphore, #tpu.memory_space<semaphore_mem>>)
      %scan3A_85 = arith.constant 0 : i32
      scf.yield %scan3A_85 : i32
    }
    %scan3A_16 = arith.constant 40 : i32
    %scan3A_17 = arith.constant 0 : i32
    %scan3A_18 = arith.constant 0 : i32
    %scan3A_19 = arith.constant 40 : i32
    %scan3A_20 = arith.addi %scan3A_18, %scan3A_19 : i32
    %scan3A_21 = arith.constant 1 : i32
    %scan3A_22 = scf.for %scan3A_76 = %scan3A_18 to %scan3A_20 step %scan3A_21 iter_args(%scan3A_77 = %scan3A_17) -> (i32)  : i32 {
      %mul3A_78 = arith.constant 16 : i32
      %mul3A_79 = arith.muli %scan3A_76, %mul3A_78 : i32
      %add3A_80 = arith.addi %mul3A_9, %mul3A_79 : i32
      %dma_wait3A_81 = arith.constant 0 : i32
      %dma_wait3A_82 = tpu.memref_slice %arg10[%add3A_80, %dma_wait3A_81] : memref<10240x128xf32, #tpu.memory_space<vmem_shared>> -> memref<16x128xf32, #tpu.memory_space<vmem_shared>>
      %dma_wait3A_83 = arith.constant 0 : i32
      %dma_wait3A_84 = tpu.memref_slice %arg10[%add3A_80, %dma_wait3A_83] : memref<10240x128xf32, #tpu.memory_space<vmem_shared>> -> memref<16x128xf32, #tpu.memory_space<vmem_shared>>
      tpu.wait_dma2 semaphore(%arg11 : memref<!tpu.dma_semaphore, #tpu.memory_space<semaphore_mem>>) src(%arg9 : memref<16x128xf32, #tpu.memory_space<vmem>>) dst(%dma_wait3A_84 : memref<16x128xf32, #tpu.memory_space<vmem_shared>>)
      %scan3A_85 = arith.constant 0 : i32
      scf.yield %scan3A_85 : i32
    }
    %scan3A_23 = arith.constant 40 : i32
    %run_scoped3A = arith.constant 0 : i32
    "tpu.region"() ({
      %run_scoped3A_76 = tpu.sem_alloc : memref<!tpu.dma_semaphore, #tpu.memory_space<semaphore_mem>>
      %dma_start3A_77 = arith.constant 0 : i32
      %dma_start3A_78 = arith.constant 0 : i32
      %dma_start3A_79 = tpu.memref_slice %arg6[%run_scoped3A, %dma_start3A_77, %dma_start3A_78] : memref<2x16x128xi32, #tpu.memory_space<vmem>> -> memref<1x16x128xi32, #tpu.memory_space<vmem>>
      %dma_start3A_80 = tpu.memref_squeeze %dma_start3A_79 : memref<1x16x128xi32, #tpu.memory_space<vmem>> -> memref<16x128xi32, #tpu.memory_space<vmem>>
      %dma_start3A_81 = arith.constant 0 : i32
      %dma_start3A_82 = arith.constant 0 : i32
      %dma_start3A_83 = tpu.memref_slice %arg3[%add3A, %dma_start3A_81, %dma_start3A_82] : memref<32x80x128xi32, #tpu.memory_space<hbm>> -> memref<1x16x128xi32, #tpu.memory_space<hbm>>
      %dma_start3A_84 = tpu.memref_squeeze %dma_start3A_83 : memref<1x16x128xi32, #tpu.memory_space<hbm>> -> memref<16x128xi32, #tpu.memory_space<hbm>>
      %dma_start3A_85 = arith.constant 0 : i32
      %dma_start3A_86 = arith.constant 0 : i32
      %dma_start3A_87 = tpu.memref_slice %arg6[%run_scoped3A, %dma_start3A_85, %dma_start3A_86] : memref<2x16x128xi32, #tpu.memory_space<vmem>> -> memref<1x16x128xi32, #tpu.memory_space<vmem>>
      %dma_start3A_88 = tpu.memref_squeeze %dma_start3A_87 : memref<1x16x128xi32, #tpu.memory_space<vmem>> -> memref<16x128xi32, #tpu.memory_space<vmem>>
      %dma_start3A_89 = arith.constant 0 : i32
      %dma_start3A_90 = arith.constant 0 : i32
      %dma_start3A_91 = tpu.memref_slice %arg3[%add3A, %dma_start3A_89, %dma_start3A_90] : memref<32x80x128xi32, #tpu.memory_space<hbm>> -> memref<1x16x128xi32, #tpu.memory_space<hbm>>
      %dma_start3A_92 = tpu.memref_squeeze %dma_start3A_91 : memref<1x16x128xi32, #tpu.memory_space<hbm>> -> memref<16x128xi32, #tpu.memory_space<hbm>>
      tpu.enqueue_dma source(%dma_start3A_92 : memref<16x128xi32, #tpu.memory_space<hbm>>) target(%dma_start3A_88 : memref<16x128xi32, #tpu.memory_space<vmem>>) target_semaphore(%run_scoped3A_76 : memref<!tpu.dma_semaphore, #tpu.memory_space<semaphore_mem>>)
      %dma_wait3A_93 = arith.constant 0 : i32
      %dma_wait3A_94 = arith.constant 0 : i32
      %dma_wait3A_95 = tpu.memref_slice %arg6[%run_scoped3A, %dma_wait3A_93, %dma_wait3A_94] : memref<2x16x128xi32, #tpu.memory_space<vmem>> -> memref<1x16x128xi32, #tpu.memory_space<vmem>>
      %dma_wait3A_96 = tpu.memref_squeeze %dma_wait3A_95 : memref<1x16x128xi32, #tpu.memory_space<vmem>> -> memref<16x128xi32, #tpu.memory_space<vmem>>
      %dma_wait3A_97 = arith.constant 0 : i32
      %dma_wait3A_98 = arith.constant 0 : i32
      %dma_wait3A_99 = tpu.memref_slice %arg3[%add3A, %dma_wait3A_97, %dma_wait3A_98] : memref<32x80x128xi32, #tpu.memory_space<hbm>> -> memref<1x16x128xi32, #tpu.memory_space<hbm>>
      %dma_wait3A_100 = tpu.memref_squeeze %dma_wait3A_99 : memref<1x16x128xi32, #tpu.memory_space<hbm>> -> memref<16x128xi32, #tpu.memory_space<hbm>>
      %dma_wait3A_101 = arith.constant 0 : i32
      %dma_wait3A_102 = arith.constant 0 : i32
      %dma_wait3A_103 = tpu.memref_slice %arg6[%run_scoped3A, %dma_wait3A_101, %dma_wait3A_102] : memref<2x16x128xi32, #tpu.memory_space<vmem>> -> memref<1x16x128xi32, #tpu.memory_space<vmem>>
      %dma_wait3A_104 = tpu.memref_squeeze %dma_wait3A_103 : memref<1x16x128xi32, #tpu.memory_space<vmem>> -> memref<16x128xi32, #tpu.memory_space<vmem>>
      %dma_wait3A_105 = arith.constant 0 : i32
      %dma_wait3A_106 = arith.constant 0 : i32
      %dma_wait3A_107 = tpu.memref_slice %arg3[%add3A, %dma_wait3A_105, %dma_wait3A_106] : memref<32x80x128xi32, #tpu.memory_space<hbm>> -> memref<1x16x128xi32, #tpu.memory_space<hbm>>
      %dma_wait3A_108 = tpu.memref_squeeze %dma_wait3A_107 : memref<1x16x128xi32, #tpu.memory_space<hbm>> -> memref<16x128xi32, #tpu.memory_space<hbm>>
      tpu.wait_dma2 semaphore(%run_scoped3A_76 : memref<!tpu.dma_semaphore, #tpu.memory_space<semaphore_mem>>) src(%dma_wait3A_108 : memref<16x128xi32, #tpu.memory_space<hbm>>) dst(%dma_wait3A_104 : memref<16x128xi32, #tpu.memory_space<vmem>>)
      tpu.yield
    }) : () -> ()
    %run_scoped3A_24 = arith.constant 0 : i32
    "tpu.region"() ({
      %run_scoped3A_76 = tpu.sem_alloc : memref<!tpu.dma_semaphore, #tpu.memory_space<semaphore_mem>>
      %dma_start3A_77 = arith.constant 0 : i32
      %dma_start3A_78 = arith.constant 0 : i32
      %dma_start3A_79 = tpu.memref_slice %arg7[%run_scoped3A_24, %dma_start3A_77, %dma_start3A_78] : memref<2x16x128xi32, #tpu.memory_space<vmem>> -> memref<1x16x128xi32, #tpu.memory_space<vmem>>
      %dma_start3A_80 = tpu.memref_squeeze %dma_start3A_79 : memref<1x16x128xi32, #tpu.memory_space<vmem>> -> memref<16x128xi32, #tpu.memory_space<vmem>>
      %dma_start3A_81 = arith.constant 0 : i32
      %dma_start3A_82 = arith.constant 0 : i32
      %dma_start3A_83 = tpu.memref_slice %arg4[%add3A, %dma_start3A_81, %dma_start3A_82] : memref<32x80x128xi32, #tpu.memory_space<hbm>> -> memref<1x16x128xi32, #tpu.memory_space<hbm>>
      %dma_start3A_84 = tpu.memref_squeeze %dma_start3A_83 : memref<1x16x128xi32, #tpu.memory_space<hbm>> -> memref<16x128xi32, #tpu.memory_space<hbm>>
      %dma_start3A_85 = arith.constant 0 : i32
      %dma_start3A_86 = arith.constant 0 : i32
      %dma_start3A_87 = tpu.memref_slice %arg7[%run_scoped3A_24, %dma_start3A_85, %dma_start3A_86] : memref<2x16x128xi32, #tpu.memory_space<vmem>> -> memref<1x16x128xi32, #tpu.memory_space<vmem>>
      %dma_start3A_88 = tpu.memref_squeeze %dma_start3A_87 : memref<1x16x128xi32, #tpu.memory_space<vmem>> -> memref<16x128xi32, #tpu.memory_space<vmem>>
      %dma_start3A_89 = arith.constant 0 : i32
      %dma_start3A_90 = arith.constant 0 : i32
      %dma_start3A_91 = tpu.memref_slice %arg4[%add3A, %dma_start3A_89, %dma_start3A_90] : memref<32x80x128xi32, #tpu.memory_space<hbm>> -> memref<1x16x128xi32, #tpu.memory_space<hbm>>
      %dma_start3A_92 = tpu.memref_squeeze %dma_start3A_91 : memref<1x16x128xi32, #tpu.memory_space<hbm>> -> memref<16x128xi32, #tpu.memory_space<hbm>>
      tpu.enqueue_dma source(%dma_start3A_92 : memref<16x128xi32, #tpu.memory_space<hbm>>) target(%dma_start3A_88 : memref<16x128xi32, #tpu.memory_space<vmem>>) target_semaphore(%run_scoped3A_76 : memref<!tpu.dma_semaphore, #tpu.memory_space<semaphore_mem>>)
      %dma_wait3A_93 = arith.constant 0 : i32
      %dma_wait3A_94 = arith.constant 0 : i32
      %dma_wait3A_95 = tpu.memref_slice %arg7[%run_scoped3A_24, %dma_wait3A_93, %dma_wait3A_94] : memref<2x16x128xi32, #tpu.memory_space<vmem>> -> memref<1x16x128xi32, #tpu.memory_space<vmem>>
      %dma_wait3A_96 = tpu.memref_squeeze %dma_wait3A_95 : memref<1x16x128xi32, #tpu.memory_space<vmem>> -> memref<16x128xi32, #tpu.memory_space<vmem>>
      %dma_wait3A_97 = arith.constant 0 : i32
      %dma_wait3A_98 = arith.constant 0 : i32
      %dma_wait3A_99 = tpu.memref_slice %arg4[%add3A, %dma_wait3A_97, %dma_wait3A_98] : memref<32x80x128xi32, #tpu.memory_space<hbm>> -> memref<1x16x128xi32, #tpu.memory_space<hbm>>
      %dma_wait3A_100 = tpu.memref_squeeze %dma_wait3A_99 : memref<1x16x128xi32, #tpu.memory_space<hbm>> -> memref<16x128xi32, #tpu.memory_space<hbm>>
      %dma_wait3A_101 = arith.constant 0 : i32
      %dma_wait3A_102 = arith.constant 0 : i32
      %dma_wait3A_103 = tpu.memref_slice %arg7[%run_scoped3A_24, %dma_wait3A_101, %dma_wait3A_102] : memref<2x16x128xi32, #tpu.memory_space<vmem>> -> memref<1x16x128xi32, #tpu.memory_space<vmem>>
      %dma_wait3A_104 = tpu.memref_squeeze %dma_wait3A_103 : memref<1x16x128xi32, #tpu.memory_space<vmem>> -> memref<16x128xi32, #tpu.memory_space<vmem>>
      %dma_wait3A_105 = arith.constant 0 : i32
      %dma_wait3A_106 = arith.constant 0 : i32
      %dma_wait3A_107 = tpu.memref_slice %arg4[%add3A, %dma_wait3A_105, %dma_wait3A_106] : memref<32x80x128xi32, #tpu.memory_space<hbm>> -> memref<1x16x128xi32, #tpu.memory_space<hbm>>
      %dma_wait3A_108 = tpu.memref_squeeze %dma_wait3A_107 : memref<1x16x128xi32, #tpu.memory_space<hbm>> -> memref<16x128xi32, #tpu.memory_space<hbm>>
      tpu.wait_dma2 semaphore(%run_scoped3A_76 : memref<!tpu.dma_semaphore, #tpu.memory_space<semaphore_mem>>) src(%dma_wait3A_108 : memref<16x128xi32, #tpu.memory_space<hbm>>) dst(%dma_wait3A_104 : memref<16x128xi32, #tpu.memory_space<vmem>>)
      tpu.yield
    }) : () -> ()
    %barrier3A = arith.constant 0 : index
    tpu.barrier barrier_id(%barrier3A)
    %dma_start3A = arith.constant 0 : i32
    %dma_start3A_25 = arith.constant 0 : i32
    %dma_start3A_26 = arith.constant 0 : i32
    %dma_start3A_27 = arith.constant 0 : i32
    %dma_start3A_28 = arith.constant 0 : i32
    %dma_start3A_29 = tpu.memref_slice %arg8[%dma_start3A_26, %dma_start3A_27, %dma_start3A_28] : memref<2x128x128xf32, #tpu.memory_space<vmem>> -> memref<1x128x128xf32, #tpu.memory_space<vmem>>
    %dma_start3A_30 = tpu.memref_squeeze %dma_start3A_29 : memref<1x128x128xf32, #tpu.memory_space<vmem>> -> memref<128x128xf32, #tpu.memory_space<vmem>>
    %dma_start3A_31 = arith.constant 0 : i32
    %dma_start3A_32 = tpu.memref_slice %arg6[%dma_start3A, %dma_start3A_25, %dma_start3A_31] : memref<2x16x128xi32, #tpu.memory_space<vmem>> -> memref<1x1x128xi32, #tpu.memory_space<vmem>>
    %dma_start3A_33 = tpu.memref_squeeze %dma_start3A_32 : memref<1x1x128xi32, #tpu.memory_space<vmem>> -> memref<128xi32, #tpu.memory_space<vmem>>
    %dma_start3A_34 = arith.constant 0 : i32
    %dma_start3A_35 = arith.constant 0 : i32
    %dma_start3A_36 = tpu.memref_slice %arg2[%dma_start3A_34, %dma_start3A_35] : memref<10000x128xf32, #tpu.memory_space<hbm>> -> memref<10000x128xf32, #tpu.memory_space<hbm>>
    tpu.enqueue_indirect_dma source(%dma_start3A_36 : memref<10000x128xf32, #tpu.memory_space<hbm>>) target(%dma_start3A_30 : memref<128x128xf32, #tpu.memory_space<vmem>>) offsets(%dma_start3A_33 : memref<128xi32, #tpu.memory_space<vmem>>) semaphore(%arg11 : memref<!tpu.dma_semaphore, #tpu.memory_space<semaphore_mem>>)
    %scan3A_37 = arith.constant 0 : i32
    %scan3A_38 = arith.constant 0 : i32
    %scan3A_39 = arith.constant 79 : i32
    %scan3A_40 = arith.addi %scan3A_38, %scan3A_39 : i32
    %scan3A_41 = arith.constant 1 : i32
    %scan3A_42 = scf.for %scan3A_76 = %scan3A_38 to %scan3A_40 step %scan3A_41 iter_args(%scan3A_77 = %scan3A_37) -> (i32)  : i32 {
      %jit3A = arith.constant 16 : i32
      %div3A = arith.divsi %scan3A_76, %jit3A : i32
      %sign3A = arith.constant 0 : i32
      %sign3A_78 = arith.cmpi sgt, %scan3A_76, %sign3A : i32
      %sign3A_79 = arith.extui %sign3A_78 : i1 to i32
      %sign3A_80 = arith.constant 0 : i32
      %sign3A_81 = arith.cmpi slt, %scan3A_76, %sign3A_80 : i32
      %sign3A_82 = arith.extui %sign3A_81 : i1 to i32
      %sign3A_83 = arith.subi %sign3A_79, %sign3A_82 : i32
      %sign3A_84 = arith.constant 0 : i32
      %sign3A_85 = arith.cmpi sgt, %jit3A, %sign3A_84 : i32
      %sign3A_86 = arith.extui %sign3A_85 : i1 to i32
      %sign3A_87 = arith.constant 0 : i32
      %sign3A_88 = arith.cmpi slt, %jit3A, %sign3A_87 : i32
      %sign3A_89 = arith.extui %sign3A_88 : i1 to i32
      %sign3A_90 = arith.subi %sign3A_86, %sign3A_89 : i32
      %ne3A = arith.cmpi ne, %sign3A_83, %sign3A_90 : i32
      %rem3A_91 = arith.remsi %scan3A_76, %jit3A : i32
      %ne3A_92 = arith.constant 0 : i32
      %ne3A_93 = arith.cmpi ne, %rem3A_91, %ne3A_92 : i32
      %and3A = arith.andi %ne3A, %ne3A_93 : i1
      %sub3A = arith.constant 1 : i32
      %sub3A_94 = arith.subi %div3A, %sub3A : i32
      %select_n3A = arith.select %and3A, %sub3A_94, %div3A : i32
      %rem3A_95 = arith.constant 16 : i32
      %rem3A_96 = arith.remsi %scan3A_76, %rem3A_95 : i32
      %rem3A_97 = arith.constant 2 : i32
      %rem3A_98 = arith.remsi %select_n3A, %rem3A_97 : i32
      %rem3A_99 = arith.constant 2 : i32
      %rem3A_100 = arith.remsi %scan3A_76, %rem3A_99 : i32
      %eq3A = arith.constant 0 : i32
      %eq3A_101 = arith.cmpi eq, %rem3A_96, %eq3A : i32
      %lt3A = arith.constant 4 : i32
      %lt3A_102 = arith.cmpi slt, %select_n3A, %lt3A : i32
      %and3A_103 = arith.andi %eq3A_101, %lt3A_102 : i1
      %convert_element_type3A = arith.extui %and3A_103 : i1 to i32
      %cond3A = arith.constant 0 : i32
      %cond3A_104 = arith.cmpi ne, %convert_element_type3A, %cond3A : i32
      scf.if %cond3A_104 {
        %add3A_135 = arith.constant 1 : i32
        %add3A_136 = arith.addi %select_n3A, %add3A_135 : i32
        %mul3A_137 = arith.constant 16 : i32
        %mul3A_138 = arith.muli %add3A_136, %mul3A_137 : i32
        %sub3A_139 = arith.constant 1 : i32
        %sub3A_140 = arith.subi %sub3A_139, %rem3A_98 : i32
        "tpu.region"() ({
          %run_scoped3A_145 = tpu.sem_alloc : memref<!tpu.dma_semaphore, #tpu.memory_space<semaphore_mem>>
          %dma_start3A_146 = arith.constant 0 : i32
          %dma_start3A_147 = arith.constant 0 : i32
          %dma_start3A_148 = tpu.memref_slice %arg6[%sub3A_140, %dma_start3A_146, %dma_start3A_147] : memref<2x16x128xi32, #tpu.memory_space<vmem>> -> memref<1x16x128xi32, #tpu.memory_space<vmem>>
          %dma_start3A_149 = tpu.memref_squeeze %dma_start3A_148 : memref<1x16x128xi32, #tpu.memory_space<vmem>> -> memref<16x128xi32, #tpu.memory_space<vmem>>
          %dma_start3A_150 = arith.constant 0 : i32
          %dma_start3A_151 = tpu.memref_slice %arg3[%add3A, %mul3A_138, %dma_start3A_150] : memref<32x80x128xi32, #tpu.memory_space<hbm>> -> memref<1x16x128xi32, #tpu.memory_space<hbm>>
          %dma_start3A_152 = tpu.memref_squeeze %dma_start3A_151 : memref<1x16x128xi32, #tpu.memory_space<hbm>> -> memref<16x128xi32, #tpu.memory_space<hbm>>
          %dma_start3A_153 = arith.constant 0 : i32
          %dma_start3A_154 = arith.constant 0 : i32
          %dma_start3A_155 = tpu.memref_slice %arg6[%sub3A_140, %dma_start3A_153, %dma_start3A_154] : memref<2x16x128xi32, #tpu.memory_space<vmem>> -> memref<1x16x128xi32, #tpu.memory_space<vmem>>
          %dma_start3A_156 = tpu.memref_squeeze %dma_start3A_155 : memref<1x16x128xi32, #tpu.memory_space<vmem>> -> memref<16x128xi32, #tpu.memory_space<vmem>>
          %dma_start3A_157 = arith.constant 0 : i32
          %dma_start3A_158 = tpu.memref_slice %arg3[%add3A, %mul3A_138, %dma_start3A_157] : memref<32x80x128xi32, #tpu.memory_space<hbm>> -> memref<1x16x128xi32, #tpu.memory_space<hbm>>
          %dma_start3A_159 = tpu.memref_squeeze %dma_start3A_158 : memref<1x16x128xi32, #tpu.memory_space<hbm>> -> memref<16x128xi32, #tpu.memory_space<hbm>>
          tpu.enqueue_dma source(%dma_start3A_159 : memref<16x128xi32, #tpu.memory_space<hbm>>) target(%dma_start3A_156 : memref<16x128xi32, #tpu.memory_space<vmem>>) target_semaphore(%run_scoped3A_145 : memref<!tpu.dma_semaphore, #tpu.memory_space<semaphore_mem>>)
          %dma_wait3A_160 = arith.constant 0 : i32
          %dma_wait3A_161 = arith.constant 0 : i32
          %dma_wait3A_162 = tpu.memref_slice %arg6[%sub3A_140, %dma_wait3A_160, %dma_wait3A_161] : memref<2x16x128xi32, #tpu.memory_space<vmem>> -> memref<1x16x128xi32, #tpu.memory_space<vmem>>
          %dma_wait3A_163 = tpu.memref_squeeze %dma_wait3A_162 : memref<1x16x128xi32, #tpu.memory_space<vmem>> -> memref<16x128xi32, #tpu.memory_space<vmem>>
          %dma_wait3A_164 = arith.constant 0 : i32
          %dma_wait3A_165 = tpu.memref_slice %arg3[%add3A, %mul3A_138, %dma_wait3A_164] : memref<32x80x128xi32, #tpu.memory_space<hbm>> -> memref<1x16x128xi32, #tpu.memory_space<hbm>>
          %dma_wait3A_166 = tpu.memref_squeeze %dma_wait3A_165 : memref<1x16x128xi32, #tpu.memory_space<hbm>> -> memref<16x128xi32, #tpu.memory_space<hbm>>
          %dma_wait3A_167 = arith.constant 0 : i32
          %dma_wait3A_168 = arith.constant 0 : i32
          %dma_wait3A_169 = tpu.memref_slice %arg6[%sub3A_140, %dma_wait3A_167, %dma_wait3A_168] : memref<2x16x128xi32, #tpu.memory_space<vmem>> -> memref<1x16x128xi32, #tpu.memory_space<vmem>>
          %dma_wait3A_170 = tpu.memref_squeeze %dma_wait3A_169 : memref<1x16x128xi32, #tpu.memory_space<vmem>> -> memref<16x128xi32, #tpu.memory_space<vmem>>
          %dma_wait3A_171 = arith.constant 0 : i32
          %dma_wait3A_172 = tpu.memref_slice %arg3[%add3A, %mul3A_138, %dma_wait3A_171] : memref<32x80x128xi32, #tpu.memory_space<hbm>> -> memref<1x16x128xi32, #tpu.memory_space<hbm>>
          %dma_wait3A_173 = tpu.memref_squeeze %dma_wait3A_172 : memref<1x16x128xi32, #tpu.memory_space<hbm>> -> memref<16x128xi32, #tpu.memory_space<hbm>>
          tpu.wait_dma2 semaphore(%run_scoped3A_145 : memref<!tpu.dma_semaphore, #tpu.memory_space<semaphore_mem>>) src(%dma_wait3A_173 : memref<16x128xi32, #tpu.memory_space<hbm>>) dst(%dma_wait3A_170 : memref<16x128xi32, #tpu.memory_space<vmem>>)
          tpu.yield
        }) : () -> ()
        %mul3A_141 = arith.constant 16 : i32
        %mul3A_142 = arith.muli %add3A_136, %mul3A_141 : i32
        %sub3A_143 = arith.constant 1 : i32
        %sub3A_144 = arith.subi %sub3A_143, %rem3A_98 : i32
        "tpu.region"() ({
          %run_scoped3A_145 = tpu.sem_alloc : memref<!tpu.dma_semaphore, #tpu.memory_space<semaphore_mem>>
          %dma_start3A_146 = arith.constant 0 : i32
          %dma_start3A_147 = arith.constant 0 : i32
          %dma_start3A_148 = tpu.memref_slice %arg7[%sub3A_144, %dma_start3A_146, %dma_start3A_147] : memref<2x16x128xi32, #tpu.memory_space<vmem>> -> memref<1x16x128xi32, #tpu.memory_space<vmem>>
          %dma_start3A_149 = tpu.memref_squeeze %dma_start3A_148 : memref<1x16x128xi32, #tpu.memory_space<vmem>> -> memref<16x128xi32, #tpu.memory_space<vmem>>
          %dma_start3A_150 = arith.constant 0 : i32
          %dma_start3A_151 = tpu.memref_slice %arg4[%add3A, %mul3A_142, %dma_start3A_150] : memref<32x80x128xi32, #tpu.memory_space<hbm>> -> memref<1x16x128xi32, #tpu.memory_space<hbm>>
          %dma_start3A_152 = tpu.memref_squeeze %dma_start3A_151 : memref<1x16x128xi32, #tpu.memory_space<hbm>> -> memref<16x128xi32, #tpu.memory_space<hbm>>
          %dma_start3A_153 = arith.constant 0 : i32
          %dma_start3A_154 = arith.constant 0 : i32
          %dma_start3A_155 = tpu.memref_slice %arg7[%sub3A_144, %dma_start3A_153, %dma_start3A_154] : memref<2x16x128xi32, #tpu.memory_space<vmem>> -> memref<1x16x128xi32, #tpu.memory_space<vmem>>
          %dma_start3A_156 = tpu.memref_squeeze %dma_start3A_155 : memref<1x16x128xi32, #tpu.memory_space<vmem>> -> memref<16x128xi32, #tpu.memory_space<vmem>>
          %dma_start3A_157 = arith.constant 0 : i32
          %dma_start3A_158 = tpu.memref_slice %arg4[%add3A, %mul3A_142, %dma_start3A_157] : memref<32x80x128xi32, #tpu.memory_space<hbm>> -> memref<1x16x128xi32, #tpu.memory_space<hbm>>
          %dma_start3A_159 = tpu.memref_squeeze %dma_start3A_158 : memref<1x16x128xi32, #tpu.memory_space<hbm>> -> memref<16x128xi32, #tpu.memory_space<hbm>>
          tpu.enqueue_dma source(%dma_start3A_159 : memref<16x128xi32, #tpu.memory_space<hbm>>) target(%dma_start3A_156 : memref<16x128xi32, #tpu.memory_space<vmem>>) target_semaphore(%run_scoped3A_145 : memref<!tpu.dma_semaphore, #tpu.memory_space<semaphore_mem>>)
          %dma_wait3A_160 = arith.constant 0 : i32
          %dma_wait3A_161 = arith.constant 0 : i32
          %dma_wait3A_162 = tpu.memref_slice %arg7[%sub3A_144, %dma_wait3A_160, %dma_wait3A_161] : memref<2x16x128xi32, #tpu.memory_space<vmem>> -> memref<1x16x128xi32, #tpu.memory_space<vmem>>
          %dma_wait3A_163 = tpu.memref_squeeze %dma_wait3A_162 : memref<1x16x128xi32, #tpu.memory_space<vmem>> -> memref<16x128xi32, #tpu.memory_space<vmem>>
          %dma_wait3A_164 = arith.constant 0 : i32
          %dma_wait3A_165 = tpu.memref_slice %arg4[%add3A, %mul3A_142, %dma_wait3A_164] : memref<32x80x128xi32, #tpu.memory_space<hbm>> -> memref<1x16x128xi32, #tpu.memory_space<hbm>>
          %dma_wait3A_166 = tpu.memref_squeeze %dma_wait3A_165 : memref<1x16x128xi32, #tpu.memory_space<hbm>> -> memref<16x128xi32, #tpu.memory_space<hbm>>
          %dma_wait3A_167 = arith.constant 0 : i32
          %dma_wait3A_168 = arith.constant 0 : i32
          %dma_wait3A_169 = tpu.memref_slice %arg7[%sub3A_144, %dma_wait3A_167, %dma_wait3A_168] : memref<2x16x128xi32, #tpu.memory_space<vmem>> -> memref<1x16x128xi32, #tpu.memory_space<vmem>>
          %dma_wait3A_170 = tpu.memref_squeeze %dma_wait3A_169 : memref<1x16x128xi32, #tpu.memory_space<vmem>> -> memref<16x128xi32, #tpu.memory_space<vmem>>
          %dma_wait3A_171 = arith.constant 0 : i32
          %dma_wait3A_172 = tpu.memref_slice %arg4[%add3A, %mul3A_142, %dma_wait3A_171] : memref<32x80x128xi32, #tpu.memory_space<hbm>> -> memref<1x16x128xi32, #tpu.memory_space<hbm>>
          %dma_wait3A_173 = tpu.memref_squeeze %dma_wait3A_172 : memref<1x16x128xi32, #tpu.memory_space<hbm>> -> memref<16x128xi32, #tpu.memory_space<hbm>>
          tpu.wait_dma2 semaphore(%run_scoped3A_145 : memref<!tpu.dma_semaphore, #tpu.memory_space<semaphore_mem>>) src(%dma_wait3A_173 : memref<16x128xi32, #tpu.memory_space<hbm>>) dst(%dma_wait3A_170 : memref<16x128xi32, #tpu.memory_space<vmem>>)
          tpu.yield
        }) : () -> ()
      } else {
      }
      %dma_wait3A_105 = arith.constant 0 : i32
      %dma_wait3A_106 = arith.constant 0 : i32
      %dma_wait3A_107 = tpu.memref_slice %arg8[%rem3A_100, %dma_wait3A_105, %dma_wait3A_106] : memref<2x128x128xf32, #tpu.memory_space<vmem>> -> memref<1x128x128xf32, #tpu.memory_space<vmem>>
      %dma_wait3A_108 = tpu.memref_squeeze %dma_wait3A_107 : memref<1x128x128xf32, #tpu.memory_space<vmem>> -> memref<128x128xf32, #tpu.memory_space<vmem>>
      %dma_wait3A_109 = arith.constant 0 : i32
      %dma_wait3A_110 = tpu.memref_slice %arg6[%rem3A_98, %rem3A_96, %dma_wait3A_109] : memref<2x16x128xi32, #tpu.memory_space<vmem>> -> memref<1x1x128xi32, #tpu.memory_space<vmem>>
      %dma_wait3A_111 = tpu.memref_squeeze %dma_wait3A_110 : memref<1x1x128xi32, #tpu.memory_space<vmem>> -> memref<128xi32, #tpu.memory_space<vmem>>
      %dma_wait3A_112 = arith.constant 0 : i32
      %dma_wait3A_113 = arith.constant 0 : i32
      %dma_wait3A_114 = tpu.memref_slice %arg2[%dma_wait3A_112, %dma_wait3A_113] : memref<10000x128xf32, #tpu.memory_space<hbm>> -> memref<10000x128xf32, #tpu.memory_space<hbm>>
      tpu.wait_indirect_dma semaphore(%arg11 : memref<!tpu.dma_semaphore, #tpu.memory_space<semaphore_mem>>) src(%dma_wait3A_114 : memref<10000x128xf32, #tpu.memory_space<hbm>>) dst(%dma_wait3A_108 : memref<128x128xf32, #tpu.memory_space<vmem>>)
      %dma_start3A_115 = arith.constant 0 : i32
      %dma_start3A_116 = arith.constant 0 : i32
      %dma_start3A_117 = tpu.memref_slice %arg8[%rem3A_100, %dma_start3A_115, %dma_start3A_116] : memref<2x128x128xf32, #tpu.memory_space<vmem>> -> memref<1x128x128xf32, #tpu.memory_space<vmem>>
      %dma_start3A_118 = tpu.memref_squeeze %dma_start3A_117 : memref<1x128x128xf32, #tpu.memory_space<vmem>> -> memref<128x128xf32, #tpu.memory_space<vmem>>
      %dma_start3A_119 = arith.constant 0 : i32
      %dma_start3A_120 = tpu.memref_slice %arg7[%rem3A_98, %rem3A_96, %dma_start3A_119] : memref<2x16x128xi32, #tpu.memory_space<vmem>> -> memref<1x1x128xi32, #tpu.memory_space<vmem>>
      %dma_start3A_121 = tpu.memref_squeeze %dma_start3A_120 : memref<1x1x128xi32, #tpu.memory_space<vmem>> -> memref<128xi32, #tpu.memory_space<vmem>>
      %dma_start3A_122 = arith.constant 0 : i32
      %dma_start3A_123 = arith.constant 0 : i32
      %dma_start3A_124 = tpu.memref_slice %arg10[%dma_start3A_122, %dma_start3A_123] : memref<10240x128xf32, #tpu.memory_space<vmem_shared>> -> memref<10240x128xf32, #tpu.memory_space<vmem_shared>>
      tpu.enqueue_indirect_dma source(%dma_start3A_118 : memref<128x128xf32, #tpu.memory_space<vmem>>) target(%dma_start3A_124 : memref<10240x128xf32, #tpu.memory_space<vmem_shared>>) offsets(%dma_start3A_121 : memref<128xi32, #tpu.memory_space<vmem>>) semaphore(%arg12 : memref<!tpu.dma_semaphore, #tpu.memory_space<semaphore_mem>>) {add = true}
      %ge3A = arith.constant 1 : i32
      %ge3A_125 = arith.cmpi sge, %scan3A_76, %ge3A : i32
      %convert_element_type3A_126 = arith.extui %ge3A_125 : i1 to i32
      %cond3A_127 = arith.constant 0 : i32
      %cond3A_128 = arith.cmpi ne, %convert_element_type3A_126, %cond3A_127 : i32
      scf.if %cond3A_128 {
        %sub3A_135 = arith.constant 1 : i32
        %sub3A_136 = arith.subi %scan3A_76, %sub3A_135 : i32
        %sub3A_137 = arith.constant 1 : i32
        %sub3A_138 = arith.subi %sub3A_137, %rem3A_100 : i32
        %jit3A_139 = arith.constant 16 : i32
        %div3A_140 = arith.divsi %sub3A_136, %jit3A_139 : i32
        %sign3A_141 = arith.constant 0 : i32
        %sign3A_142 = arith.cmpi sgt, %sub3A_136, %sign3A_141 : i32
        %sign3A_143 = arith.extui %sign3A_142 : i1 to i32
        %sign3A_144 = arith.constant 0 : i32
        %sign3A_145 = arith.cmpi slt, %sub3A_136, %sign3A_144 : i32
        %sign3A_146 = arith.extui %sign3A_145 : i1 to i32
        %sign3A_147 = arith.subi %sign3A_143, %sign3A_146 : i32
        %sign3A_148 = arith.constant 0 : i32
        %sign3A_149 = arith.cmpi sgt, %jit3A_139, %sign3A_148 : i32
        %sign3A_150 = arith.extui %sign3A_149 : i1 to i32
        %sign3A_151 = arith.constant 0 : i32
        %sign3A_152 = arith.cmpi slt, %jit3A_139, %sign3A_151 : i32
        %sign3A_153 = arith.extui %sign3A_152 : i1 to i32
        %sign3A_154 = arith.subi %sign3A_150, %sign3A_153 : i32
        %ne3A_155 = arith.cmpi ne, %sign3A_147, %sign3A_154 : i32
        %rem3A_156 = arith.remsi %sub3A_136, %jit3A_139 : i32
        %ne3A_157 = arith.constant 0 : i32
        %ne3A_158 = arith.cmpi ne, %rem3A_156, %ne3A_157 : i32
        %and3A_159 = arith.andi %ne3A_155, %ne3A_158 : i1
        %sub3A_160 = arith.constant 1 : i32
        %sub3A_161 = arith.subi %div3A_140, %sub3A_160 : i32
        %select_n3A_162 = arith.select %and3A_159, %sub3A_161, %div3A_140 : i32
        %rem3A_163 = arith.constant 2 : i32
        %rem3A_164 = arith.remsi %select_n3A_162, %rem3A_163 : i32
        %rem3A_165 = arith.constant 16 : i32
        %rem3A_166 = arith.remsi %sub3A_136, %rem3A_165 : i32
        %dma_wait3A_167 = arith.constant 0 : i32
        %dma_wait3A_168 = arith.constant 0 : i32
        %dma_wait3A_169 = tpu.memref_slice %arg8[%sub3A_138, %dma_wait3A_167, %dma_wait3A_168] : memref<2x128x128xf32, #tpu.memory_space<vmem>> -> memref<1x128x128xf32, #tpu.memory_space<vmem>>
        %dma_wait3A_170 = tpu.memref_squeeze %dma_wait3A_169 : memref<1x128x128xf32, #tpu.memory_space<vmem>> -> memref<128x128xf32, #tpu.memory_space<vmem>>
        %dma_wait3A_171 = arith.constant 0 : i32
        %dma_wait3A_172 = tpu.memref_slice %arg7[%rem3A_164, %rem3A_166, %dma_wait3A_171] : memref<2x16x128xi32, #tpu.memory_space<vmem>> -> memref<1x1x128xi32, #tpu.memory_space<vmem>>
        %dma_wait3A_173 = tpu.memref_squeeze %dma_wait3A_172 : memref<1x1x128xi32, #tpu.memory_space<vmem>> -> memref<128xi32, #tpu.memory_space<vmem>>
        %dma_wait3A_174 = arith.constant 0 : i32
        %dma_wait3A_175 = arith.constant 0 : i32
        %dma_wait3A_176 = tpu.memref_slice %arg10[%dma_wait3A_174, %dma_wait3A_175] : memref<10240x128xf32, #tpu.memory_space<vmem_shared>> -> memref<10240x128xf32, #tpu.memory_space<vmem_shared>>
        tpu.wait_indirect_dma semaphore(%arg12 : memref<!tpu.dma_semaphore, #tpu.memory_space<semaphore_mem>>) src(%dma_wait3A_170 : memref<128x128xf32, #tpu.memory_space<vmem>>) dst(%dma_wait3A_176 : memref<10240x128xf32, #tpu.memory_space<vmem_shared>>)
      } else {
      }
      %lt3A_129 = arith.constant 78 : i32
      %lt3A_130 = arith.cmpi slt, %scan3A_76, %lt3A_129 : i32
      %convert_element_type3A_131 = arith.extui %lt3A_130 : i1 to i32
      %cond3A_132 = arith.constant 0 : i32
      %cond3A_133 = arith.cmpi ne, %convert_element_type3A_131, %cond3A_132 : i32
      scf.if %cond3A_133 {
        %add3A_135 = arith.constant 1 : i32
        %add3A_136 = arith.addi %scan3A_76, %add3A_135 : i32
        %jit3A_137 = arith.constant 16 : i32
        %div3A_138 = arith.divsi %add3A_136, %jit3A_137 : i32
        %sign3A_139 = arith.constant 0 : i32
        %sign3A_140 = arith.cmpi sgt, %add3A_136, %sign3A_139 : i32
        %sign3A_141 = arith.extui %sign3A_140 : i1 to i32
        %sign3A_142 = arith.constant 0 : i32
        %sign3A_143 = arith.cmpi slt, %add3A_136, %sign3A_142 : i32
        %sign3A_144 = arith.extui %sign3A_143 : i1 to i32
        %sign3A_145 = arith.subi %sign3A_141, %sign3A_144 : i32
        %sign3A_146 = arith.constant 0 : i32
        %sign3A_147 = arith.cmpi sgt, %jit3A_137, %sign3A_146 : i32
        %sign3A_148 = arith.extui %sign3A_147 : i1 to i32
        %sign3A_149 = arith.constant 0 : i32
        %sign3A_150 = arith.cmpi slt, %jit3A_137, %sign3A_149 : i32
        %sign3A_151 = arith.extui %sign3A_150 : i1 to i32
        %sign3A_152 = arith.subi %sign3A_148, %sign3A_151 : i32
        %ne3A_153 = arith.cmpi ne, %sign3A_145, %sign3A_152 : i32
        %rem3A_154 = arith.remsi %add3A_136, %jit3A_137 : i32
        %ne3A_155 = arith.constant 0 : i32
        %ne3A_156 = arith.cmpi ne, %rem3A_154, %ne3A_155 : i32
        %and3A_157 = arith.andi %ne3A_153, %ne3A_156 : i1
        %sub3A_158 = arith.constant 1 : i32
        %sub3A_159 = arith.subi %div3A_138, %sub3A_158 : i32
        %select_n3A_160 = arith.select %and3A_157, %sub3A_159, %div3A_138 : i32
        %rem3A_161 = arith.constant 2 : i32
        %rem3A_162 = arith.remsi %select_n3A_160, %rem3A_161 : i32
        %rem3A_163 = arith.constant 16 : i32
        %rem3A_164 = arith.remsi %add3A_136, %rem3A_163 : i32
        %sub3A_165 = arith.constant 1 : i32
        %sub3A_166 = arith.subi %sub3A_165, %rem3A_100 : i32
        %dma_start3A_167 = arith.constant 0 : i32
        %dma_start3A_168 = arith.constant 0 : i32
        %dma_start3A_169 = tpu.memref_slice %arg8[%sub3A_166, %dma_start3A_167, %dma_start3A_168] : memref<2x128x128xf32, #tpu.memory_space<vmem>> -> memref<1x128x128xf32, #tpu.memory_space<vmem>>
        %dma_start3A_170 = tpu.memref_squeeze %dma_start3A_169 : memref<1x128x128xf32, #tpu.memory_space<vmem>> -> memref<128x128xf32, #tpu.memory_space<vmem>>
        %dma_start3A_171 = arith.constant 0 : i32
        %dma_start3A_172 = tpu.memref_slice %arg6[%rem3A_162, %rem3A_164, %dma_start3A_171] : memref<2x16x128xi32, #tpu.memory_space<vmem>> -> memref<1x1x128xi32, #tpu.memory_space<vmem>>
        %dma_start3A_173 = tpu.memref_squeeze %dma_start3A_172 : memref<1x1x128xi32, #tpu.memory_space<vmem>> -> memref<128xi32, #tpu.memory_space<vmem>>
        %dma_start3A_174 = arith.constant 0 : i32
        %dma_start3A_175 = arith.constant 0 : i32
        %dma_start3A_176 = tpu.memref_slice %arg2[%dma_start3A_174, %dma_start3A_175] : memref<10000x128xf32, #tpu.memory_space<hbm>> -> memref<10000x128xf32, #tpu.memory_space<hbm>>
        tpu.enqueue_indirect_dma source(%dma_start3A_176 : memref<10000x128xf32, #tpu.memory_space<hbm>>) target(%dma_start3A_170 : memref<128x128xf32, #tpu.memory_space<vmem>>) offsets(%dma_start3A_173 : memref<128xi32, #tpu.memory_space<vmem>>) semaphore(%arg11 : memref<!tpu.dma_semaphore, #tpu.memory_space<semaphore_mem>>)
      } else {
      }
      %scan3A_134 = arith.constant 0 : i32
      scf.yield %scan3A_134 : i32
    }
    %scan3A_43 = arith.constant 79 : i32
    %rem3A = arith.constant 78 : i32
    %rem3A_44 = arith.constant 2 : i32
    %rem3A_45 = arith.remsi %rem3A, %rem3A_44 : i32
    %rem3A_46 = arith.constant 4 : i32
    %rem3A_47 = arith.constant 2 : i32
    %rem3A_48 = arith.remsi %rem3A_46, %rem3A_47 : i32
    %rem3A_49 = arith.constant 78 : i32
    %rem3A_50 = arith.constant 16 : i32
    %rem3A_51 = arith.remsi %rem3A_49, %rem3A_50 : i32
    %dma_wait3A = arith.constant 0 : i32
    %dma_wait3A_52 = arith.constant 0 : i32
    %dma_wait3A_53 = tpu.memref_slice %arg8[%rem3A_45, %dma_wait3A, %dma_wait3A_52] : memref<2x128x128xf32, #tpu.memory_space<vmem>> -> memref<1x128x128xf32, #tpu.memory_space<vmem>>
    %dma_wait3A_54 = tpu.memref_squeeze %dma_wait3A_53 : memref<1x128x128xf32, #tpu.memory_space<vmem>> -> memref<128x128xf32, #tpu.memory_space<vmem>>
    %dma_wait3A_55 = arith.constant 0 : i32
    %dma_wait3A_56 = tpu.memref_slice %arg7[%rem3A_48, %rem3A_51, %dma_wait3A_55] : memref<2x16x128xi32, #tpu.memory_space<vmem>> -> memref<1x1x128xi32, #tpu.memory_space<vmem>>
    %dma_wait3A_57 = tpu.memref_squeeze %dma_wait3A_56 : memref<1x1x128xi32, #tpu.memory_space<vmem>> -> memref<128xi32, #tpu.memory_space<vmem>>
    %dma_wait3A_58 = arith.constant 0 : i32
    %dma_wait3A_59 = arith.constant 0 : i32
    %dma_wait3A_60 = tpu.memref_slice %arg10[%dma_wait3A_58, %dma_wait3A_59] : memref<10240x128xf32, #tpu.memory_space<vmem_shared>> -> memref<10240x128xf32, #tpu.memory_space<vmem_shared>>
    tpu.wait_indirect_dma semaphore(%arg12 : memref<!tpu.dma_semaphore, #tpu.memory_space<semaphore_mem>>) src(%dma_wait3A_54 : memref<128x128xf32, #tpu.memory_space<vmem>>) dst(%dma_wait3A_60 : memref<10240x128xf32, #tpu.memory_space<vmem_shared>>)
    %barrier3A_61 = arith.constant 0 : index
    tpu.barrier barrier_id(%barrier3A_61)
    %scan3A_62 = arith.constant 0 : i32
    %scan3A_63 = arith.constant 0 : i32
    %scan3A_64 = arith.constant 8 : i32
    %scan3A_65 = arith.addi %scan3A_63, %scan3A_64 : i32
    %scan3A_66 = arith.constant 1 : i32
    %scan3A_67 = scf.for %scan3A_76 = %scan3A_63 to %scan3A_65 step %scan3A_66 iter_args(%scan3A_77 = %scan3A_62) -> (i32)  : i32 {
      %mul3A_78 = arith.constant 16 : i32
      %mul3A_79 = arith.muli %scan3A_76, %mul3A_78 : i32
      %add3A_80 = arith.addi %mul3A_79, %arg1 : i32
      %lt3A = arith.constant 125 : i32
      %lt3A_81 = arith.cmpi slt, %add3A_80, %lt3A : i32
      %convert_element_type3A = arith.extui %lt3A_81 : i1 to i32
      %cond3A = arith.constant 0 : i32
      %cond3A_82 = arith.cmpi ne, %convert_element_type3A, %cond3A : i32
      scf.if %cond3A_82 {
        %mul3A_84 = arith.constant 80 : i32
        %mul3A_85 = arith.muli %add3A_80, %mul3A_84 : i32
        %mul3A_86 = arith.constant 80 : i32
        %mul3A_87 = arith.muli %add3A_80, %mul3A_86 : i32
        %dma_start3A_88 = arith.constant 0 : i32
        %dma_start3A_89 = tpu.memref_slice %arg5[%arg0, %mul3A_87, %dma_start3A_88] : memref<2x10000x128xf32, #tpu.memory_space<hbm>> -> memref<1x80x128xf32, #tpu.memory_space<hbm>>
        %dma_start3A_90 = tpu.memref_squeeze %dma_start3A_89 : memref<1x80x128xf32, #tpu.memory_space<hbm>> -> memref<80x128xf32, #tpu.memory_space<hbm>>
        %dma_start3A_91 = arith.constant 0 : i32
        %dma_start3A_92 = tpu.memref_slice %arg10[%mul3A_85, %dma_start3A_91] : memref<10240x128xf32, #tpu.memory_space<vmem_shared>> -> memref<80x128xf32, #tpu.memory_space<vmem_shared>>
        tpu.enqueue_dma source(%dma_start3A_92 : memref<80x128xf32, #tpu.memory_space<vmem_shared>>) target(%dma_start3A_90 : memref<80x128xf32, #tpu.memory_space<hbm>>) target_semaphore(%arg11 : memref<!tpu.dma_semaphore, #tpu.memory_space<semaphore_mem>>)
      } else {
      }
      %scan3A_83 = arith.constant 0 : i32
      scf.yield %scan3A_83 : i32
    }
    %scan3A_68 = arith.constant 8 : i32
    %scan3A_69 = arith.constant 0 : i32
    %scan3A_70 = arith.constant 0 : i32
    %scan3A_71 = arith.constant 8 : i32
    %scan3A_72 = arith.addi %scan3A_70, %scan3A_71 : i32
    %scan3A_73 = arith.constant 1 : i32
    %scan3A_74 = scf.for %scan3A_76 = %scan3A_70 to %scan3A_72 step %scan3A_73 iter_args(%scan3A_77 = %scan3A_69) -> (i32)  : i32 {
      %mul3A_78 = arith.constant 16 : i32
      %mul3A_79 = arith.muli %scan3A_76, %mul3A_78 : i32
      %add3A_80 = arith.addi %mul3A_79, %arg1 : i32
      %lt3A = arith.constant 125 : i32
      %lt3A_81 = arith.cmpi slt, %add3A_80, %lt3A : i32
      %convert_element_type3A = arith.extui %lt3A_81 : i1 to i32
      %cond3A = arith.constant 0 : i32
      %cond3A_82 = arith.cmpi ne, %convert_element_type3A, %cond3A : i32
      scf.if %cond3A_82 {
        %mul3A_84 = arith.constant 80 : i32
        %mul3A_85 = arith.muli %add3A_80, %mul3A_84 : i32
        %mul3A_86 = arith.constant 80 : i32
        %mul3A_87 = arith.muli %add3A_80, %mul3A_86 : i32
        %dma_wait3A_88 = arith.constant 0 : i32
        %dma_wait3A_89 = tpu.memref_slice %arg5[%arg0, %mul3A_87, %dma_wait3A_88] : memref<2x10000x128xf32, #tpu.memory_space<hbm>> -> memref<1x80x128xf32, #tpu.memory_space<hbm>>
        %dma_wait3A_90 = tpu.memref_squeeze %dma_wait3A_89 : memref<1x80x128xf32, #tpu.memory_space<hbm>> -> memref<80x128xf32, #tpu.memory_space<hbm>>
        %dma_wait3A_91 = arith.constant 0 : i32
        %dma_wait3A_92 = tpu.memref_slice %arg10[%mul3A_85, %dma_wait3A_91] : memref<10240x128xf32, #tpu.memory_space<vmem_shared>> -> memref<80x128xf32, #tpu.memory_space<vmem_shared>>
        tpu.wait_dma2 semaphore(%arg11 : memref<!tpu.dma_semaphore, #tpu.memory_space<semaphore_mem>>) src(%dma_wait3A_92 : memref<80x128xf32, #tpu.memory_space<vmem_shared>>) dst(%dma_wait3A_90 : memref<80x128xf32, #tpu.memory_space<hbm>>)
      } else {
      }
      %scan3A_83 = arith.constant 0 : i32
      scf.yield %scan3A_83 : i32
    }
    %scan3A_75 = arith.constant 8 : i32
    return
  }
}

module attributes {stable_mosaic.version = 14 : i64} {
  func.func @_tc1_body(%arg0: i32, %arg1: memref<2x1000x128xf32, #tpu.memory_space<vmem>>, %arg2: memref<1000x128xf32, #tpu.memory_space<vmem>>, %arg3: memref<128x128xf32, #tpu.memory_space<vmem>>, %arg4: memref<1000x128xf32, #tpu.memory_space<vmem>>) attributes {dimension_semantics = [#tpu.dimension_semantics<arbitrary>], iteration_bounds = array<i64: 10>, scalar_prefetch = 0 : i64, scratch_operands = 0 : i64, tpu.core_type = #tpu.core_type<tc>, window_params = [{transform_indices = @transform_0, window_bounds = array<i64: 2, 1000, 128>}, {transform_indices = @transform_1, window_bounds = array<i64: 1000, 128>}, {pipeline_mode = #tpu.pipeline_mode<synchronous>, transform_indices = @transform_2, window_bounds = array<i64: 128, 128>}, {transform_indices = @transform_3, window_bounds = array<i64: 1000, 128>}]} {
    %get3A = arith.constant 0 : index
    %get3A_0 = arith.constant 0 : index
    %get3A_1 = arith.constant 0 : index
    %get3A_2 = vector.load %arg1[%get3A, %get3A_0, %get3A_1] : memref<2x1000x128xf32, #tpu.memory_space<vmem>>, vector<1x1000x1xf32>
    %get3A_3 = vector.shape_cast %get3A_2 : vector<1x1000x1xf32> to vector<1000xf32>
    %get3A_4 = arith.constant 1 : index
    %get3A_5 = arith.constant 0 : index
    %get3A_6 = arith.constant 0 : index
    %get3A_7 = vector.load %arg1[%get3A_4, %get3A_5, %get3A_6] : memref<2x1000x128xf32, #tpu.memory_space<vmem>>, vector<1x1000x1xf32>
    %get3A_8 = vector.shape_cast %get3A_7 : vector<1x1000x1xf32> to vector<1000xf32>
    %add3A = arith.addf %get3A_3, %get3A_8 : vector<1000xf32>
    %add3A_9 = arith.constant 1.000000e+00 : f32
    %add3A_10 = vector.broadcast %add3A_9 : f32 to vector<1000xf32>
    %add3A_11 = arith.addf %add3A, %add3A_10 : vector<1000xf32>
    %rsqrt3A = math.rsqrt %add3A_11 : vector<1000xf32>
    %broadcast_in_dim3A = vector.shape_cast %rsqrt3A : vector<1000xf32> to vector<1000x1xf32>
    %get3A_12 = arith.constant 0 : index
    %get3A_13 = arith.constant 0 : index
    %get3A_14 = vector.load %arg2[%get3A_12, %get3A_13] : memref<1000x128xf32, #tpu.memory_space<vmem>>, vector<1000x128xf32>
    %get3A_15 = arith.constant 0 : index
    %get3A_16 = arith.constant 0 : index
    %get3A_17 = vector.load %arg3[%get3A_15, %get3A_16] : memref<128x128xf32, #tpu.memory_space<vmem>>, vector<128x128xf32>
    %dot_general3A = arith.constant dense<0.000000e+00> : vector<1000x128xf32>
    %dot_general3A_18 = tpu.matmul %get3A_14, %get3A_17, %dot_general3A {dimension_numbers = #tpu.dot_dimension_numbers<[1], [0], [0], [1], [0, 0, 1, 1], [], []>, transpose_lhs_hint = false} : vector<1000x128xf32>, vector<128x128xf32>, vector<1000x128xf32> -> vector<1000x128xf32>
    %mul3A = vector.broadcast %broadcast_in_dim3A : vector<1000x1xf32> to vector<1000x128xf32>
    %mul3A_19 = arith.mulf %mul3A, %dot_general3A_18 : vector<1000x128xf32>
    %swap3A = arith.constant 0 : index
    %swap3A_20 = arith.constant 0 : index
    %swap3A_21 = vector.load %arg4[%swap3A, %swap3A_20] : memref<1000x128xf32, #tpu.memory_space<vmem>>, vector<1000x128xf32>
    tpu.vector_store %arg4[%swap3A, %swap3A_20], %mul3A_19 {strides = array<i32>} : memref<1000x128xf32, #tpu.memory_space<vmem>>, vector<1000x128xf32>,
    return
  }
  func.func @transform_0(%arg0: i32) -> (i32, i32, i32) {
    %c0_i32 = arith.constant 0 : i32
    %c0_i32_0 = arith.constant 0 : i32
    %c0_i32_1 = arith.constant 0 : i32
    return %c0_i32, %arg0, %c0_i32_0 : i32, i32, i32
  }
  func.func @transform_1(%arg0: i32) -> (i32, i32) {
    %c0_i32 = arith.constant 0 : i32
    %c0_i32_0 = arith.constant 0 : i32
    return %arg0, %c0_i32 : i32, i32
  }
  func.func @transform_2(%arg0: i32) -> (i32, i32) {
    %c0_i32 = arith.constant 0 : i32
    %c0_i32_0 = arith.constant 0 : i32
    %c0_i32_1 = arith.constant 0 : i32
    return %c0_i32, %c0_i32_0 : i32, i32
  }
  func.func @transform_3(%arg0: i32) -> (i32, i32) {
    %c0_i32 = arith.constant 0 : i32
    %c0_i32_0 = arith.constant 0 : i32
    return %arg0, %c0_i32 : i32, i32
  }
}

module attributes {stable_mosaic.version = 14 : i64} {
  func.func @_tc2_body(%arg0: i32, %arg1: memref<2x1000x128xf32, #tpu.memory_space<vmem>>, %arg2: memref<2x1000x128xf32, #tpu.memory_space<vmem>>, %arg3: memref<1000x128xf32, #tpu.memory_space<vmem>>, %arg4: memref<128x128xf32, #tpu.memory_space<vmem>>, %arg5: memref<128xf32, #tpu.memory_space<vmem>>, %arg6: memref<1000x128xf32, #tpu.memory_space<vmem>>) attributes {dimension_semantics = [#tpu.dimension_semantics<arbitrary>], iteration_bounds = array<i64: 10>, scalar_prefetch = 0 : i64, scratch_operands = 0 : i64, tpu.core_type = #tpu.core_type<tc>, window_params = [{transform_indices = @transform_0, window_bounds = array<i64: 2, 1000, 128>}, {transform_indices = @transform_1, window_bounds = array<i64: 2, 1000, 128>}, {transform_indices = @transform_2, window_bounds = array<i64: 1000, 128>}, {pipeline_mode = #tpu.pipeline_mode<synchronous>, transform_indices = @transform_3, window_bounds = array<i64: 128, 128>}, {pipeline_mode = #tpu.pipeline_mode<synchronous>, transform_indices = @transform_4, window_bounds = array<i64: 128>}, {transform_indices = @transform_5, window_bounds = array<i64: 1000, 128>}]} {
    %get3A = arith.constant 0 : index
    %get3A_0 = arith.constant 0 : index
    %get3A_1 = arith.constant 0 : index
    %get3A_2 = vector.load %arg1[%get3A, %get3A_0, %get3A_1] : memref<2x1000x128xf32, #tpu.memory_space<vmem>>, vector<1x1000x1xf32>
    %get3A_3 = vector.shape_cast %get3A_2 : vector<1x1000x1xf32> to vector<1000xf32>
    %get3A_4 = arith.constant 1 : index
    %get3A_5 = arith.constant 0 : index
    %get3A_6 = arith.constant 0 : index
    %get3A_7 = vector.load %arg1[%get3A_4, %get3A_5, %get3A_6] : memref<2x1000x128xf32, #tpu.memory_space<vmem>>, vector<1x1000x1xf32>
    %get3A_8 = vector.shape_cast %get3A_7 : vector<1x1000x1xf32> to vector<1000xf32>
    %add3A = arith.addf %get3A_3, %get3A_8 : vector<1000xf32>
    %add3A_9 = arith.constant 1.000000e+00 : f32
    %add3A_10 = vector.broadcast %add3A_9 : f32 to vector<1000xf32>
    %add3A_11 = arith.addf %add3A, %add3A_10 : vector<1000xf32>
    %rsqrt3A = math.rsqrt %add3A_11 : vector<1000xf32>
    %broadcast_in_dim3A = vector.shape_cast %rsqrt3A : vector<1000xf32> to vector<1000x1xf32>
    %get3A_12 = arith.constant 0 : index
    %get3A_13 = arith.constant 0 : index
    %get3A_14 = arith.constant 0 : index
    %get3A_15 = vector.load %arg2[%get3A_12, %get3A_13, %get3A_14] : memref<2x1000x128xf32, #tpu.memory_space<vmem>>, vector<1x1000x128xf32>
    %get3A_16 = vector.shape_cast %get3A_15 : vector<1x1000x128xf32> to vector<1000x128xf32>
    %get3A_17 = arith.constant 1 : index
    %get3A_18 = arith.constant 0 : index
    %get3A_19 = arith.constant 0 : index
    %get3A_20 = vector.load %arg2[%get3A_17, %get3A_18, %get3A_19] : memref<2x1000x128xf32, #tpu.memory_space<vmem>>, vector<1x1000x128xf32>
    %get3A_21 = vector.shape_cast %get3A_20 : vector<1x1000x128xf32> to vector<1000x128xf32>
    %add3A_22 = arith.addf %get3A_16, %get3A_21 : vector<1000x128xf32>
    %get3A_23 = arith.constant 0 : index
    %get3A_24 = arith.constant 0 : index
    %get3A_25 = vector.load %arg3[%get3A_23, %get3A_24] : memref<1000x128xf32, #tpu.memory_space<vmem>>, vector<1000x128xf32>
    %add3A_26 = arith.addf %add3A_22, %get3A_25 : vector<1000x128xf32>
    %mul3A = vector.broadcast %broadcast_in_dim3A : vector<1000x1xf32> to vector<1000x128xf32>
    %mul3A_27 = arith.mulf %mul3A, %add3A_26 : vector<1000x128xf32>
    %get3A_28 = arith.constant 0 : index
    %get3A_29 = vector.load %arg5[%get3A_28] : memref<128xf32, #tpu.memory_space<vmem>>, vector<128xf32>
    %broadcast_in_dim3A_30 = vector.shape_cast %get3A_29 : vector<128xf32> to vector<1x128xf32>
    %add3A_31 = vector.broadcast %broadcast_in_dim3A_30 : vector<1x128xf32> to vector<1000x128xf32>
    %add3A_32 = arith.addf %mul3A_27, %add3A_31 : vector<1000x128xf32>
    %max3A = arith.constant 0.000000e+00 : f32
    %max3A_33 = vector.broadcast %max3A : f32 to vector<1000x128xf32>
    %max3A_34 = arith.maximumf %add3A_32, %max3A_33 : vector<1000x128xf32>
    %get3A_35 = arith.constant 0 : index
    %get3A_36 = arith.constant 0 : index
    %get3A_37 = vector.load %arg4[%get3A_35, %get3A_36] : memref<128x128xf32, #tpu.memory_space<vmem>>, vector<128x128xf32>
    %dot_general3A = arith.constant dense<0.000000e+00> : vector<1000x128xf32>
    %dot_general3A_38 = tpu.matmul %max3A_34, %get3A_37, %dot_general3A {dimension_numbers = #tpu.dot_dimension_numbers<[1], [0], [0], [1], [0, 0, 1, 1], [], []>, transpose_lhs_hint = false} : vector<1000x128xf32>, vector<128x128xf32>, vector<1000x128xf32> -> vector<1000x128xf32>
    %mul3A_39 = vector.broadcast %broadcast_in_dim3A : vector<1000x1xf32> to vector<1000x128xf32>
    %mul3A_40 = arith.mulf %mul3A_39, %dot_general3A_38 : vector<1000x128xf32>
    %swap3A = arith.constant 0 : index
    %swap3A_41 = arith.constant 0 : index
    %swap3A_42 = vector.load %arg6[%swap3A, %swap3A_41] : memref<1000x128xf32, #tpu.memory_space<vmem>>, vector<1000x128xf32>
    tpu.vector_store %arg6[%swap3A, %swap3A_41], %mul3A_40 {strides = array<i32>} : memref<1000x128xf32, #tpu.memory_space<vmem>>, vector<1000x128xf32>,
    return
  }
  func.func @transform_0(%arg0: i32) -> (i32, i32, i32) {
    %c0_i32 = arith.constant 0 : i32
    %c0_i32_0 = arith.constant 0 : i32
    %c0_i32_1 = arith.constant 0 : i32
    return %c0_i32, %arg0, %c0_i32_0 : i32, i32, i32
  }
  func.func @transform_1(%arg0: i32) -> (i32, i32, i32) {
    %c0_i32 = arith.constant 0 : i32
    %c0_i32_0 = arith.constant 0 : i32
    %c0_i32_1 = arith.constant 0 : i32
    return %c0_i32, %arg0, %c0_i32_0 : i32, i32, i32
  }
  func.func @transform_2(%arg0: i32) -> (i32, i32) {
    %c0_i32 = arith.constant 0 : i32
    %c0_i32_0 = arith.constant 0 : i32
    return %arg0, %c0_i32 : i32, i32
  }
  func.func @transform_3(%arg0: i32) -> (i32, i32) {
    %c0_i32 = arith.constant 0 : i32
    %c0_i32_0 = arith.constant 0 : i32
    %c0_i32_1 = arith.constant 0 : i32
    return %c0_i32, %c0_i32_0 : i32, i32
  }
  func.func @transform_4(%arg0: i32) -> i32 {
    %c0_i32 = arith.constant 0 : i32
    %c0_i32_0 = arith.constant 0 : i32
    return %c0_i32 : i32
  }
  func.func @transform_5(%arg0: i32) -> (i32, i32) {
    %c0_i32 = arith.constant 0 : i32
    %c0_i32_0 = arith.constant 0 : i32
    return %arg0, %c0_i32 : i32, i32
  }
}

module attributes {stable_mosaic.version = 14 : i64} {
  func.func @_tc3_body(%arg0: i32, %arg1: memref<2x1000x128xf32, #tpu.memory_space<vmem>>, %arg2: memref<2x1000x128xf32, #tpu.memory_space<vmem>>, %arg3: memref<1000x128xf32, #tpu.memory_space<vmem>>, %arg4: memref<128xf32, #tpu.memory_space<vmem>>, %arg5: memref<1000x128xf32, #tpu.memory_space<vmem>>) attributes {dimension_semantics = [#tpu.dimension_semantics<arbitrary>], iteration_bounds = array<i64: 10>, scalar_prefetch = 0 : i64, scratch_operands = 0 : i64, tpu.core_type = #tpu.core_type<tc>, window_params = [{transform_indices = @transform_0, window_bounds = array<i64: 2, 1000, 128>}, {transform_indices = @transform_1, window_bounds = array<i64: 2, 1000, 128>}, {transform_indices = @transform_2, window_bounds = array<i64: 1000, 128>}, {pipeline_mode = #tpu.pipeline_mode<synchronous>, transform_indices = @transform_3, window_bounds = array<i64: 128>}, {transform_indices = @transform_4, window_bounds = array<i64: 1000, 128>}]} {
    %get3A = arith.constant 0 : index
    %get3A_0 = arith.constant 0 : index
    %get3A_1 = arith.constant 0 : index
    %get3A_2 = vector.load %arg1[%get3A, %get3A_0, %get3A_1] : memref<2x1000x128xf32, #tpu.memory_space<vmem>>, vector<1x1000x1xf32>
    %get3A_3 = vector.shape_cast %get3A_2 : vector<1x1000x1xf32> to vector<1000xf32>
    %get3A_4 = arith.constant 1 : index
    %get3A_5 = arith.constant 0 : index
    %get3A_6 = arith.constant 0 : index
    %get3A_7 = vector.load %arg1[%get3A_4, %get3A_5, %get3A_6] : memref<2x1000x128xf32, #tpu.memory_space<vmem>>, vector<1x1000x1xf32>
    %get3A_8 = vector.shape_cast %get3A_7 : vector<1x1000x1xf32> to vector<1000xf32>
    %add3A = arith.addf %get3A_3, %get3A_8 : vector<1000xf32>
    %add3A_9 = arith.constant 1.000000e+00 : f32
    %add3A_10 = vector.broadcast %add3A_9 : f32 to vector<1000xf32>
    %add3A_11 = arith.addf %add3A, %add3A_10 : vector<1000xf32>
    %rsqrt3A = math.rsqrt %add3A_11 : vector<1000xf32>
    %broadcast_in_dim3A = vector.shape_cast %rsqrt3A : vector<1000xf32> to vector<1000x1xf32>
    %get3A_12 = arith.constant 0 : index
    %get3A_13 = arith.constant 0 : index
    %get3A_14 = arith.constant 0 : index
    %get3A_15 = vector.load %arg2[%get3A_12, %get3A_13, %get3A_14] : memref<2x1000x128xf32, #tpu.memory_space<vmem>>, vector<1x1000x128xf32>
    %get3A_16 = vector.shape_cast %get3A_15 : vector<1x1000x128xf32> to vector<1000x128xf32>
    %get3A_17 = arith.constant 1 : index
    %get3A_18 = arith.constant 0 : index
    %get3A_19 = arith.constant 0 : index
    %get3A_20 = vector.load %arg2[%get3A_17, %get3A_18, %get3A_19] : memref<2x1000x128xf32, #tpu.memory_space<vmem>>, vector<1x1000x128xf32>
    %get3A_21 = vector.shape_cast %get3A_20 : vector<1x1000x128xf32> to vector<1000x128xf32>
    %add3A_22 = arith.addf %get3A_16, %get3A_21 : vector<1000x128xf32>
    %get3A_23 = arith.constant 0 : index
    %get3A_24 = arith.constant 0 : index
    %get3A_25 = vector.load %arg3[%get3A_23, %get3A_24] : memref<1000x128xf32, #tpu.memory_space<vmem>>, vector<1000x128xf32>
    %add3A_26 = arith.addf %add3A_22, %get3A_25 : vector<1000x128xf32>
    %mul3A = vector.broadcast %broadcast_in_dim3A : vector<1000x1xf32> to vector<1000x128xf32>
    %mul3A_27 = arith.mulf %mul3A, %add3A_26 : vector<1000x128xf32>
    %get3A_28 = arith.constant 0 : index
    %get3A_29 = vector.load %arg4[%get3A_28] : memref<128xf32, #tpu.memory_space<vmem>>, vector<128xf32>
    %broadcast_in_dim3A_30 = vector.shape_cast %get3A_29 : vector<128xf32> to vector<1x128xf32>
    %add3A_31 = vector.broadcast %broadcast_in_dim3A_30 : vector<1x128xf32> to vector<1000x128xf32>
    %add3A_32 = arith.addf %mul3A_27, %add3A_31 : vector<1000x128xf32>
    %max3A = arith.constant 0.000000e+00 : f32
    %max3A_33 = vector.broadcast %max3A : f32 to vector<1000x128xf32>
    %max3A_34 = arith.maximumf %add3A_32, %max3A_33 : vector<1000x128xf32>
    %swap3A = arith.constant 0 : index
    %swap3A_35 = arith.constant 0 : index
    %swap3A_36 = vector.load %arg5[%swap3A, %swap3A_35] : memref<1000x128xf32, #tpu.memory_space<vmem>>, vector<1000x128xf32>
    tpu.vector_store %arg5[%swap3A, %swap3A_35], %max3A_34 {strides = array<i32>} : memref<1000x128xf32, #tpu.memory_space<vmem>>, vector<1000x128xf32>,
    return
  }
  func.func @transform_0(%arg0: i32) -> (i32, i32, i32) {
    %c0_i32 = arith.constant 0 : i32
    %c0_i32_0 = arith.constant 0 : i32
    %c0_i32_1 = arith.constant 0 : i32
    return %c0_i32, %arg0, %c0_i32_0 : i32, i32, i32
  }
  func.func @transform_1(%arg0: i32) -> (i32, i32, i32) {
    %c0_i32 = arith.constant 0 : i32
    %c0_i32_0 = arith.constant 0 : i32
    %c0_i32_1 = arith.constant 0 : i32
    return %c0_i32, %arg0, %c0_i32_0 : i32, i32, i32
  }
  func.func @transform_2(%arg0: i32) -> (i32, i32) {
    %c0_i32 = arith.constant 0 : i32
    %c0_i32_0 = arith.constant 0 : i32
    return %arg0, %c0_i32 : i32, i32
  }
  func.func @transform_3(%arg0: i32) -> i32 {
    %c0_i32 = arith.constant 0 : i32
    %c0_i32_0 = arith.constant 0 : i32
    return %c0_i32 : i32
  }
  func.func @transform_4(%arg0: i32) -> (i32, i32) {
    %c0_i32 = arith.constant 0 : i32
    %c0_i32_0 = arith.constant 0 : i32
    return %arg0, %c0_i32 : i32, i32
  }
}

</mosaic_0001>

<sc_bundles>
// kernel: kernel.11.cloned.1.call-start
scs
__scs_entry_jumppad:
0x0: {  	(pc) =	sbr.rel $0x88, $3  }
0x1: {  	(tag) =	ssettag $0x0;
	lr =	simm.s32 $0x1  }
0x2: {  	[smem:$0x3F9B] =	sst lr;
	_ =	strace $0xD0000000  }
0x3: {  	_ = 	snop  }
0x4: {  	_ = 	snop  }
0x5: {  	_ = 	snop  }
0x6: {  	_ = 	snop  }
0x7: {  	_ = 	snop  }
__scs_overlays_trampoline_lowered:
0x8: {  	[smem:$0x3FAA] =	sst s0  }
0x9: {  	[smem:$0x3FAB] =	sst s1  }
0xa: {  	[smem:$0x3FAC] =	sst s2  }
0xb: {  	[smem:$0x3FAD] =	sst s3  }
0xc: {  	[smem:$0x3FAE] =	sst s4  }
0xd: {  	[smem:$0x3FAF] =	sst s5  }
0xe: {  	[smem:$0x3FB0] =	sst s6  }
0xf: {  	[smem:$0x3FB1] =	sst s7  }
0x10: {  	[smem:$0x3FB2] =	sst s8  }
0x11: {  	[smem:$0x3FB3] =	sst s9;
	s0 =	simm.s32 @!p0 $0x0  }
0x12: {  	s1 =	sld [smem:$0x3F99];
	s0 =	simm.s32 @p0 $0x1  }
0x13: {  	[smem:$0x3FB4] =	sst s0;
	s0 =	simm.s32 @!p1 $0x0  }
0x14: {  	s2 =	sld [smem:$0x3F98];
	s0 =	simm.s32 @p1 $0x1  }
0x15: {  	[smem:$0x3FB5] =	sst s0;
	s0 =	simm.s32 @!p2 $0x0  }
0x16: {  	s3 =	sld [smem:$0x3FDB];
	s0 =	simm.s32 @p2 $0x1  }
0x17: {  	s4 =	simm.s32 $0x1BF5;
	[smem:$0x3FB7] =	sst s0  }
0x18: {  	s0 =	sld [smem:$0x3F9A];
	_ =	swait.ge [sflag:s4], $0x0  }
0x19: {  	s7 =	sld [smem:$0x3F9B]  }
0x1a: {  	s8 =	sadd.s32 $0xFFFFE003, lr  }
0x1b: {  	s9 =	sadd.s32 $0xFFFFFEF7, lr;
	s5 =	simm.s32 $0xFFFFFFFF;
	p2 =	slt.u32 s8, $0xFFFFF086  }
0x1c: {  	p1 =	slt.u32 s9, $0xF7A;
	s5 =	simm.s32 @!p2 $0x0  }
0x1d: {  	s5 =	simm.s32 @p1 $0x1;
	p0 =	seq.s32 s7, s2  }
0x1e: {  	s7 =	smul.u32 @!p0 $0xF7A, s2;
	p2 =	seq.s32 @!p0 s5, $0x0  }
0x1f: {  	s9 =	smul.u32 $0xF7A, s1;
	s8 =	simm.s32 @!p0 $0x1BF5;
	p2 =	por !p2, p0  }
0x20: {  	[sflag:s8] =	ssyncset.s32 @!p0 $0xFFFFF086;
	s6 =	sadd.s32 @!p0 s3, s7;
	s7 =	simm.s32 @!p0 $0x108  }
0x21: {  	s3 =	sadd.s32 s3, s9;
	s6 =	sadd.s32 @!p0 $0x88, s6;
	s7 =	simm.s32 @p2 $0x1082  }
0x22: {  	[simem:s7], [sflag:s8] =	dma.local @!p0 [hbm:s6], $0xF7A  }
0x23: {  	s9 =	sor.u32 $0xD0000000, s2;
	s6 =	simm.s32 $0x108;
	_ =	swait.ge @!p0 [sflag:s8], $0x0  }
0x24: {  	s3 =	sadd.s32 $0x88, s3;
	s6 =	simm.s32 @!p1 $0x1082;
	[sflag:s4] =	ssyncset.s32 $0xFFFFF086  }
0x25: {  	[simem:s6], [sflag:s4] =	dma.local [hbm:s3], $0xF7A  }
0x26: {  	[smem:$0x3F9B] =	sst s1;
	(tag) =	ssettag s2;
	_ =	strace s9  }
0x27: {  	s1 =	sld [smem:$0x3FAB]  }
0x28: {  	s2 =	sld [smem:$0x3FAC]  }
0x29: {  	s4 =	sld [smem:$0x3FAE]  }
0x2a: {  	p0 =	seq.s32 s5, $0x0;
	s5 =	sld [smem:$0x3FAF]  }
0x2b: {  	s6 =	sld [smem:$0x3FB0]  }
0x2c: {  	s7 =	sld [smem:$0x3FB1]  }
0x2d: {  	s3 =	simm.s32 $0x108;
	s8 =	sld [smem:$0x3FB2]  }
0x2e: {  	s3 =	simm.s32 @!p0 $0x1082;
	s9 =	sld [smem:$0x3FB3]  }
0x2f: {  	lr =	sadd.s32 s0, s3;
	s0 =	sld [smem:$0x3FAA]  }
0x30: {  	s3 =	sld [smem:$0x3FAD]  }
0x31: {  	[smem:$0x3FB6] =	sst s10  }
0x32: {  	s10 =	sld [smem:$0x3FB4];
	_ =	sdelay $0x3  }
0x33: {  	p0 =	seq.s32 s10, $0x1;
	s10 =	sld [smem:$0x3FB6];
	_ =	sdelay $0x3  }
0x34: {  	[smem:$0x3FB6] =	sst s10  }
0x35: {  	s10 =	sld [smem:$0x3FB5];
	_ =	sdelay $0x3  }
0x36: {  	p1 =	seq.s32 s10, $0x1;
	s10 =	sld [smem:$0x3FB6];
	_ =	sdelay $0x3  }
0x37: {  	[smem:$0x3FB6] =	sst s10  }
0x38: {  	s10 =	sld [smem:$0x3FB7]  }
0x39: {  	_ = 	snop;
	(pc) =	sbr.ind lr, $3  }
0x3a: {  	_ = 	snop  }
0x3b: {  	_ = 	snop  }
0x3c: {  	p2 =	seq.s32 s10, $0x1;
	s10 =	sld [smem:$0x3FB6]  }
0x3d: {  	_ =	shalt  }
0x3e: {  	_ =	shalt  }
0x3f: {  	_ =	shalt  }
0x40: {  	_ =	shalt  }
0x41: {  	_ =	shalt  }
0x42: {  	_ =	shalt  }
0x43: {  	_ =	shalt  }
0x44: {  	_ =	shalt  }
0x45: {  	_ =	shalt  }
0x46: {  	_ =	shalt  }
0x47: {  	_ =	shalt  }
0x48: {  	_ =	shalt  }
0x49: {  	_ =	shalt  }
0x4a: {  	_ =	shalt  }
0x4b: {  	_ =	shalt  }
0x4c: {  	_ =	shalt  }
0x4d: {  	_ =	shalt  }
0x4e: {  	_ =	shalt  }
0x4f: {  	_ =	shalt  }
0x50: {  	_ =	shalt  }
0x51: {  	_ =	shalt  }
0x52: {  	_ =	shalt  }
0x53: {  	_ =	shalt  }
0x54: {  	_ =	shalt  }
0x55: {  	_ =	shalt  }
0x56: {  	_ =	shalt  }
0x57: {  	_ =	shalt  }
0x58: {  	_ =	shalt  }
0x59: {  	_ =	shalt  }
0x5a: {  	_ =	shalt  }
0x5b: {  	_ =	shalt  }
0x5c: {  	_ =	shalt  }
0x5d: {  	_ =	shalt  }
0x5e: {  	_ =	shalt  }
0x5f: {  	_ =	shalt  }
0x60: {  	_ =	shalt  }
0x61: {  	_ =	shalt  }
0x62: {  	_ =	shalt  }
0x63: {  	_ =	shalt  }
0x64: {  	_ =	shalt  }
0x65: {  	_ =	shalt  }
0x66: {  	_ =	shalt  }
0x67: {  	_ =	shalt  }
0x68: {  	_ =	shalt  }
0x69: {  	_ =	shalt  }
0x6a: {  	_ =	shalt  }
0x6b: {  	_ =	shalt  }
0x6c: {  	_ =	shalt  }
0x6d: {  	_ =	shalt  }
0x6e: {  	_ =	shalt  }
0x6f: {  	_ =	shalt  }
0x70: {  	_ =	shalt  }
0x71: {  	_ =	shalt  }
0x72: {  	_ =	shalt  }
0x73: {  	_ =	shalt  }
0x74: {  	_ =	shalt  }
0x75: {  	_ =	shalt  }
0x76: {  	_ =	shalt  }
0x77: {  	_ =	shalt  }
0x78: {  	_ =	shalt  }
0x79: {  	_ =	shalt  }
0x7a: {  	_ =	shalt  }
0x7b: {  	_ =	shalt  }
0x7c: {  	_ =	shalt  }
0x7d: {  	_ =	shalt  }
0x7e: {  	_ =	shalt  }
0x7f: {  	_ =	shalt  }
0x80: {  	_ =	shalt  }
0x81: {  	_ =	shalt  }
0x82: {  	_ =	shalt  }
0x83: {  	_ =	shalt  }
0x84: {  	_ =	shalt  }
0x85: {  	_ =	shalt  }
0x86: {  	_ =	shalt  }
0x87: {  	_ =	shalt  }
.Lfunc_end0:
.L_simem_size_0:
called_computation.1_lowered:
.L_overlay_start_0:
0x88: {  	s2 =	sld [smem:$0x3FD9]  }
0x89: {  	s3 =	sld [smem:$0x3FFE];
	_ =	sdelay $0x1  }
0x8a: {  	s1 =	srdreg.scid  }
0x8b: {  	s0 =	sand.u32 $0x1, s1  }
0x8c: {  	s17 =	sshll.u32 s0, $0xA;
	s2 =	sadd.s32 s3, s2  }
0x8d: {  	s2 =	sadd.s32 s2, s17  }
0x8e: {  	[smem:$0x3FC2] =	sst s2  }
0x8f: {  	_ = 	snop  }
0x90: {  	s2 =	sld [smem:$0x3FD0];
	(tm) =	ssettm $0x1  }
0x91: {  	s18 =	sld [smem:$0x3FFB];
	_ =	sdelay $0x3  }
0x92: {  	_ =	strace s18  }
0x93: {  	s3 =	sld [smem:$0x3FFC];
	_ =	sdelay $0x3  }
0x94: {  	_ =	strace s3  }
0x95: {  	s3 =	sld [smem:$0x3FFD];
	_ =	sdelay $0x3  }
0x96: {  	_ =	strace s3  }
0x97: {  	_ =	strace $0x8FFFFFFF  }
0x98: {  	s19 =	sld [smem:$0x3FDB];
	_ =	sdelay $0x1  }
0x99: {  	s4 =	simm.s32 $_scs_section_size  }
0x9a: {  	s5 =	simm.s32 $_size__tile_overlayer_lowered;
	s6 =	simm.s32 $_tile_overlayer_lowered  }
0x9b: {  	s22 =	simm.s32 $0x1BFF;
	s21 =	sshll.u32 s6, $0x1;
	s3 =	sadd.s32 s4, s19  }
0x9c: {  	s7 =	simm.s32 $0x0;
	s20 =	sshll.u32 s5, $0x1;
	s5 =	sadd.s32 s21, s3  }
0x9d: {  	[timem:s7], [sflag:s22] =	dma.local [hbm:s5], s20  }
0x9e: {  	_ =	swait.ge [sflag:s22], s20  }
0x9f: {  	s4 =	ssub.s32 $0x0, s20;
	[sflag:s22] =	ssyncset.done $0x0  }
0xa0: {  	[sflag:s22] =	ssyncadd.s32 s4;
	_ =	sdelay $0x1  }
0xa1: {  	s23 =	simm.s32 $0x1B8B  }
0xa2: {  	_ =	swait.ge [sflag:s23], $0x1  }
0xa3: {  	[sflag:s23] =	ssyncset.done $0x0  }
0xa4: {  	s25 =	simm.s32 $0x1B8E;
	s24 =	sld [smem:$0x3FFE];
	[sflag:s23] =	ssyncadd.s32 $0xFFFFFFFF  }
0xa5: {  	s26 =	simm.s32 $execute0_lowered;
	[smem:$0x3FD2] =	sst s25  }
0xa6: {  	s5 =	sshll.u32 s26, $0x1;
	_ =	strace $0x80000049;
	[dreg:$0x1] =	wrdreg $0xFFFFFFFF  }
0xa7: {  	s28 =	simm.s32 $_size_execute0_lowered;
	s3 =	sadd.s32 s3, s5;
	[dreg:$0x0] =	wrdreg $0x0  }
0xa8: {  	s5 =	sshll.u32 s28, $0x1;
	[dreg:$0x2] =	wrdreg s3  }
0xa9: {  	[dreg:$0x3] =	wrdreg s5  }
0xaa: {  	[dreg:$0x4] =	wrdreg $0xC0  }
0xab: {  	_ =	task [dreg:s7], $0x5FFFF  }
0xac: {  	[dreg:$0x1] =	wrdreg $0xFFFFFFFF  }
0xad: {  	[dreg:$0x0] =	wrdreg $0x60  }
0xae: {  	[dreg:$0x2] =	wrdreg s2  }
0xaf: {  	[dreg:$0x3] =	wrdreg s24  }
0xb0: {  	[dreg:$0x4] =	wrdreg $0xA8000  }
0xb1: {  	[dreg:$0x5] =	wrdreg $0x9  }
0xb2: {  	_ =	task.clear_ibuf [dreg:s7], $0x6FFFF;
	_ =	strace $0x90000049  }
0xb3: {  	s29 =	simm.s32 $0x9;
	_ =	strace $0x8000004B  }
0xb4: {  	_ =	swait.ge [sflag:s29], $0x1  }
0xb5: {  	[sflag:s29] =	ssyncadd.s32 $0xFFFFFFFF  }
0xb6: {  	_ =	strace $0x9000004B  }
0xb7: {  	_ =	sfence  }
0xb8: {  	s30 =	sld [smem:$0x0];
	_ =	sdelay $0x2  }
0xb9: {  	s31 =	sshll.u32 s1, $0xD;
	s1 =	sshrl.u32 s1, $0x2  }
0xba: {  	s3 =	sand.u32 $0x4000, s31;
	s1 =	sadd.s32 s1, s30  }
0xbb: {  	s0 =	sor.u32 s3, s0;
	s1 =	sshll.u32 s1, $0x11  }
0xbc: {  	s0 =	sor.u32 s1, s0  }
0xbd: {  	s0 =	sadd.s32 $0x8F2B, s0  }
0xbe: {  	[sflag:s0] =	ssyncadd.remote.s32 $0x1  }
0xbf: {  	_ =	sfence.sel $0xFFFF  }
0xc0: {  	[dreg:$0x0] =	wrdreg $0xFFFFFFFF;
	(pc) =	sbr.abs _section_cstart, $3  }
0xc1: {  	[dreg:$0x1] =	wrdreg $0xFFFFFFFF  }
0xc2: {  	_ =	task.clear_ibuf [dreg:s7], $0x2FFFF;
	_ =	strace $0x9FFFFFFF  }
0xc3: {  	(tm) =	ssettm $0x7FFFFFFF  }
tec
execute0_lowered:
.L_overlay_start_1:
0x0: {  	(tag) =	ssettag $0x1  }
0x1: {  	s1 =	rddreg [dreg:$0x0]  }
0x2: {  	s0 =	rddreg [dreg:$0x1]  }
0x3: {  	s2 =	rddreg [dreg:$0x2];
	s24 =	stileid.u32  }
0x4: {  	s4 =	simm.s32 $0x0;
	s3 =	srdreg.scid;
	s6 =	smul.u32 $0x50000, s24  }
0x5: {  	[smem:$0x7FF] =	sst s4;
	s3 =	sand.u32 $0x1, s3;
	s9 =	smul.u32 $0x2800, s24  }
0x6: {  	s5 =	sadd.s32 $0x5A600, s0;
	s10 =	sor.u32 $0x10, s24;
	s7 =	smul.u32 $0x138800, s3  }
0x7: {  	s13 =	sor.u32 $0x20, s24;
	s16 =	sor.u32 $0x30, s24;
	s12 =	smul.u32 $0x2800, s10  }
0x8: {  	s14 =	sshll.u32 s24, $0x1;
	s17 =	sor.u32 $0x40, s24;
	s25 =	smul.u32 $0x2800, s13  }
0x9: {  	s19 =	sor.u32 $0x50, s24;
	s20 =	sor.u32 $0x60, s24;
	s15 =	smul.u32 $0x2800, s16  }
0xa: {  	s22 =	sor.u32 $0x70, s24;
	s30 =	sadd.s32 $0xC400, s0;
	s26 =	smul.u32 $0x2800, s17  }
0xb: {  	p1 =	sgt.u32 s24, $0xC;
	_ =	strace $0x8000004A;
	s18 =	smul.u32 $0x2800, s19  }
0xc: {  	s8 =	ssub.s32 $0x2, s3;
	s3 =	sor.u32 s3, s14;
	s21 =	smul.u32 $0x2800, s20  }
0xd: {  	s23 =	smul.u32 $0x2800, s22;
	p0 =	sgt.u32 s22, $0x7C;
	s11 =	sshrl.u32 s8, $0x1  }
0xe: {  	s6 =	sshrl.u32 s6, $0x2;
	s3 =	smul.u32 $0x2800, s3;
	s8 =	ssub.s32 s8, s11  }
0xf: {  	s9 =	sadd.s32 s7, s9;
	s12 =	sadd.s32 s7, s12;
	s11 =	sadd.s32 s7, s25  }
0x10: {  	s15 =	sadd.s32 s7, s15;
	s14 =	sadd.s32 s7, s26;
	s18 =	sadd.s32 s7, s18  }
0x11: {  	s21 =	sadd.s32 s7, s21;
	s7 =	sadd.s32 s7, s23;
	s23 =	smul.u32 $0xA000, s16  }
0x12: {  	s9 =	sshrl.u32 s9, $0x3;
	s12 =	sshrl.u32 s12, $0x3;
	s11 =	sshrl.u32 s11, $0x3  }
0x13: {  	s14 =	sshrl.u32 s14, $0x3;
	s18 =	sshrl.u32 s18, $0x3;
	s9 =	sadd.s32 s30, s9  }
0x14: {  	s7 =	sshrl.u32 s7, $0x3;
	s31 =	sadd.s32 s30, s12;
	[dreg:$0x4] =	wrdreg s9  }
0x15: {  	s12 =	sshrl.u32 s15, $0x3;
	s15 =	sadd.s32 s30, s14;
	[dreg:$0x5] =	wrdreg s31  }
0x16: {  	s25 =	sshrl.u32 s3, $0x3;
	s7 =	sadd.s32 s30, s7;
	[dreg:$0x8] =	wrdreg s15  }
0x17: {  	s14 =	sadd.s32 $0x2400, s0;
	s26 =	sadd.s32 s5, s25;
	[dreg:$0xb] =	wrdreg s7  }
0x18: {  	s9 =	sadd.s32 s30, s11;
	s15 =	sadd.s32 s6, s2;
	[dreg:$0xc] =	wrdreg s26  }
0x19: {  	s31 =	smul.u32 $0xA000, s10;
	[dreg:$0x6] =	wrdreg s9;
	s9 =	sadd.s32 s30, s12  }
0x1a: {  	s26 =	smul.u32 $0xA000, s19;
	s19 =	sadd.s32 $0x800, s15;
	[dreg:$0x7] =	wrdreg s9  }
0x1b: {  	s7 =	sshrl.u32 s23, $0x2;
	s23 =	sadd.s32 $0x2800, s15;
	[dreg:$0x19] =	wrdreg s19  }
0x1c: {  	s11 =	smul.u32 $0xA000, s24;
	s24 =	sadd.s32 $0x3000, s15;
	[dreg:$0x1d] =	wrdreg s23  }
0x1d: {  	s9 =	sadd.s32 s30, s18;
	s0 =	sshrl.u32 s31, $0x2;
	[dreg:$0x1e] =	wrdreg s24  }
0x1e: {  	s31 =	smul.u32 $0xA000, s22;
	s22 =	sadd.s32 $0x2000, s15;
	[dreg:$0x9] =	wrdreg s9  }
0x1f: {  	s19 =	sadd.s32 $0xB000, s15;
	[dreg:$0x1c] =	wrdreg s22  }
0x20: {  	s23 =	sadd.s32 $0xD000, s15;
	[smem:$0x7F4] =	sst s19  }
0x21: {  	s21 =	sshrl.u32 s21, $0x3;
	s24 =	sadd.s32 $0xD800, s15;
	[smem:$0x7F8] =	sst s23  }
0x22: {  	s9 =	sadd.s32 s30, s21;
	[smem:$0x7F9] =	sst s24  }
0x23: {  	s7 =	sadd.s32 s7, s2;
	s30 =	sadd.s32 s14, s25;
	[dreg:$0xa] =	wrdreg s9  }
0x24: {  	s18 =	sadd.s32 $0x800, s3;
	s22 =	sadd.s32 $0xC800, s15;
	[dreg:$0xd] =	wrdreg s30  }
0x25: {  	s10 =	sshrl.u32 s18, $0x3;
	s9 =	smax.u32 s8, $0x1;
	[smem:$0x7F7] =	sst s22  }
0x26: {  	s6 =	sshrl.u32 s11, $0x2;
	s12 =	sadd.s32 s5, s10;
	[dreg:$0xe] =	wrdreg s9  }
0x27: {  	s6 =	sadd.s32 s6, s2;
	s3 =	sadd.s32 s14, s10;
	[dreg:$0xf] =	wrdreg s12  }
0x28: {  	s0 =	sadd.s32 s0, s2;
	s6 =	sshrl.u32 s6, $0x3;
	[dreg:$0x10] =	wrdreg s3  }
0x29: {  	s21 =	smul.u32 $0xA000, s13;
	s0 =	sshrl.u32 s0, $0x3;
	[dreg:$0x11] =	wrdreg s6  }
0x2a: {  	s30 =	smul.u32 $0xA000, s20;
	s20 =	sadd.s32 $0x1000, s15;
	[dreg:$0x12] =	wrdreg s0  }
0x2b: {  	s11 =	sshrl.u32 s31, $0x2;
	s31 =	sadd.s32 $0x5000, s15;
	[dreg:$0x1a] =	wrdreg s20  }
0x2c: {  	s25 =	smul.u32 $0xA000, s17;
	s12 =	sshrl.u32 s7, $0x3;
	[smem:$0x7E8] =	sst s31  }
0x2d: {  	s3 =	sshrl.u32 s21, $0x2;
	s21 =	sadd.s32 $0x1800, s15;
	[dreg:$0x14] =	wrdreg s12  }
0x2e: {  	s8 =	sshrl.u32 s25, $0x2;
	s25 =	sadd.s32 $0x3800, s15;
	[dreg:$0x1b] =	wrdreg s21  }
0x2f: {  	s9 =	sshrl.u32 s26, $0x2;
	s26 =	sadd.s32 $0x4000, s15;
	[dreg:$0x1f] =	wrdreg s25  }
0x30: {  	s7 =	sadd.s32 $0x6800, s15;
	[smem:$0x7E6] =	sst s26  }
0x31: {  	s20 =	sadd.s32 $0xB800, s15;
	[smem:$0x7EB] =	sst s7  }
0x32: {  	s11 =	sadd.s32 s11, s2;
	s31 =	sadd.s32 $0xF800, s15;
	[smem:$0x7F5] =	sst s20  }
0x33: {  	s0 =	sshrl.u32 @!p0 s11, $0x3;
	[smem:$0x7FD] =	sst s31  }
0x34: {  	s10 =	sshrl.u32 s30, $0x2;
	s30 =	sadd.s32 $0x4800, s15;
	[dreg:$0x18] =	wrdreg s0  }
0x35: {  	s11 =	sadd.s32 $0x8800, s15;
	[smem:$0x7E7] =	sst s30  }
0x36: {  	s12 =	sadd.s32 $0x9000, s15;
	[smem:$0x7EF] =	sst s11  }
0x37: {  	s28 =	simm.s32 $0x2;
	s21 =	sadd.s32 $0xC000, s15;
	[smem:$0x7F0] =	sst s12  }
0x38: {  	s29 =	simm.s32 $0x0;
	s25 =	sadd.s32 $0xE000, s15;
	[smem:$0x7F6] =	sst s21  }
0x39: {  	s3 =	sadd.s32 s3, s2;
	s26 =	sadd.s32 $0xE800, s15;
	[smem:$0x7FA] =	sst s25  }
0x3a: {  	s8 =	sadd.s32 s8, s2;
	s6 =	sshrl.u32 s3, $0x3;
	[smem:$0x7FB] =	sst s26  }
0x3b: {  	s9 =	sadd.s32 s9, s2;
	s13 =	sshrl.u32 s8, $0x3;
	[dreg:$0x13] =	wrdreg s6  }
0x3c: {  	s19 =	sadd.s32 $0x13000, s15;
	s16 =	sshrl.u32 s9, $0x3;
	[dreg:$0x15] =	wrdreg s13  }
0x3d: {  	s23 =	simm.s32 $0x3;
	s3 =	sadd.s32 $0x5800, s15;
	[dreg:$0x16] =	wrdreg s16  }
0x3e: {  	s24 =	simm.s32 $0x1000;
	s8 =	sadd.s32 $0x7000, s15;
	[smem:$0x7E9] =	sst s3  }
0x3f: {  	s22 =	simm.s32 $0x1;
	s9 =	sadd.s32 $0x7800, s15;
	[smem:$0x7EC] =	sst s8  }
0x40: {  	s10 =	sadd.s32 s10, s2;
	s30 =	sadd.s32 $0xF000, s15;
	[smem:$0x7ED] =	sst s9  }
0x41: {  	s20 =	sadd.s32 $0x13800, s15;
	s17 =	sshrl.u32 s10, $0x3;
	[smem:$0x7FC] =	sst s30  }
0x42: {  	s11 =	sadd.s32 $0x10800, s15;
	s6 =	sadd.s32 $0x6000, s15;
	[dreg:$0x17] =	wrdreg s17  }
0x43: {  	s12 =	sadd.s32 $0x11000, s15;
	s10 =	sadd.s32 $0x8000, s15;
	[smem:$0x7EA] =	sst s6  }
.Ltmp0:
0x44: {  	s13 =	sadd.s32 $0x9800, s15;
	[smem:$0x7EE] =	sst s10;
	(pc) =	sbr.rel .LBB2_1-.Ltmp0, $4  }
0x45: {  	s21 =	simm.s32 $0xA000;
	s16 =	sadd.s32 $0xA000, s15;
	[smem:$0x7F1] =	sst s13  }
0x46: {  	s25 =	simm.s32 $0x80;
	s26 =	simm.s32 $0x2000;
	[smem:$0x7F2] =	sst s16  }
0x47: {  	s17 =	sadd.s32 $0xA800, s15;
	s10 =	sadd.s32 $0x10000, s15;
	s13 =	sadd.s32 $0x11800, s15  }
0x48: {  	v0 =	vimm.f32 $0.0e+00;
	s16 =	sadd.s32 $0x12000, s15;
	[smem:$0x7F3] =	sst s17;
	s17 =	sadd.s32 $0x12800, s15  }
.LBB2_8:
0x49: {  	_ =	swait.ge [sflag:s28], $0x4000  }
0x4a: {  	[sflag:s28] =	ssyncset.done $0x0  }
0x4b: {  	[sflag:s28] =	ssyncadd.s32 $0xFFFFC000  }
0x4c: {  	s0 =	stileid.u32;
	[bflag:$0x0] =	sbarrier.arrive $0xFFFF  }
0x4d: {  	s0 =	sshll.u32 s0, $0x6;
	s3 =	rddreg [dreg:$0x4]  }
0x4e: {  	s0 =	sor.u32 $0x1C01, s0;
	s6 =	rddreg [dreg:$0x11]  }
0x4f: {  	[hbm:s3], [sflag:s0] =	dma.local [spmem:s6], $0x500  }
0x50: {  	s3 =	rddreg [dreg:$0x5]  }
0x51: {  	s6 =	rddreg [dreg:$0x12]  }
0x52: {  	[hbm:s3], [sflag:s0] =	dma.local [spmem:s6], $0x500  }
0x53: {  	s3 =	rddreg [dreg:$0x6]  }
0x54: {  	s6 =	rddreg [dreg:$0x13]  }
0x55: {  	[hbm:s3], [sflag:s0] =	dma.local [spmem:s6], $0x500  }
0x56: {  	s3 =	rddreg [dreg:$0x7]  }
0x57: {  	s6 =	rddreg [dreg:$0x14]  }
0x58: {  	[hbm:s3], [sflag:s0] =	dma.local [spmem:s6], $0x500  }
0x59: {  	s3 =	rddreg [dreg:$0x8]  }
0x5a: {  	s6 =	rddreg [dreg:$0x15]  }
0x5b: {  	[hbm:s3], [sflag:s0] =	dma.local [spmem:s6], $0x500  }
0x5c: {  	s3 =	rddreg [dreg:$0x9]  }
0x5d: {  	s6 =	rddreg [dreg:$0x16]  }
0x5e: {  	[hbm:s3], [sflag:s0] =	dma.local [spmem:s6], $0x500  }
0x5f: {  	s3 =	rddreg [dreg:$0xa]  }
0x60: {  	s6 =	rddreg [dreg:$0x17]  }
0x61: {  	[hbm:s3], [sflag:s0] =	dma.local [spmem:s6], $0x500  }
0x62: {  	s3 =	rddreg [dreg:$0xb]  }
0x63: {  	s6 =	rddreg [dreg:$0x18]  }
0x64: {  	[hbm:s3], [sflag:s0] =	dma.local @!p0 [spmem:s6], $0x500  }
0x65: {  	_ =	swait.ge [sflag:s22], $0x500  }
0x66: {  	[sflag:s22] =	ssyncset.done $0x0  }
0x67: {  	[sflag:s22] =	ssyncadd.s32 $0xFFFFFB00  }
0x68: {  	_ =	swait.ge [sflag:s22], $0x500  }
0x69: {  	[sflag:s22] =	ssyncset.done $0x0  }
0x6a: {  	[sflag:s22] =	ssyncadd.s32 $0xFFFFFB00  }
0x6b: {  	_ =	swait.ge [sflag:s22], $0x500  }
0x6c: {  	[sflag:s22] =	ssyncset.done $0x0  }
0x6d: {  	[sflag:s22] =	ssyncadd.s32 $0xFFFFFB00  }
0x6e: {  	_ =	swait.ge [sflag:s22], $0x500  }
0x6f: {  	[sflag:s22] =	ssyncset.done $0x0  }
0x70: {  	[sflag:s22] =	ssyncadd.s32 $0xFFFFFB00  }
0x71: {  	_ =	swait.ge [sflag:s22], $0x500  }
0x72: {  	[sflag:s22] =	ssyncset.done $0x0  }
0x73: {  	[sflag:s22] =	ssyncadd.s32 $0xFFFFFB00  }
0x74: {  	_ =	swait.ge [sflag:s22], $0x500  }
0x75: {  	[sflag:s22] =	ssyncset.done $0x0  }
0x76: {  	[sflag:s22] =	ssyncadd.s32 $0xFFFFFB00  }
0x77: {  	_ =	swait.ge [sflag:s22], $0x500  }
0x78: {  	[sflag:s22] =	ssyncset.done $0x0  }
0x79: {  	s0 =	simm.s32 @!p1 $0x1;
	[sflag:s22] =	ssyncadd.s32 $0xFFFFFB00  }
0x7a: {  	_ =	swait.ge @!p1 [sflag:s0], $0x500  }
0x7b: {  	s29 =	sadd.s32 $0x1, s29;
	s31 =	rddreg [dreg:$0xe]  }
0x7c: {  	p2 =	sne.s32 s29, s31  }
.Ltmp1:
0x7d: {  	_ = 	snop;
	(pc) =	sbr.rel @!p2 .LBB2_9-.Ltmp1, $3  }
0x7e: {  	_ =	sdelay $0x1  }
0x7f: {  	[sflag:s0] =	ssyncset.done @!p1 $0x0  }
0x80: {  	[sflag:s0] =	ssyncadd.s32 @!p1 $0xFFFFFB00  }
.LBB2_1:
0x81: {  	s0 =	sand.u32 $0x1E00, s4  }
0x82: {  	s31 =	sand.u32 $0x70, s4;
	s0 =	sshrl.u32 s0, $0x2  }
0x83: {  	s30 =	simm.s32 $0x40;
	s0 =	sor.u32 s31, s0;
	s31 =	simm.s32 $0x0  }
.LBB2_2:
0x84: {  	p2 =	sne.s32 s30, $0x1FC0  }
0x85: {  	[tilespmem:s0+$0xA000] =	vst v0;
	s31 =	sadd.s32 $0x10, s31;
	s0 =	smov.u32 s30;
	s30 =	sadd.s32 $0x40, s30  }
.Ltmp2:
0x86: {  	(pc) =	sbr.rel @p2 .LBB2_2-.Ltmp2, $4  }
0x87: {  	_ = 	snop  }
0x88: {  	s0 =	sand.u32 $0x1E00, s0  }
0x89: {  	s3 =	sand.u32 $0x70, s31;
	s0 =	sshrl.u32 s0, $0x2  }
0x8a: {  	s0 =	sor.u32 s3, s0  }
0x8b: {  	[tilespmem:s0+$0xA000] =	vst v0;
	s31 =	rddreg [dreg:$0x19]  }
0x8c: {  	[spmem:s15] =	stream.linear.scatter [tilespmem:s21], [sflag:$0x1], $0x800, $0x38;
	[tilespmem:$0x1E800] =	vst v63  }
0x8d: {  	s3 =	rddreg [dreg:$0x1a]  }
0x8e: {  	[spmem:s31] =	stream.linear.scatter [tilespmem:s21], [sflag:$0x1], $0x800, $0x38;
	[tilespmem:$0x1E800] =	vst v63  }
0x8f: {  	s6 =	rddreg [dreg:$0x1b]  }
0x90: {  	[spmem:s3] =	stream.linear.scatter [tilespmem:s21], [sflag:$0x1], $0x800, $0x38;
	[tilespmem:$0x1E800] =	vst v63  }
0x91: {  	s7 =	rddreg [dreg:$0x1c]  }
0x92: {  	[spmem:s6] =	stream.linear.scatter [tilespmem:s21], [sflag:$0x1], $0x800, $0x38;
	[tilespmem:$0x1E800] =	vst v63  }
0x93: {  	s8 =	rddreg [dreg:$0x1d]  }
0x94: {  	[spmem:s7] =	stream.linear.scatter [tilespmem:s21], [sflag:$0x1], $0x800, $0x38;
	[tilespmem:$0x1E800] =	vst v63  }
0x95: {  	s9 =	rddreg [dreg:$0x1e]  }
0x96: {  	[spmem:s8] =	stream.linear.scatter [tilespmem:s21], [sflag:$0x1], $0x800, $0x38;
	[tilespmem:$0x1E800] =	vst v63  }
0x97: {  	s31 =	rddreg [dreg:$0x1f]  }
0x98: {  	[spmem:s9] =	stream.linear.scatter [tilespmem:s21], [sflag:$0x1], $0x800, $0x38;
	[tilespmem:$0x1E800] =	vst v63  }
0x99: {  	s3 =	sld [smem:$0x7E6]  }
0x9a: {  	[spmem:s31] =	stream.linear.scatter [tilespmem:s21], [sflag:$0x1], $0x800, $0x38;
	[tilespmem:$0x1E800] =	vst v63  }
0x9b: {  	s6 =	sld [smem:$0x7E7]  }
0x9c: {  	[spmem:s3] =	stream.linear.scatter [tilespmem:s21], [sflag:$0x1], $0x800, $0x38;
	[tilespmem:$0x1E800] =	vst v63  }
0x9d: {  	s7 =	sld [smem:$0x7E8]  }
0x9e: {  	[spmem:s6] =	stream.linear.scatter [tilespmem:s21], [sflag:$0x1], $0x800, $0x38;
	[tilespmem:$0x1E800] =	vst v63  }
0x9f: {  	s8 =	sld [smem:$0x7E9]  }
0xa0: {  	[spmem:s7] =	stream.linear.scatter [tilespmem:s21], [sflag:$0x1], $0x800, $0x38;
	[tilespmem:$0x1E800] =	vst v63  }
0xa1: {  	s9 =	sld [smem:$0x7EA]  }
0xa2: {  	[spmem:s8] =	stream.linear.scatter [tilespmem:s21], [sflag:$0x1], $0x800, $0x38;
	[tilespmem:$0x1E800] =	vst v63  }
0xa3: {  	s31 =	sld [smem:$0x7EB]  }
0xa4: {  	[spmem:s9] =	stream.linear.scatter [tilespmem:s21], [sflag:$0x1], $0x800, $0x38;
	[tilespmem:$0x1E800] =	vst v63  }
0xa5: {  	s3 =	sld [smem:$0x7EC]  }
0xa6: {  	[spmem:s31] =	stream.linear.scatter [tilespmem:s21], [sflag:$0x1], $0x800, $0x38;
	[tilespmem:$0x1E800] =	vst v63  }
0xa7: {  	s6 =	sld [smem:$0x7ED]  }
0xa8: {  	[spmem:s3] =	stream.linear.scatter [tilespmem:s21], [sflag:$0x1], $0x800, $0x38;
	[tilespmem:$0x1E800] =	vst v63  }
0xa9: {  	s7 =	sld [smem:$0x7EE]  }
0xaa: {  	[spmem:s6] =	stream.linear.scatter [tilespmem:s21], [sflag:$0x1], $0x800, $0x38;
	[tilespmem:$0x1E800] =	vst v63  }
0xab: {  	s8 =	sld [smem:$0x7EF]  }
0xac: {  	[spmem:s7] =	stream.linear.scatter [tilespmem:s21], [sflag:$0x1], $0x800, $0x38;
	[tilespmem:$0x1E800] =	vst v63  }
0xad: {  	s9 =	sld [smem:$0x7F0]  }
0xae: {  	[spmem:s8] =	stream.linear.scatter [tilespmem:s21], [sflag:$0x1], $0x800, $0x38;
	[tilespmem:$0x1E800] =	vst v63  }
0xaf: {  	s31 =	sld [smem:$0x7F1]  }
0xb0: {  	[spmem:s9] =	stream.linear.scatter [tilespmem:s21], [sflag:$0x1], $0x800, $0x38;
	[tilespmem:$0x1E800] =	vst v63  }
0xb1: {  	s3 =	sld [smem:$0x7F2]  }
0xb2: {  	[spmem:s31] =	stream.linear.scatter [tilespmem:s21], [sflag:$0x1], $0x800, $0x38;
	[tilespmem:$0x1E800] =	vst v63  }
0xb3: {  	s6 =	sld [smem:$0x7F3]  }
0xb4: {  	[spmem:s3] =	stream.linear.scatter [tilespmem:s21], [sflag:$0x1], $0x800, $0x38;
	[tilespmem:$0x1E800] =	vst v63  }
0xb5: {  	s7 =	sld [smem:$0x7F4]  }
0xb6: {  	[spmem:s6] =	stream.linear.scatter [tilespmem:s21], [sflag:$0x1], $0x800, $0x38;
	[tilespmem:$0x1E800] =	vst v63  }
0xb7: {  	s8 =	sld [smem:$0x7F5]  }
0xb8: {  	[spmem:s7] =	stream.linear.scatter [tilespmem:s21], [sflag:$0x1], $0x800, $0x38;
	[tilespmem:$0x1E800] =	vst v63  }
0xb9: {  	s9 =	sld [smem:$0x7F6]  }
0xba: {  	[spmem:s8] =	stream.linear.scatter [tilespmem:s21], [sflag:$0x1], $0x800, $0x38;
	[tilespmem:$0x1E800] =	vst v63  }
0xbb: {  	s31 =	sld [smem:$0x7F7]  }
0xbc: {  	[spmem:s9] =	stream.linear.scatter [tilespmem:s21], [sflag:$0x1], $0x800, $0x38;
	[tilespmem:$0x1E800] =	vst v63  }
0xbd: {  	s3 =	sld [smem:$0x7F8]  }
0xbe: {  	[spmem:s31] =	stream.linear.scatter [tilespmem:s21], [sflag:$0x1], $0x800, $0x38;
	[tilespmem:$0x1E800] =	vst v63  }
0xbf: {  	s6 =	sld [smem:$0x7F9]  }
0xc0: {  	[spmem:s3] =	stream.linear.scatter [tilespmem:s21], [sflag:$0x1], $0x800, $0x38;
	[tilespmem:$0x1E800] =	vst v63  }
0xc1: {  	s7 =	sld [smem:$0x7FA]  }
0xc2: {  	[spmem:s6] =	stream.linear.scatter [tilespmem:s21], [sflag:$0x1], $0x800, $0x38;
	[tilespmem:$0x1E800] =	vst v63  }
0xc3: {  	s8 =	sld [smem:$0x7FB]  }
0xc4: {  	[spmem:s7] =	stream.linear.scatter [tilespmem:s21], [sflag:$0x1], $0x800, $0x38;
	[tilespmem:$0x1E800] =	vst v63  }
0xc5: {  	s9 =	sld [smem:$0x7FC]  }
0xc6: {  	[spmem:s8] =	stream.linear.scatter [tilespmem:s21], [sflag:$0x1], $0x800, $0x38;
	[tilespmem:$0x1E800] =	vst v63  }
0xc7: {  	s31 =	sld [smem:$0x7FD]  }
0xc8: {  	[spmem:s9] =	stream.linear.scatter [tilespmem:s21], [sflag:$0x1], $0x800, $0x38;
	[tilespmem:$0x1E800] =	vst v63  }
0xc9: {  	_ = 	snop  }
0xca: {  	[spmem:s31] =	stream.linear.scatter [tilespmem:s21], [sflag:$0x1], $0x800, $0x38;
	[tilespmem:$0x1E800] =	vst v63  }
0xcb: {  	_ = 	snop  }
0xcc: {  	[spmem:s10] =	stream.linear.scatter [tilespmem:s21], [sflag:$0x1], $0x800, $0x38;
	[tilespmem:$0x1E800] =	vst v63  }
0xcd: {  	_ = 	snop  }
0xce: {  	[spmem:s11] =	stream.linear.scatter [tilespmem:s21], [sflag:$0x1], $0x800, $0x38;
	[tilespmem:$0x1E800] =	vst v63  }
0xcf: {  	_ = 	snop  }
0xd0: {  	[spmem:s12] =	stream.linear.scatter [tilespmem:s21], [sflag:$0x1], $0x800, $0x38;
	[tilespmem:$0x1E800] =	vst v63  }
0xd1: {  	_ = 	snop  }
0xd2: {  	[spmem:s13] =	stream.linear.scatter [tilespmem:s21], [sflag:$0x1], $0x800, $0x38;
	[tilespmem:$0x1E800] =	vst v63  }
0xd3: {  	_ = 	snop  }
0xd4: {  	[spmem:s16] =	stream.linear.scatter [tilespmem:s21], [sflag:$0x1], $0x800, $0x38;
	[tilespmem:$0x1E800] =	vst v63  }
0xd5: {  	_ = 	snop  }
0xd6: {  	[spmem:s17] =	stream.linear.scatter [tilespmem:s21], [sflag:$0x1], $0x800, $0x38;
	[tilespmem:$0x1E800] =	vst v63  }
0xd7: {  	_ = 	snop  }
0xd8: {  	[spmem:s19] =	stream.linear.scatter [tilespmem:s21], [sflag:$0x1], $0x800, $0x38;
	[tilespmem:$0x1E800] =	vst v63  }
0xd9: {  	_ = 	snop  }
0xda: {  	[spmem:s20] =	stream.linear.scatter [tilespmem:s21], [sflag:$0x1], $0x800, $0x38;
	[tilespmem:$0x1E800] =	vst v63  }
0xdb: {  	_ =	swait.ge [sflag:s22], $0x800  }
0xdc: {  	s30 =	simm.s32 $0x27;
	[sflag:s22] =	ssyncset.done $0x0  }
.LBB2_4:
0xdd: {  	p2 =	sne.s32 s30, $0x1;
	s30 =	sadd.s32 $0xFFFFFFFF, s30;
	[sflag:s22] =	ssyncadd.s32 $0xFFFFF800  }
.Ltmp3:
0xde: {  	(pc) =	sbr.rel @p2 .LBB2_4-.Ltmp3, $3  }
0xdf: {  	_ =	sdelay $0x1  }
0xe0: {  	_ =	swait.ge [sflag:s22], $0x800  }
0xe1: {  	[sflag:s22] =	ssyncset.done $0x0  }
0xe2: {  	[sflag:s22] =	ssyncadd.s32 $0xFFFFF800;
	s0 =	rddreg [dreg:$0xc]  }
0xe3: {  	[tilespmem:s4], [sflag:$0x3] =	stream.linear.gather [hbm4b:s0+s4], $0x800, $0x38;
	[tilespmem:$0x1E800] =	vst v63  }
0xe4: {  	_ =	swait.ge [sflag:s23], $0x800  }
0xe5: {  	[sflag:s23] =	ssyncset.done $0x0  }
0xe6: {  	s3 =	rddreg [dreg:$0xd];
	[sflag:s23] =	ssyncadd.s32 $0xFFFFF800  }
0xe7: {  	[tilespmem:s24], [sflag:$0x3] =	stream.linear.gather [hbm4b:s3+s4], $0x800, $0x38;
	[tilespmem:$0x1E800] =	vst v63  }
0xe8: {  	_ =	swait.ge [sflag:s23], $0x800  }
0xe9: {  	[sflag:s23] =	ssyncset.done $0x0  }
0xea: {  	[sflag:s23] =	ssyncadd.s32 $0xFFFFF800  }
0xeb: {  	[bflag:$0x0] =	sbarrier.arrive $0xFFFF  }
0xec: {  	[tilespmem:s26], [sflag:$0x1] =	stream.indirect.gather [hbm4b:s1+s25], $0x80, s4, s25, $0xb8;
	[tilespmem:$0x1E800] =	vst v63  }
0xed: {  	s3 =	simm.s32 $0x800;
	s6 =	rddreg [dreg:$0xf]  }
0xee: {  	[tilespmem:s3], [sflag:$0x3] =	stream.linear.gather [hbm4b:s6+s4], $0x800, $0x38;
	[tilespmem:$0x1E800] =	vst v63  }
0xef: {  	_ =	swait.ge [sflag:s23], $0x800  }
0xf0: {  	[sflag:s23] =	ssyncset.done $0x0  }
0xf1: {  	s8 =	simm.s32 $0x1800;
	s7 =	rddreg [dreg:$0x10];
	[sflag:s23] =	ssyncadd.s32 $0xFFFFF800  }
0xf2: {  	[tilespmem:s8], [sflag:$0x3] =	stream.linear.gather [hbm4b:s7+s4], $0x800, $0x38;
	[tilespmem:$0x1E800] =	vst v63  }
0xf3: {  	_ =	swait.ge [sflag:s23], $0x800  }
0xf4: {  	[sflag:s23] =	ssyncset.done $0x0  }
0xf5: {  	s30 =	simm.s32 $0x1;
	[sflag:s23] =	ssyncadd.s32 $0xFFFFF800  }
0xf6: {  	_ =	swait.ge [sflag:s30], $0x4000  }
0xf7: {  	[sflag:s30] =	ssyncset.done $0x0  }
0xf8: {  	[sflag:s30] =	ssyncadd.s32 $0xFFFFC000  }
0xf9: {  	[spmem:s2] =	stream.indirect.scatter.add.f32 [tilespmem:s26], [sflag:$0x2], $0x80, s24, s25, $0xb8;
	[tilespmem:$0x1E800] =	vst v63  }
0xfa: {  	s9 =	simm.s32 $0x6000;
	s31 =	simm.s32 $0x400  }
0xfb: {  	[tilespmem:s9], [sflag:$0x1] =	stream.indirect.gather [hbm4b:s1+s25], $0x80, s25, s25, $0xb8;
	[tilespmem:$0x1E800] =	vst v63  }
.LBB2_6:
0xfc: {  	s0 =	sand.u32 $0x4F, s30  }
0xfd: {  	s3 =	sshrl.u32 s30, $0x4;
	p2 =	sne.s32 s0, $0x0  }
0xfe: {  	s0 =	sshll.u32 @!p2 s3, $0xB  }
0xff: {  	s3 =	sand.u32 $0x1, s3;
	s0 =	sadd.s32 @!p2 s0, s18  }
0x100: {  	s6 =	sshll.u32 @!p2 s3, $0xB;
	s0 =	sshrl.u32 @!p2 s0, $0x3  }
0x101: {  	s9 =	simm.s32 @!p2 $0x0;
	s7 =	sxor.u32 @!p2 $0x800, s6;
	s8 =	sadd.s32 @!p2 s5, s0  }
0x102: {  	[tilespmem:s7], [sflag:$0x3] =	stream.linear.gather @!p2 [hbm4b:s8+s9], $0x800, $0x38;
	[tilespmem:$0x1E800] =	vst v63  }
0x103: {  	s7 =	simm.s32 @!p2 $0x3  }
0x104: {  	_ =	swait.ge @!p2 [sflag:s7], $0x800  }
0x105: {  	[sflag:s7] =	ssyncset.done @!p2 $0x0  }
0x106: {  	s6 =	sxor.u32 @!p2 $0x1800, s6;
	s0 =	sadd.s32 @!p2 s14, s0;
	[sflag:s7] =	ssyncadd.s32 @!p2 $0xFFFFF800  }
0x107: {  	[tilespmem:s6], [sflag:$0x3] =	stream.linear.gather @!p2 [hbm4b:s0+s9], $0x800, $0x38;
	[tilespmem:$0x1E800] =	vst v63  }
0x108: {  	s6 =	sadd.s32 $0xFFFFFE00, s31;
	_ =	swait.ge @!p2 [sflag:s7], $0x800  }
0x109: {  	s3 =	sshll.u32 s3, $0xB;
	s0 =	sand.u32 $0x1E00, s6;
	[sflag:s7] =	ssyncset.done @!p2 $0x0  }
0x10a: {  	s8 =	sand.u32 $0x1, s30;
	s9 =	sshrl.u32 s0, $0x2;
	[sflag:s7] =	ssyncadd.s32 @!p2 $0xFFFFF800  }
0x10b: {  	s0 =	sshll.u32 s8, $0xE;
	s3 =	sor.u32 s9, s3;
	_ =	swait.ge [sflag:s22], $0x4000  }
0x10c: {  	s6 =	sor.u32 $0x2000, s0;
	p2 =	seq.s32 s31, $0x9E00;
	[sflag:s22] =	ssyncset.done $0x0  }
.Ltmp4:
0x10d: {  	s3 =	sor.u32 $0x1000, s3;
	[sflag:s22] =	ssyncadd.s32 $0xFFFFC000;
	(pc) =	sbr.rel @p2 .LBB2_8-.Ltmp4, $4  }
0x10e: {  	[spmem:s2] =	stream.indirect.scatter.add.f32 [tilespmem:s6], [sflag:$0x2], $0x80, s3, s25, $0xb8;
	[tilespmem:$0x1E800] =	vst v63  }
0x10f: {  	_ =	swait.ge [sflag:s28], $0x4000  }
0x110: {  	[sflag:s28] =	ssyncset.done $0x0  }
0x111: {  	[sflag:s28] =	ssyncadd.s32 $0xFFFFC000  }
.Ltmp5:
0x112: {  	(pc) =	sbr.rel .LBB2_6-.Ltmp5, $4  }
0x113: {  	_ = 	snop  }
0x114: {  	s3 =	sand.u32 $0x3E00, s31;
	s0 =	sxor.u32 $0x6000, s0  }
0x115: {  	s30 =	sadd.s32 $0x1, s30;
	s31 =	sadd.s32 $0x200, s31;
	s3 =	sshrl.u32 s3, $0x2  }
0x116: {  	[tilespmem:s0], [sflag:$0x1] =	stream.indirect.gather [hbm4b:s1+s25], $0x80, s3, s25, $0xb8;
	[tilespmem:$0x1E800] =	vst v63  }
.LBB2_9:
0x117: {  	_ =	sfence.sel $0x180000  }
0x118: {  	[bflag:$0x0] =	sbarrier.arrive $0xFFFF  }
0x119: {  	_ =	strace $0x9000004A  }
0x11a: {  	s0 =	stileid.u32;
	[bflag:$0x2] =	sbarrier.arrive $0xFFFF  }
0x11b: {  	p0 =	sne.s32 s0, $0x0;
	s0 =	rddreg [dreg:$0x3]  }
0x11c: {  	s0 =	sadd.s32 @!p0 $0x100000, s0  }
0x11d: {  	[sflag:s0] =	ssyncadd.tile.s32 @!p0 $0x1;
	_ =	shalt  }
.Lfunc_end2:
_tile_overlayer_lowered:
.L_overlay_start_2:
0x11e: {  	(tag) =	ssettag $0x2  }
0x11f: {  	s0 =	rddreg [dreg:$0x0];
	s2 =	stileid.u32  }
0x120: {  	s1 =	rddreg [dreg:$0x1];
	p0 =	sne.s32 s2, $0x0  }
0x121: {  	s3 =	rddreg [dreg:$0x2];
	[bflag:$0x3] =	sbarrier.arrive $0xFFFF;
	s2 =	simm.s32 @!p0 $0x1C03  }
0x122: {  	[timem:s3], [sflag:s2] =	dma.local @!p0 [hbm:s0], s1  }
0x123: {  	s0 =	simm.s32 @!p0 $0x3  }
0x124: {  	_ =	swait.ge @!p0 [sflag:s0], s1  }
0x125: {  	s1 =	ssub.s32 @!p0 $0x0, s1;
	[sflag:s0] =	ssyncset.done @!p0 $0x0  }
0x126: {  	[sflag:s0] =	ssyncadd.s32 @!p0 s1  }
0x127: {  	[bflag:$0x3] =	sbarrier.arrive $0xFFFF  }
0x128: {  	_ =	shalt  }

// kernel: kernel.14.cloned.1.call-start
scs
__scs_entry_jumppad:
0x0: {  	(pc) =	sbr.rel $0x88, $3  }
0x1: {  	(tag) =	ssettag $0x0;
	lr =	simm.s32 $0x1  }
0x2: {  	[smem:$0x3F9B] =	sst lr;
	_ =	strace $0xD0000000  }
0x3: {  	_ = 	snop  }
0x4: {  	_ = 	snop  }
0x5: {  	_ = 	snop  }
0x6: {  	_ = 	snop  }
0x7: {  	_ = 	snop  }
__scs_overlays_trampoline_lowered:
0x8: {  	[smem:$0x3FAA] =	sst s0  }
0x9: {  	[smem:$0x3FAB] =	sst s1  }
0xa: {  	[smem:$0x3FAC] =	sst s2  }
0xb: {  	[smem:$0x3FAD] =	sst s3  }
0xc: {  	[smem:$0x3FAE] =	sst s4  }
0xd: {  	[smem:$0x3FAF] =	sst s5  }
0xe: {  	[smem:$0x3FB0] =	sst s6  }
0xf: {  	[smem:$0x3FB1] =	sst s7  }
0x10: {  	[smem:$0x3FB2] =	sst s8  }
0x11: {  	[smem:$0x3FB3] =	sst s9;
	s0 =	simm.s32 @!p0 $0x0  }
0x12: {  	s1 =	sld [smem:$0x3F99];
	s0 =	simm.s32 @p0 $0x1  }
0x13: {  	[smem:$0x3FB4] =	sst s0;
	s0 =	simm.s32 @!p1 $0x0  }
0x14: {  	s2 =	sld [smem:$0x3F98];
	s0 =	simm.s32 @p1 $0x1  }
0x15: {  	[smem:$0x3FB5] =	sst s0;
	s0 =	simm.s32 @!p2 $0x0  }
0x16: {  	s3 =	sld [smem:$0x3FDB];
	s0 =	simm.s32 @p2 $0x1  }
0x17: {  	s4 =	simm.s32 $0x1BF5;
	[smem:$0x3FB7] =	sst s0  }
0x18: {  	s0 =	sld [smem:$0x3F9A];
	_ =	swait.ge [sflag:s4], $0x0  }
0x19: {  	s7 =	sld [smem:$0x3F9B]  }
0x1a: {  	s8 =	sadd.s32 $0xFFFFE003, lr  }
0x1b: {  	s9 =	sadd.s32 $0xFFFFFEF7, lr;
	s5 =	simm.s32 $0xFFFFFFFF;
	p2 =	slt.u32 s8, $0xFFFFF086  }
0x1c: {  	p1 =	slt.u32 s9, $0xF7A;
	s5 =	simm.s32 @!p2 $0x0  }
0x1d: {  	s5 =	simm.s32 @p1 $0x1;
	p0 =	seq.s32 s7, s2  }
0x1e: {  	s7 =	smul.u32 @!p0 $0xF7A, s2;
	p2 =	seq.s32 @!p0 s5, $0x0  }
0x1f: {  	s9 =	smul.u32 $0xF7A, s1;
	s8 =	simm.s32 @!p0 $0x1BF5;
	p2 =	por !p2, p0  }
0x20: {  	[sflag:s8] =	ssyncset.s32 @!p0 $0xFFFFF086;
	s6 =	sadd.s32 @!p0 s3, s7;
	s7 =	simm.s32 @!p0 $0x108  }
0x21: {  	s3 =	sadd.s32 s3, s9;
	s6 =	sadd.s32 @!p0 $0x88, s6;
	s7 =	simm.s32 @p2 $0x1082  }
0x22: {  	[simem:s7], [sflag:s8] =	dma.local @!p0 [hbm:s6], $0xF7A  }
0x23: {  	s9 =	sor.u32 $0xD0000000, s2;
	s6 =	simm.s32 $0x108;
	_ =	swait.ge @!p0 [sflag:s8], $0x0  }
0x24: {  	s3 =	sadd.s32 $0x88, s3;
	s6 =	simm.s32 @!p1 $0x1082;
	[sflag:s4] =	ssyncset.s32 $0xFFFFF086  }
0x25: {  	[simem:s6], [sflag:s4] =	dma.local [hbm:s3], $0xF7A  }
0x26: {  	[smem:$0x3F9B] =	sst s1;
	(tag) =	ssettag s2;
	_ =	strace s9  }
0x27: {  	s1 =	sld [smem:$0x3FAB]  }
0x28: {  	s2 =	sld [smem:$0x3FAC]  }
0x29: {  	s4 =	sld [smem:$0x3FAE]  }
0x2a: {  	p0 =	seq.s32 s5, $0x0;
	s5 =	sld [smem:$0x3FAF]  }
0x2b: {  	s6 =	sld [smem:$0x3FB0]  }
0x2c: {  	s7 =	sld [smem:$0x3FB1]  }
0x2d: {  	s3 =	simm.s32 $0x108;
	s8 =	sld [smem:$0x3FB2]  }
0x2e: {  	s3 =	simm.s32 @!p0 $0x1082;
	s9 =	sld [smem:$0x3FB3]  }
0x2f: {  	lr =	sadd.s32 s0, s3;
	s0 =	sld [smem:$0x3FAA]  }
0x30: {  	s3 =	sld [smem:$0x3FAD]  }
0x31: {  	[smem:$0x3FB6] =	sst s10  }
0x32: {  	s10 =	sld [smem:$0x3FB4];
	_ =	sdelay $0x3  }
0x33: {  	p0 =	seq.s32 s10, $0x1;
	s10 =	sld [smem:$0x3FB6];
	_ =	sdelay $0x3  }
0x34: {  	[smem:$0x3FB6] =	sst s10  }
0x35: {  	s10 =	sld [smem:$0x3FB5];
	_ =	sdelay $0x3  }
0x36: {  	p1 =	seq.s32 s10, $0x1;
	s10 =	sld [smem:$0x3FB6];
	_ =	sdelay $0x3  }
0x37: {  	[smem:$0x3FB6] =	sst s10  }
0x38: {  	s10 =	sld [smem:$0x3FB7]  }
0x39: {  	_ = 	snop;
	(pc) =	sbr.ind lr, $3  }
0x3a: {  	_ = 	snop  }
0x3b: {  	_ = 	snop  }
0x3c: {  	p2 =	seq.s32 s10, $0x1;
	s10 =	sld [smem:$0x3FB6]  }
0x3d: {  	_ =	shalt  }
0x3e: {  	_ =	shalt  }
0x3f: {  	_ =	shalt  }
0x40: {  	_ =	shalt  }
0x41: {  	_ =	shalt  }
0x42: {  	_ =	shalt  }
0x43: {  	_ =	shalt  }
0x44: {  	_ =	shalt  }
0x45: {  	_ =	shalt  }
0x46: {  	_ =	shalt  }
0x47: {  	_ =	shalt  }
0x48: {  	_ =	shalt  }
0x49: {  	_ =	shalt  }
0x4a: {  	_ =	shalt  }
0x4b: {  	_ =	shalt  }
0x4c: {  	_ =	shalt  }
0x4d: {  	_ =	shalt  }
0x4e: {  	_ =	shalt  }
0x4f: {  	_ =	shalt  }
0x50: {  	_ =	shalt  }
0x51: {  	_ =	shalt  }
0x52: {  	_ =	shalt  }
0x53: {  	_ =	shalt  }
0x54: {  	_ =	shalt  }
0x55: {  	_ =	shalt  }
0x56: {  	_ =	shalt  }
0x57: {  	_ =	shalt  }
0x58: {  	_ =	shalt  }
0x59: {  	_ =	shalt  }
0x5a: {  	_ =	shalt  }
0x5b: {  	_ =	shalt  }
0x5c: {  	_ =	shalt  }
0x5d: {  	_ =	shalt  }
0x5e: {  	_ =	shalt  }
0x5f: {  	_ =	shalt  }
0x60: {  	_ =	shalt  }
0x61: {  	_ =	shalt  }
0x62: {  	_ =	shalt  }
0x63: {  	_ =	shalt  }
0x64: {  	_ =	shalt  }
0x65: {  	_ =	shalt  }
0x66: {  	_ =	shalt  }
0x67: {  	_ =	shalt  }
0x68: {  	_ =	shalt  }
0x69: {  	_ =	shalt  }
0x6a: {  	_ =	shalt  }
0x6b: {  	_ =	shalt  }
0x6c: {  	_ =	shalt  }
0x6d: {  	_ =	shalt  }
0x6e: {  	_ =	shalt  }
0x6f: {  	_ =	shalt  }
0x70: {  	_ =	shalt  }
0x71: {  	_ =	shalt  }
0x72: {  	_ =	shalt  }
0x73: {  	_ =	shalt  }
0x74: {  	_ =	shalt  }
0x75: {  	_ =	shalt  }
0x76: {  	_ =	shalt  }
0x77: {  	_ =	shalt  }
0x78: {  	_ =	shalt  }
0x79: {  	_ =	shalt  }
0x7a: {  	_ =	shalt  }
0x7b: {  	_ =	shalt  }
0x7c: {  	_ =	shalt  }
0x7d: {  	_ =	shalt  }
0x7e: {  	_ =	shalt  }
0x7f: {  	_ =	shalt  }
0x80: {  	_ =	shalt  }
0x81: {  	_ =	shalt  }
0x82: {  	_ =	shalt  }
0x83: {  	_ =	shalt  }
0x84: {  	_ =	shalt  }
0x85: {  	_ =	shalt  }
0x86: {  	_ =	shalt  }
0x87: {  	_ =	shalt  }
.Lfunc_end0:
.L_simem_size_0:
called_computation.2_lowered:
.L_overlay_start_0:
0x88: {  	s2 =	sld [smem:$0x3FD9]  }
0x89: {  	s3 =	sld [smem:$0x3FFE];
	_ =	sdelay $0x1  }
0x8a: {  	s1 =	srdreg.scid  }
0x8b: {  	s0 =	sand.u32 $0x1, s1  }
0x8c: {  	s17 =	sshll.u32 s0, $0xA;
	s2 =	sadd.s32 s3, s2  }
0x8d: {  	s2 =	sadd.s32 s2, s17  }
0x8e: {  	[smem:$0x3FC2] =	sst s2  }
0x8f: {  	_ = 	snop  }
0x90: {  	s2 =	sld [smem:$0x3FD0];
	(tm) =	ssettm $0x1  }
0x91: {  	s18 =	sld [smem:$0x3FFB];
	_ =	sdelay $0x3  }
0x92: {  	_ =	strace s18  }
0x93: {  	s3 =	sld [smem:$0x3FFC];
	_ =	sdelay $0x3  }
0x94: {  	_ =	strace s3  }
0x95: {  	s3 =	sld [smem:$0x3FFD];
	_ =	sdelay $0x3  }
0x96: {  	_ =	strace s3  }
0x97: {  	_ =	strace $0x8FFFFFFF  }
0x98: {  	s19 =	sld [smem:$0x3FDB];
	_ =	sdelay $0x1  }
0x99: {  	s4 =	simm.s32 $_scs_section_size  }
0x9a: {  	s5 =	simm.s32 $_size__tile_overlayer_lowered;
	s6 =	simm.s32 $_tile_overlayer_lowered  }
0x9b: {  	s22 =	simm.s32 $0x1BFF;
	s21 =	sshll.u32 s6, $0x1;
	s3 =	sadd.s32 s4, s19  }
0x9c: {  	s7 =	simm.s32 $0x0;
	s20 =	sshll.u32 s5, $0x1;
	s5 =	sadd.s32 s21, s3  }
0x9d: {  	[timem:s7], [sflag:s22] =	dma.local [hbm:s5], s20  }
0x9e: {  	_ =	swait.ge [sflag:s22], s20  }
0x9f: {  	s4 =	ssub.s32 $0x0, s20;
	[sflag:s22] =	ssyncset.done $0x0  }
0xa0: {  	[sflag:s22] =	ssyncadd.s32 s4;
	_ =	sdelay $0x1  }
0xa1: {  	s23 =	simm.s32 $0x1B8B  }
0xa2: {  	_ =	swait.ge [sflag:s23], $0x1  }
0xa3: {  	[sflag:s23] =	ssyncset.done $0x0  }
0xa4: {  	s25 =	simm.s32 $0x1B8E;
	s24 =	sld [smem:$0x3FFE];
	[sflag:s23] =	ssyncadd.s32 $0xFFFFFFFF  }
0xa5: {  	s26 =	simm.s32 $execute0_lowered;
	[smem:$0x3FD2] =	sst s25  }
0xa6: {  	s5 =	sshll.u32 s26, $0x1;
	_ =	strace $0x8000004C;
	[dreg:$0x1] =	wrdreg $0xFFFFFFFF  }
0xa7: {  	s28 =	simm.s32 $_size_execute0_lowered;
	s3 =	sadd.s32 s3, s5;
	[dreg:$0x0] =	wrdreg $0x0  }
0xa8: {  	s5 =	sshll.u32 s28, $0x1;
	[dreg:$0x2] =	wrdreg s3  }
0xa9: {  	[dreg:$0x3] =	wrdreg s5  }
0xaa: {  	[dreg:$0x4] =	wrdreg $0xC0  }
0xab: {  	_ =	task [dreg:s7], $0x5FFFF  }
0xac: {  	[dreg:$0x1] =	wrdreg $0xFFFFFFFF  }
0xad: {  	[dreg:$0x0] =	wrdreg $0x60  }
0xae: {  	[dreg:$0x2] =	wrdreg s2  }
0xaf: {  	[dreg:$0x3] =	wrdreg s24  }
0xb0: {  	[dreg:$0x4] =	wrdreg $0xA8000  }
0xb1: {  	[dreg:$0x5] =	wrdreg $0x9  }
0xb2: {  	_ =	task.clear_ibuf [dreg:s7], $0x6FFFF;
	_ =	strace $0x9000004C  }
0xb3: {  	s29 =	simm.s32 $0x9;
	_ =	strace $0x8000004E  }
0xb4: {  	_ =	swait.ge [sflag:s29], $0x1  }
0xb5: {  	[sflag:s29] =	ssyncadd.s32 $0xFFFFFFFF  }
0xb6: {  	_ =	strace $0x9000004E  }
0xb7: {  	_ =	sfence  }
0xb8: {  	s30 =	sld [smem:$0x0];
	_ =	sdelay $0x2  }
0xb9: {  	s31 =	sshll.u32 s1, $0xD;
	s1 =	sshrl.u32 s1, $0x2  }
0xba: {  	s3 =	sand.u32 $0x4000, s31;
	s1 =	sadd.s32 s1, s30  }
0xbb: {  	s0 =	sor.u32 s3, s0;
	s1 =	sshll.u32 s1, $0x11  }
0xbc: {  	s0 =	sor.u32 s1, s0  }
0xbd: {  	s0 =	sadd.s32 $0x8F2B, s0  }
0xbe: {  	[sflag:s0] =	ssyncadd.remote.s32 $0x1  }
0xbf: {  	_ =	sfence.sel $0xFFFF  }
0xc0: {  	[dreg:$0x0] =	wrdreg $0xFFFFFFFF;
	(pc) =	sbr.abs _section_cstart, $3  }
0xc1: {  	[dreg:$0x1] =	wrdreg $0xFFFFFFFF  }
0xc2: {  	_ =	task.clear_ibuf [dreg:s7], $0x2FFFF;
	_ =	strace $0x9FFFFFFF  }
0xc3: {  	(tm) =	ssettm $0x7FFFFFFF  }
tec
execute0_lowered:
.L_overlay_start_1:
0x0: {  	(tag) =	ssettag $0x1  }
0x1: {  	s1 =	rddreg [dreg:$0x0]  }
0x2: {  	s0 =	rddreg [dreg:$0x1]  }
0x3: {  	s2 =	rddreg [dreg:$0x2];
	s24 =	stileid.u32  }
0x4: {  	s4 =	simm.s32 $0x0;
	s3 =	srdreg.scid;
	s6 =	smul.u32 $0x50000, s24  }
0x5: {  	[smem:$0x7FF] =	sst s4;
	s3 =	sand.u32 $0x1, s3;
	s9 =	smul.u32 $0x2800, s24  }
0x6: {  	s5 =	sadd.s32 $0x5A600, s0;
	s10 =	sor.u32 $0x10, s24;
	s7 =	smul.u32 $0x138800, s3  }
0x7: {  	s13 =	sor.u32 $0x20, s24;
	s16 =	sor.u32 $0x30, s24;
	s12 =	smul.u32 $0x2800, s10  }
0x8: {  	s14 =	sshll.u32 s24, $0x1;
	s17 =	sor.u32 $0x40, s24;
	s25 =	smul.u32 $0x2800, s13  }
0x9: {  	s19 =	sor.u32 $0x50, s24;
	s20 =	sor.u32 $0x60, s24;
	s15 =	smul.u32 $0x2800, s16  }
0xa: {  	s22 =	sor.u32 $0x70, s24;
	s30 =	sadd.s32 $0xC400, s0;
	s26 =	smul.u32 $0x2800, s17  }
0xb: {  	p1 =	sgt.u32 s24, $0xC;
	_ =	strace $0x8000004D;
	s18 =	smul.u32 $0x2800, s19  }
0xc: {  	s8 =	ssub.s32 $0x2, s3;
	s3 =	sor.u32 s3, s14;
	s21 =	smul.u32 $0x2800, s20  }
0xd: {  	s23 =	smul.u32 $0x2800, s22;
	p0 =	sgt.u32 s22, $0x7C;
	s11 =	sshrl.u32 s8, $0x1  }
0xe: {  	s6 =	sshrl.u32 s6, $0x2;
	s3 =	smul.u32 $0x2800, s3;
	s8 =	ssub.s32 s8, s11  }
0xf: {  	s9 =	sadd.s32 s7, s9;
	s12 =	sadd.s32 s7, s12;
	s11 =	sadd.s32 s7, s25  }
0x10: {  	s15 =	sadd.s32 s7, s15;
	s14 =	sadd.s32 s7, s26;
	s18 =	sadd.s32 s7, s18  }
0x11: {  	s21 =	sadd.s32 s7, s21;
	s7 =	sadd.s32 s7, s23;
	s23 =	smul.u32 $0xA000, s16  }
0x12: {  	s9 =	sshrl.u32 s9, $0x3;
	s12 =	sshrl.u32 s12, $0x3;
	s11 =	sshrl.u32 s11, $0x3  }
0x13: {  	s14 =	sshrl.u32 s14, $0x3;
	s18 =	sshrl.u32 s18, $0x3;
	s9 =	sadd.s32 s30, s9  }
0x14: {  	s7 =	sshrl.u32 s7, $0x3;
	s31 =	sadd.s32 s30, s12;
	[dreg:$0x4] =	wrdreg s9  }
0x15: {  	s12 =	sshrl.u32 s15, $0x3;
	s15 =	sadd.s32 s30, s14;
	[dreg:$0x5] =	wrdreg s31  }
0x16: {  	s25 =	sshrl.u32 s3, $0x3;
	s7 =	sadd.s32 s30, s7;
	[dreg:$0x8] =	wrdreg s15  }
0x17: {  	s14 =	sadd.s32 $0x2400, s0;
	s26 =	sadd.s32 s5, s25;
	[dreg:$0xb] =	wrdreg s7  }
0x18: {  	s9 =	sadd.s32 s30, s11;
	s15 =	sadd.s32 s6, s2;
	[dreg:$0xc] =	wrdreg s26  }
0x19: {  	s31 =	smul.u32 $0xA000, s10;
	[dreg:$0x6] =	wrdreg s9;
	s9 =	sadd.s32 s30, s12  }
0x1a: {  	s26 =	smul.u32 $0xA000, s19;
	s19 =	sadd.s32 $0x800, s15;
	[dreg:$0x7] =	wrdreg s9  }
0x1b: {  	s7 =	sshrl.u32 s23, $0x2;
	s23 =	sadd.s32 $0x2800, s15;
	[dreg:$0x19] =	wrdreg s19  }
0x1c: {  	s11 =	smul.u32 $0xA000, s24;
	s24 =	sadd.s32 $0x3000, s15;
	[dreg:$0x1d] =	wrdreg s23  }
0x1d: {  	s9 =	sadd.s32 s30, s18;
	s0 =	sshrl.u32 s31, $0x2;
	[dreg:$0x1e] =	wrdreg s24  }
0x1e: {  	s31 =	smul.u32 $0xA000, s22;
	s22 =	sadd.s32 $0x2000, s15;
	[dreg:$0x9] =	wrdreg s9  }
0x1f: {  	s19 =	sadd.s32 $0xB000, s15;
	[dreg:$0x1c] =	wrdreg s22  }
0x20: {  	s23 =	sadd.s32 $0xD000, s15;
	[smem:$0x7F4] =	sst s19  }
0x21: {  	s21 =	sshrl.u32 s21, $0x3;
	s24 =	sadd.s32 $0xD800, s15;
	[smem:$0x7F8] =	sst s23  }
0x22: {  	s9 =	sadd.s32 s30, s21;
	[smem:$0x7F9] =	sst s24  }
0x23: {  	s7 =	sadd.s32 s7, s2;
	s30 =	sadd.s32 s14, s25;
	[dreg:$0xa] =	wrdreg s9  }
0x24: {  	s18 =	sadd.s32 $0x800, s3;
	s22 =	sadd.s32 $0xC800, s15;
	[dreg:$0xd] =	wrdreg s30  }
0x25: {  	s10 =	sshrl.u32 s18, $0x3;
	s9 =	smax.u32 s8, $0x1;
	[smem:$0x7F7] =	sst s22  }
0x26: {  	s6 =	sshrl.u32 s11, $0x2;
	s12 =	sadd.s32 s5, s10;
	[dreg:$0xe] =	wrdreg s9  }
0x27: {  	s6 =	sadd.s32 s6, s2;
	s3 =	sadd.s32 s14, s10;
	[dreg:$0xf] =	wrdreg s12  }
0x28: {  	s0 =	sadd.s32 s0, s2;
	s6 =	sshrl.u32 s6, $0x3;
	[dreg:$0x10] =	wrdreg s3  }
0x29: {  	s21 =	smul.u32 $0xA000, s13;
	s0 =	sshrl.u32 s0, $0x3;
	[dreg:$0x11] =	wrdreg s6  }
0x2a: {  	s30 =	smul.u32 $0xA000, s20;
	s20 =	sadd.s32 $0x1000, s15;
	[dreg:$0x12] =	wrdreg s0  }
0x2b: {  	s11 =	sshrl.u32 s31, $0x2;
	s31 =	sadd.s32 $0x5000, s15;
	[dreg:$0x1a] =	wrdreg s20  }
0x2c: {  	s25 =	smul.u32 $0xA000, s17;
	s12 =	sshrl.u32 s7, $0x3;
	[smem:$0x7E8] =	sst s31  }
0x2d: {  	s3 =	sshrl.u32 s21, $0x2;
	s21 =	sadd.s32 $0x1800, s15;
	[dreg:$0x14] =	wrdreg s12  }
0x2e: {  	s8 =	sshrl.u32 s25, $0x2;
	s25 =	sadd.s32 $0x3800, s15;
	[dreg:$0x1b] =	wrdreg s21  }
0x2f: {  	s9 =	sshrl.u32 s26, $0x2;
	s26 =	sadd.s32 $0x4000, s15;
	[dreg:$0x1f] =	wrdreg s25  }
0x30: {  	s7 =	sadd.s32 $0x6800, s15;
	[smem:$0x7E6] =	sst s26  }
0x31: {  	s20 =	sadd.s32 $0xB800, s15;
	[smem:$0x7EB] =	sst s7  }
0x32: {  	s11 =	sadd.s32 s11, s2;
	s31 =	sadd.s32 $0xF800, s15;
	[smem:$0x7F5] =	sst s20  }
0x33: {  	s0 =	sshrl.u32 @!p0 s11, $0x3;
	[smem:$0x7FD] =	sst s31  }
0x34: {  	s10 =	sshrl.u32 s30, $0x2;
	s30 =	sadd.s32 $0x4800, s15;
	[dreg:$0x18] =	wrdreg s0  }
0x35: {  	s11 =	sadd.s32 $0x8800, s15;
	[smem:$0x7E7] =	sst s30  }
0x36: {  	s12 =	sadd.s32 $0x9000, s15;
	[smem:$0x7EF] =	sst s11  }
0x37: {  	s28 =	simm.s32 $0x2;
	s21 =	sadd.s32 $0xC000, s15;
	[smem:$0x7F0] =	sst s12  }
0x38: {  	s29 =	simm.s32 $0x0;
	s25 =	sadd.s32 $0xE000, s15;
	[smem:$0x7F6] =	sst s21  }
0x39: {  	s3 =	sadd.s32 s3, s2;
	s26 =	sadd.s32 $0xE800, s15;
	[smem:$0x7FA] =	sst s25  }
0x3a: {  	s8 =	sadd.s32 s8, s2;
	s6 =	sshrl.u32 s3, $0x3;
	[smem:$0x7FB] =	sst s26  }
0x3b: {  	s9 =	sadd.s32 s9, s2;
	s13 =	sshrl.u32 s8, $0x3;
	[dreg:$0x13] =	wrdreg s6  }
0x3c: {  	s19 =	sadd.s32 $0x13000, s15;
	s16 =	sshrl.u32 s9, $0x3;
	[dreg:$0x15] =	wrdreg s13  }
0x3d: {  	s23 =	simm.s32 $0x3;
	s3 =	sadd.s32 $0x5800, s15;
	[dreg:$0x16] =	wrdreg s16  }
0x3e: {  	s24 =	simm.s32 $0x1000;
	s8 =	sadd.s32 $0x7000, s15;
	[smem:$0x7E9] =	sst s3  }
0x3f: {  	s22 =	simm.s32 $0x1;
	s9 =	sadd.s32 $0x7800, s15;
	[smem:$0x7EC] =	sst s8  }
0x40: {  	s10 =	sadd.s32 s10, s2;
	s30 =	sadd.s32 $0xF000, s15;
	[smem:$0x7ED] =	sst s9  }
0x41: {  	s20 =	sadd.s32 $0x13800, s15;
	s17 =	sshrl.u32 s10, $0x3;
	[smem:$0x7FC] =	sst s30  }
0x42: {  	s11 =	sadd.s32 $0x10800, s15;
	s6 =	sadd.s32 $0x6000, s15;
	[dreg:$0x17] =	wrdreg s17  }
0x43: {  	s12 =	sadd.s32 $0x11000, s15;
	s10 =	sadd.s32 $0x8000, s15;
	[smem:$0x7EA] =	sst s6  }
.Ltmp0:
0x44: {  	s13 =	sadd.s32 $0x9800, s15;
	[smem:$0x7EE] =	sst s10;
	(pc) =	sbr.rel .LBB2_1-.Ltmp0, $4  }
0x45: {  	s21 =	simm.s32 $0xA000;
	s16 =	sadd.s32 $0xA000, s15;
	[smem:$0x7F1] =	sst s13  }
0x46: {  	s25 =	simm.s32 $0x80;
	s26 =	simm.s32 $0x2000;
	[smem:$0x7F2] =	sst s16  }
0x47: {  	s17 =	sadd.s32 $0xA800, s15;
	s10 =	sadd.s32 $0x10000, s15;
	s13 =	sadd.s32 $0x11800, s15  }
0x48: {  	v0 =	vimm.f32 $0.0e+00;
	s16 =	sadd.s32 $0x12000, s15;
	[smem:$0x7F3] =	sst s17;
	s17 =	sadd.s32 $0x12800, s15  }
.LBB2_8:
0x49: {  	_ =	swait.ge [sflag:s28], $0x4000  }
0x4a: {  	[sflag:s28] =	ssyncset.done $0x0  }
0x4b: {  	[sflag:s28] =	ssyncadd.s32 $0xFFFFC000  }
0x4c: {  	s0 =	stileid.u32;
	[bflag:$0x0] =	sbarrier.arrive $0xFFFF  }
0x4d: {  	s0 =	sshll.u32 s0, $0x6;
	s3 =	rddreg [dreg:$0x4]  }
0x4e: {  	s0 =	sor.u32 $0x1C01, s0;
	s6 =	rddreg [dreg:$0x11]  }
0x4f: {  	[hbm:s3], [sflag:s0] =	dma.local [spmem:s6], $0x500  }
0x50: {  	s3 =	rddreg [dreg:$0x5]  }
0x51: {  	s6 =	rddreg [dreg:$0x12]  }
0x52: {  	[hbm:s3], [sflag:s0] =	dma.local [spmem:s6], $0x500  }
0x53: {  	s3 =	rddreg [dreg:$0x6]  }
0x54: {  	s6 =	rddreg [dreg:$0x13]  }
0x55: {  	[hbm:s3], [sflag:s0] =	dma.local [spmem:s6], $0x500  }
0x56: {  	s3 =	rddreg [dreg:$0x7]  }
0x57: {  	s6 =	rddreg [dreg:$0x14]  }
0x58: {  	[hbm:s3], [sflag:s0] =	dma.local [spmem:s6], $0x500  }
0x59: {  	s3 =	rddreg [dreg:$0x8]  }
0x5a: {  	s6 =	rddreg [dreg:$0x15]  }
0x5b: {  	[hbm:s3], [sflag:s0] =	dma.local [spmem:s6], $0x500  }
0x5c: {  	s3 =	rddreg [dreg:$0x9]  }
0x5d: {  	s6 =	rddreg [dreg:$0x16]  }
0x5e: {  	[hbm:s3], [sflag:s0] =	dma.local [spmem:s6], $0x500  }
0x5f: {  	s3 =	rddreg [dreg:$0xa]  }
0x60: {  	s6 =	rddreg [dreg:$0x17]  }
0x61: {  	[hbm:s3], [sflag:s0] =	dma.local [spmem:s6], $0x500  }
0x62: {  	s3 =	rddreg [dreg:$0xb]  }
0x63: {  	s6 =	rddreg [dreg:$0x18]  }
0x64: {  	[hbm:s3], [sflag:s0] =	dma.local @!p0 [spmem:s6], $0x500  }
0x65: {  	_ =	swait.ge [sflag:s22], $0x500  }
0x66: {  	[sflag:s22] =	ssyncset.done $0x0  }
0x67: {  	[sflag:s22] =	ssyncadd.s32 $0xFFFFFB00  }
0x68: {  	_ =	swait.ge [sflag:s22], $0x500  }
0x69: {  	[sflag:s22] =	ssyncset.done $0x0  }
0x6a: {  	[sflag:s22] =	ssyncadd.s32 $0xFFFFFB00  }
0x6b: {  	_ =	swait.ge [sflag:s22], $0x500  }
0x6c: {  	[sflag:s22] =	ssyncset.done $0x0  }
0x6d: {  	[sflag:s22] =	ssyncadd.s32 $0xFFFFFB00  }
0x6e: {  	_ =	swait.ge [sflag:s22], $0x500  }
0x6f: {  	[sflag:s22] =	ssyncset.done $0x0  }
0x70: {  	[sflag:s22] =	ssyncadd.s32 $0xFFFFFB00  }
0x71: {  	_ =	swait.ge [sflag:s22], $0x500  }
0x72: {  	[sflag:s22] =	ssyncset.done $0x0  }
0x73: {  	[sflag:s22] =	ssyncadd.s32 $0xFFFFFB00  }
0x74: {  	_ =	swait.ge [sflag:s22], $0x500  }
0x75: {  	[sflag:s22] =	ssyncset.done $0x0  }
0x76: {  	[sflag:s22] =	ssyncadd.s32 $0xFFFFFB00  }
0x77: {  	_ =	swait.ge [sflag:s22], $0x500  }
0x78: {  	[sflag:s22] =	ssyncset.done $0x0  }
0x79: {  	s0 =	simm.s32 @!p1 $0x1;
	[sflag:s22] =	ssyncadd.s32 $0xFFFFFB00  }
0x7a: {  	_ =	swait.ge @!p1 [sflag:s0], $0x500  }
0x7b: {  	s29 =	sadd.s32 $0x1, s29;
	s31 =	rddreg [dreg:$0xe]  }
0x7c: {  	p2 =	sne.s32 s29, s31  }
.Ltmp1:
0x7d: {  	_ = 	snop;
	(pc) =	sbr.rel @!p2 .LBB2_9-.Ltmp1, $3  }
0x7e: {  	_ =	sdelay $0x1  }
0x7f: {  	[sflag:s0] =	ssyncset.done @!p1 $0x0  }
0x80: {  	[sflag:s0] =	ssyncadd.s32 @!p1 $0xFFFFFB00  }
.LBB2_1:
0x81: {  	s0 =	sand.u32 $0x1E00, s4  }
0x82: {  	s31 =	sand.u32 $0x70, s4;
	s0 =	sshrl.u32 s0, $0x2  }
0x83: {  	s30 =	simm.s32 $0x40;
	s0 =	sor.u32 s31, s0;
	s31 =	simm.s32 $0x0  }
.LBB2_2:
0x84: {  	p2 =	sne.s32 s30, $0x1FC0  }
0x85: {  	[tilespmem:s0+$0xA000] =	vst v0;
	s31 =	sadd.s32 $0x10, s31;
	s0 =	smov.u32 s30;
	s30 =	sadd.s32 $0x40, s30  }
.Ltmp2:
0x86: {  	(pc) =	sbr.rel @p2 .LBB2_2-.Ltmp2, $4  }
0x87: {  	_ = 	snop  }
0x88: {  	s0 =	sand.u32 $0x1E00, s0  }
0x89: {  	s3 =	sand.u32 $0x70, s31;
	s0 =	sshrl.u32 s0, $0x2  }
0x8a: {  	s0 =	sor.u32 s3, s0  }
0x8b: {  	[tilespmem:s0+$0xA000] =	vst v0;
	s31 =	rddreg [dreg:$0x19]  }
0x8c: {  	[spmem:s15] =	stream.linear.scatter [tilespmem:s21], [sflag:$0x1], $0x800, $0x38;
	[tilespmem:$0x1E800] =	vst v63  }
0x8d: {  	s3 =	rddreg [dreg:$0x1a]  }
0x8e: {  	[spmem:s31] =	stream.linear.scatter [tilespmem:s21], [sflag:$0x1], $0x800, $0x38;
	[tilespmem:$0x1E800] =	vst v63  }
0x8f: {  	s6 =	rddreg [dreg:$0x1b]  }
0x90: {  	[spmem:s3] =	stream.linear.scatter [tilespmem:s21], [sflag:$0x1], $0x800, $0x38;
	[tilespmem:$0x1E800] =	vst v63  }
0x91: {  	s7 =	rddreg [dreg:$0x1c]  }
0x92: {  	[spmem:s6] =	stream.linear.scatter [tilespmem:s21], [sflag:$0x1], $0x800, $0x38;
	[tilespmem:$0x1E800] =	vst v63  }
0x93: {  	s8 =	rddreg [dreg:$0x1d]  }
0x94: {  	[spmem:s7] =	stream.linear.scatter [tilespmem:s21], [sflag:$0x1], $0x800, $0x38;
	[tilespmem:$0x1E800] =	vst v63  }
0x95: {  	s9 =	rddreg [dreg:$0x1e]  }
0x96: {  	[spmem:s8] =	stream.linear.scatter [tilespmem:s21], [sflag:$0x1], $0x800, $0x38;
	[tilespmem:$0x1E800] =	vst v63  }
0x97: {  	s31 =	rddreg [dreg:$0x1f]  }
0x98: {  	[spmem:s9] =	stream.linear.scatter [tilespmem:s21], [sflag:$0x1], $0x800, $0x38;
	[tilespmem:$0x1E800] =	vst v63  }
0x99: {  	s3 =	sld [smem:$0x7E6]  }
0x9a: {  	[spmem:s31] =	stream.linear.scatter [tilespmem:s21], [sflag:$0x1], $0x800, $0x38;
	[tilespmem:$0x1E800] =	vst v63  }
0x9b: {  	s6 =	sld [smem:$0x7E7]  }
0x9c: {  	[spmem:s3] =	stream.linear.scatter [tilespmem:s21], [sflag:$0x1], $0x800, $0x38;
	[tilespmem:$0x1E800] =	vst v63  }
0x9d: {  	s7 =	sld [smem:$0x7E8]  }
0x9e: {  	[spmem:s6] =	stream.linear.scatter [tilespmem:s21], [sflag:$0x1], $0x800, $0x38;
	[tilespmem:$0x1E800] =	vst v63  }
0x9f: {  	s8 =	sld [smem:$0x7E9]  }
0xa0: {  	[spmem:s7] =	stream.linear.scatter [tilespmem:s21], [sflag:$0x1], $0x800, $0x38;
	[tilespmem:$0x1E800] =	vst v63  }
0xa1: {  	s9 =	sld [smem:$0x7EA]  }
0xa2: {  	[spmem:s8] =	stream.linear.scatter [tilespmem:s21], [sflag:$0x1], $0x800, $0x38;
	[tilespmem:$0x1E800] =	vst v63  }
0xa3: {  	s31 =	sld [smem:$0x7EB]  }
0xa4: {  	[spmem:s9] =	stream.linear.scatter [tilespmem:s21], [sflag:$0x1], $0x800, $0x38;
	[tilespmem:$0x1E800] =	vst v63  }
0xa5: {  	s3 =	sld [smem:$0x7EC]  }
0xa6: {  	[spmem:s31] =	stream.linear.scatter [tilespmem:s21], [sflag:$0x1], $0x800, $0x38;
	[tilespmem:$0x1E800] =	vst v63  }
0xa7: {  	s6 =	sld [smem:$0x7ED]  }
0xa8: {  	[spmem:s3] =	stream.linear.scatter [tilespmem:s21], [sflag:$0x1], $0x800, $0x38;
	[tilespmem:$0x1E800] =	vst v63  }
0xa9: {  	s7 =	sld [smem:$0x7EE]  }
0xaa: {  	[spmem:s6] =	stream.linear.scatter [tilespmem:s21], [sflag:$0x1], $0x800, $0x38;
	[tilespmem:$0x1E800] =	vst v63  }
0xab: {  	s8 =	sld [smem:$0x7EF]  }
0xac: {  	[spmem:s7] =	stream.linear.scatter [tilespmem:s21], [sflag:$0x1], $0x800, $0x38;
	[tilespmem:$0x1E800] =	vst v63  }
0xad: {  	s9 =	sld [smem:$0x7F0]  }
0xae: {  	[spmem:s8] =	stream.linear.scatter [tilespmem:s21], [sflag:$0x1], $0x800, $0x38;
	[tilespmem:$0x1E800] =	vst v63  }
0xaf: {  	s31 =	sld [smem:$0x7F1]  }
0xb0: {  	[spmem:s9] =	stream.linear.scatter [tilespmem:s21], [sflag:$0x1], $0x800, $0x38;
	[tilespmem:$0x1E800] =	vst v63  }
0xb1: {  	s3 =	sld [smem:$0x7F2]  }
0xb2: {  	[spmem:s31] =	stream.linear.scatter [tilespmem:s21], [sflag:$0x1], $0x800, $0x38;
	[tilespmem:$0x1E800] =	vst v63  }
0xb3: {  	s6 =	sld [smem:$0x7F3]  }
0xb4: {  	[spmem:s3] =	stream.linear.scatter [tilespmem:s21], [sflag:$0x1], $0x800, $0x38;
	[tilespmem:$0x1E800] =	vst v63  }
0xb5: {  	s7 =	sld [smem:$0x7F4]  }
0xb6: {  	[spmem:s6] =	stream.linear.scatter [tilespmem:s21], [sflag:$0x1], $0x800, $0x38;
	[tilespmem:$0x1E800] =	vst v63  }
0xb7: {  	s8 =	sld [smem:$0x7F5]  }
0xb8: {  	[spmem:s7] =	stream.linear.scatter [tilespmem:s21], [sflag:$0x1], $0x800, $0x38;
	[tilespmem:$0x1E800] =	vst v63  }
0xb9: {  	s9 =	sld [smem:$0x7F6]  }
0xba: {  	[spmem:s8] =	stream.linear.scatter [tilespmem:s21], [sflag:$0x1], $0x800, $0x38;
	[tilespmem:$0x1E800] =	vst v63  }
0xbb: {  	s31 =	sld [smem:$0x7F7]  }
0xbc: {  	[spmem:s9] =	stream.linear.scatter [tilespmem:s21], [sflag:$0x1], $0x800, $0x38;
	[tilespmem:$0x1E800] =	vst v63  }
0xbd: {  	s3 =	sld [smem:$0x7F8]  }
0xbe: {  	[spmem:s31] =	stream.linear.scatter [tilespmem:s21], [sflag:$0x1], $0x800, $0x38;
	[tilespmem:$0x1E800] =	vst v63  }
0xbf: {  	s6 =	sld [smem:$0x7F9]  }
0xc0: {  	[spmem:s3] =	stream.linear.scatter [tilespmem:s21], [sflag:$0x1], $0x800, $0x38;
	[tilespmem:$0x1E800] =	vst v63  }
0xc1: {  	s7 =	sld [smem:$0x7FA]  }
0xc2: {  	[spmem:s6] =	stream.linear.scatter [tilespmem:s21], [sflag:$0x1], $0x800, $0x38;
	[tilespmem:$0x1E800] =	vst v63  }
0xc3: {  	s8 =	sld [smem:$0x7FB]  }
0xc4: {  	[spmem:s7] =	stream.linear.scatter [tilespmem:s21], [sflag:$0x1], $0x800, $0x38;
	[tilespmem:$0x1E800] =	vst v63  }
0xc5: {  	s9 =	sld [smem:$0x7FC]  }
0xc6: {  	[spmem:s8] =	stream.linear.scatter [tilespmem:s21], [sflag:$0x1], $0x800, $0x38;
	[tilespmem:$0x1E800] =	vst v63  }
0xc7: {  	s31 =	sld [smem:$0x7FD]  }
0xc8: {  	[spmem:s9] =	stream.linear.scatter [tilespmem:s21], [sflag:$0x1], $0x800, $0x38;
	[tilespmem:$0x1E800] =	vst v63  }
0xc9: {  	_ = 	snop  }
0xca: {  	[spmem:s31] =	stream.linear.scatter [tilespmem:s21], [sflag:$0x1], $0x800, $0x38;
	[tilespmem:$0x1E800] =	vst v63  }
0xcb: {  	_ = 	snop  }
0xcc: {  	[spmem:s10] =	stream.linear.scatter [tilespmem:s21], [sflag:$0x1], $0x800, $0x38;
	[tilespmem:$0x1E800] =	vst v63  }
0xcd: {  	_ = 	snop  }
0xce: {  	[spmem:s11] =	stream.linear.scatter [tilespmem:s21], [sflag:$0x1], $0x800, $0x38;
	[tilespmem:$0x1E800] =	vst v63  }
0xcf: {  	_ = 	snop  }
0xd0: {  	[spmem:s12] =	stream.linear.scatter [tilespmem:s21], [sflag:$0x1], $0x800, $0x38;
	[tilespmem:$0x1E800] =	vst v63  }
0xd1: {  	_ = 	snop  }
0xd2: {  	[spmem:s13] =	stream.linear.scatter [tilespmem:s21], [sflag:$0x1], $0x800, $0x38;
	[tilespmem:$0x1E800] =	vst v63  }
0xd3: {  	_ = 	snop  }
0xd4: {  	[spmem:s16] =	stream.linear.scatter [tilespmem:s21], [sflag:$0x1], $0x800, $0x38;
	[tilespmem:$0x1E800] =	vst v63  }
0xd5: {  	_ = 	snop  }
0xd6: {  	[spmem:s17] =	stream.linear.scatter [tilespmem:s21], [sflag:$0x1], $0x800, $0x38;
	[tilespmem:$0x1E800] =	vst v63  }
0xd7: {  	_ = 	snop  }
0xd8: {  	[spmem:s19] =	stream.linear.scatter [tilespmem:s21], [sflag:$0x1], $0x800, $0x38;
	[tilespmem:$0x1E800] =	vst v63  }
0xd9: {  	_ = 	snop  }
0xda: {  	[spmem:s20] =	stream.linear.scatter [tilespmem:s21], [sflag:$0x1], $0x800, $0x38;
	[tilespmem:$0x1E800] =	vst v63  }
0xdb: {  	_ =	swait.ge [sflag:s22], $0x800  }
0xdc: {  	s30 =	simm.s32 $0x27;
	[sflag:s22] =	ssyncset.done $0x0  }
.LBB2_4:
0xdd: {  	p2 =	sne.s32 s30, $0x1;
	s30 =	sadd.s32 $0xFFFFFFFF, s30;
	[sflag:s22] =	ssyncadd.s32 $0xFFFFF800  }
.Ltmp3:
0xde: {  	(pc) =	sbr.rel @p2 .LBB2_4-.Ltmp3, $3  }
0xdf: {  	_ =	sdelay $0x1  }
0xe0: {  	_ =	swait.ge [sflag:s22], $0x800  }
0xe1: {  	[sflag:s22] =	ssyncset.done $0x0  }
0xe2: {  	[sflag:s22] =	ssyncadd.s32 $0xFFFFF800;
	s0 =	rddreg [dreg:$0xc]  }
0xe3: {  	[tilespmem:s4], [sflag:$0x3] =	stream.linear.gather [hbm4b:s0+s4], $0x800, $0x38;
	[tilespmem:$0x1E800] =	vst v63  }
0xe4: {  	_ =	swait.ge [sflag:s23], $0x800  }
0xe5: {  	[sflag:s23] =	ssyncset.done $0x0  }
0xe6: {  	s3 =	rddreg [dreg:$0xd];
	[sflag:s23] =	ssyncadd.s32 $0xFFFFF800  }
0xe7: {  	[tilespmem:s24], [sflag:$0x3] =	stream.linear.gather [hbm4b:s3+s4], $0x800, $0x38;
	[tilespmem:$0x1E800] =	vst v63  }
0xe8: {  	_ =	swait.ge [sflag:s23], $0x800  }
0xe9: {  	[sflag:s23] =	ssyncset.done $0x0  }
0xea: {  	[sflag:s23] =	ssyncadd.s32 $0xFFFFF800  }
0xeb: {  	[bflag:$0x0] =	sbarrier.arrive $0xFFFF  }
0xec: {  	[tilespmem:s26], [sflag:$0x1] =	stream.indirect.gather [hbm4b:s1+s25], $0x80, s4, s25, $0xb8;
	[tilespmem:$0x1E800] =	vst v63  }
0xed: {  	s3 =	simm.s32 $0x800;
	s6 =	rddreg [dreg:$0xf]  }
0xee: {  	[tilespmem:s3], [sflag:$0x3] =	stream.linear.gather [hbm4b:s6+s4], $0x800, $0x38;
	[tilespmem:$0x1E800] =	vst v63  }
0xef: {  	_ =	swait.ge [sflag:s23], $0x800  }
0xf0: {  	[sflag:s23] =	ssyncset.done $0x0  }
0xf1: {  	s8 =	simm.s32 $0x1800;
	s7 =	rddreg [dreg:$0x10];
	[sflag:s23] =	ssyncadd.s32 $0xFFFFF800  }
0xf2: {  	[tilespmem:s8], [sflag:$0x3] =	stream.linear.gather [hbm4b:s7+s4], $0x800, $0x38;
	[tilespmem:$0x1E800] =	vst v63  }
0xf3: {  	_ =	swait.ge [sflag:s23], $0x800  }
0xf4: {  	[sflag:s23] =	ssyncset.done $0x0  }
0xf5: {  	s30 =	simm.s32 $0x1;
	[sflag:s23] =	ssyncadd.s32 $0xFFFFF800  }
0xf6: {  	_ =	swait.ge [sflag:s30], $0x4000  }
0xf7: {  	[sflag:s30] =	ssyncset.done $0x0  }
0xf8: {  	[sflag:s30] =	ssyncadd.s32 $0xFFFFC000  }
0xf9: {  	[spmem:s2] =	stream.indirect.scatter.add.f32 [tilespmem:s26], [sflag:$0x2], $0x80, s24, s25, $0xb8;
	[tilespmem:$0x1E800] =	vst v63  }
0xfa: {  	s9 =	simm.s32 $0x6000;
	s31 =	simm.s32 $0x400  }
0xfb: {  	[tilespmem:s9], [sflag:$0x1] =	stream.indirect.gather [hbm4b:s1+s25], $0x80, s25, s25, $0xb8;
	[tilespmem:$0x1E800] =	vst v63  }
.LBB2_6:
0xfc: {  	s0 =	sand.u32 $0x4F, s30  }
0xfd: {  	s3 =	sshrl.u32 s30, $0x4;
	p2 =	sne.s32 s0, $0x0  }
0xfe: {  	s0 =	sshll.u32 @!p2 s3, $0xB  }
0xff: {  	s3 =	sand.u32 $0x1, s3;
	s0 =	sadd.s32 @!p2 s0, s18  }
0x100: {  	s6 =	sshll.u32 @!p2 s3, $0xB;
	s0 =	sshrl.u32 @!p2 s0, $0x3  }
0x101: {  	s9 =	simm.s32 @!p2 $0x0;
	s7 =	sxor.u32 @!p2 $0x800, s6;
	s8 =	sadd.s32 @!p2 s5, s0  }
0x102: {  	[tilespmem:s7], [sflag:$0x3] =	stream.linear.gather @!p2 [hbm4b:s8+s9], $0x800, $0x38;
	[tilespmem:$0x1E800] =	vst v63  }
0x103: {  	s7 =	simm.s32 @!p2 $0x3  }
0x104: {  	_ =	swait.ge @!p2 [sflag:s7], $0x800  }
0x105: {  	[sflag:s7] =	ssyncset.done @!p2 $0x0  }
0x106: {  	s6 =	sxor.u32 @!p2 $0x1800, s6;
	s0 =	sadd.s32 @!p2 s14, s0;
	[sflag:s7] =	ssyncadd.s32 @!p2 $0xFFFFF800  }
0x107: {  	[tilespmem:s6], [sflag:$0x3] =	stream.linear.gather @!p2 [hbm4b:s0+s9], $0x800, $0x38;
	[tilespmem:$0x1E800] =	vst v63  }
0x108: {  	s6 =	sadd.s32 $0xFFFFFE00, s31;
	_ =	swait.ge @!p2 [sflag:s7], $0x800  }
0x109: {  	s3 =	sshll.u32 s3, $0xB;
	s0 =	sand.u32 $0x1E00, s6;
	[sflag:s7] =	ssyncset.done @!p2 $0x0  }
0x10a: {  	s8 =	sand.u32 $0x1, s30;
	s9 =	sshrl.u32 s0, $0x2;
	[sflag:s7] =	ssyncadd.s32 @!p2 $0xFFFFF800  }
0x10b: {  	s0 =	sshll.u32 s8, $0xE;
	s3 =	sor.u32 s9, s3;
	_ =	swait.ge [sflag:s22], $0x4000  }
0x10c: {  	s6 =	sor.u32 $0x2000, s0;
	p2 =	seq.s32 s31, $0x9E00;
	[sflag:s22] =	ssyncset.done $0x0  }
.Ltmp4:
0x10d: {  	s3 =	sor.u32 $0x1000, s3;
	[sflag:s22] =	ssyncadd.s32 $0xFFFFC000;
	(pc) =	sbr.rel @p2 .LBB2_8-.Ltmp4, $4  }
0x10e: {  	[spmem:s2] =	stream.indirect.scatter.add.f32 [tilespmem:s6], [sflag:$0x2], $0x80, s3, s25, $0xb8;
	[tilespmem:$0x1E800] =	vst v63  }
0x10f: {  	_ =	swait.ge [sflag:s28], $0x4000  }
0x110: {  	[sflag:s28] =	ssyncset.done $0x0  }
0x111: {  	[sflag:s28] =	ssyncadd.s32 $0xFFFFC000  }
.Ltmp5:
0x112: {  	(pc) =	sbr.rel .LBB2_6-.Ltmp5, $4  }
0x113: {  	_ = 	snop  }
0x114: {  	s3 =	sand.u32 $0x3E00, s31;
	s0 =	sxor.u32 $0x6000, s0  }
0x115: {  	s30 =	sadd.s32 $0x1, s30;
	s31 =	sadd.s32 $0x200, s31;
	s3 =	sshrl.u32 s3, $0x2  }
0x116: {  	[tilespmem:s0], [sflag:$0x1] =	stream.indirect.gather [hbm4b:s1+s25], $0x80, s3, s25, $0xb8;
	[tilespmem:$0x1E800] =	vst v63  }
.LBB2_9:
0x117: {  	_ =	sfence.sel $0x180000  }
0x118: {  	[bflag:$0x0] =	sbarrier.arrive $0xFFFF  }
0x119: {  	_ =	strace $0x9000004D  }
0x11a: {  	s0 =	stileid.u32;
	[bflag:$0x2] =	sbarrier.arrive $0xFFFF  }
0x11b: {  	p0 =	sne.s32 s0, $0x0;
	s0 =	rddreg [dreg:$0x3]  }
0x11c: {  	s0 =	sadd.s32 @!p0 $0x100000, s0  }
0x11d: {  	[sflag:s0] =	ssyncadd.tile.s32 @!p0 $0x1;
	_ =	shalt  }
.Lfunc_end2:
_tile_overlayer_lowered:
.L_overlay_start_2:
0x11e: {  	(tag) =	ssettag $0x2  }
0x11f: {  	s0 =	rddreg [dreg:$0x0];
	s2 =	stileid.u32  }
0x120: {  	s1 =	rddreg [dreg:$0x1];
	p0 =	sne.s32 s2, $0x0  }
0x121: {  	s3 =	rddreg [dreg:$0x2];
	[bflag:$0x3] =	sbarrier.arrive $0xFFFF;
	s2 =	simm.s32 @!p0 $0x1C03  }
0x122: {  	[timem:s3], [sflag:s2] =	dma.local @!p0 [hbm:s0], s1  }
0x123: {  	s0 =	simm.s32 @!p0 $0x3  }
0x124: {  	_ =	swait.ge @!p0 [sflag:s0], s1  }
0x125: {  	s1 =	ssub.s32 @!p0 $0x0, s1;
	[sflag:s0] =	ssyncset.done @!p0 $0x0  }
0x126: {  	[sflag:s0] =	ssyncadd.s32 @!p0 s1  }
0x127: {  	[bflag:$0x3] =	sbarrier.arrive $0xFFFF  }
0x128: {  	_ =	shalt  }

// kernel: kernel.8.cloned.1.call-start
scs
__scs_entry_jumppad:
0x0: {  	(pc) =	sbr.rel $0x88, $3  }
0x1: {  	(tag) =	ssettag $0x0;
	lr =	simm.s32 $0x1  }
0x2: {  	[smem:$0x3F9B] =	sst lr;
	_ =	strace $0xD0000000  }
0x3: {  	_ = 	snop  }
0x4: {  	_ = 	snop  }
0x5: {  	_ = 	snop  }
0x6: {  	_ = 	snop  }
0x7: {  	_ = 	snop  }
__scs_overlays_trampoline_lowered:
0x8: {  	[smem:$0x3FAA] =	sst s0  }
0x9: {  	[smem:$0x3FAB] =	sst s1  }
0xa: {  	[smem:$0x3FAC] =	sst s2  }
0xb: {  	[smem:$0x3FAD] =	sst s3  }
0xc: {  	[smem:$0x3FAE] =	sst s4  }
0xd: {  	[smem:$0x3FAF] =	sst s5  }
0xe: {  	[smem:$0x3FB0] =	sst s6  }
0xf: {  	[smem:$0x3FB1] =	sst s7  }
0x10: {  	[smem:$0x3FB2] =	sst s8  }
0x11: {  	[smem:$0x3FB3] =	sst s9;
	s0 =	simm.s32 @!p0 $0x0  }
0x12: {  	s1 =	sld [smem:$0x3F99];
	s0 =	simm.s32 @p0 $0x1  }
0x13: {  	[smem:$0x3FB4] =	sst s0;
	s0 =	simm.s32 @!p1 $0x0  }
0x14: {  	s2 =	sld [smem:$0x3F98];
	s0 =	simm.s32 @p1 $0x1  }
0x15: {  	[smem:$0x3FB5] =	sst s0;
	s0 =	simm.s32 @!p2 $0x0  }
0x16: {  	s3 =	sld [smem:$0x3FDB];
	s0 =	simm.s32 @p2 $0x1  }
0x17: {  	s4 =	simm.s32 $0x1BF5;
	[smem:$0x3FB7] =	sst s0  }
0x18: {  	s0 =	sld [smem:$0x3F9A];
	_ =	swait.ge [sflag:s4], $0x0  }
0x19: {  	s7 =	sld [smem:$0x3F9B]  }
0x1a: {  	s8 =	sadd.s32 $0xFFFFE003, lr  }
0x1b: {  	s9 =	sadd.s32 $0xFFFFFEF7, lr;
	s5 =	simm.s32 $0xFFFFFFFF;
	p2 =	slt.u32 s8, $0xFFFFF086  }
0x1c: {  	p1 =	slt.u32 s9, $0xF7A;
	s5 =	simm.s32 @!p2 $0x0  }
0x1d: {  	s5 =	simm.s32 @p1 $0x1;
	p0 =	seq.s32 s7, s2  }
0x1e: {  	s7 =	smul.u32 @!p0 $0xF7A, s2;
	p2 =	seq.s32 @!p0 s5, $0x0  }
0x1f: {  	s9 =	smul.u32 $0xF7A, s1;
	s8 =	simm.s32 @!p0 $0x1BF5;
	p2 =	por !p2, p0  }
0x20: {  	[sflag:s8] =	ssyncset.s32 @!p0 $0xFFFFF086;
	s6 =	sadd.s32 @!p0 s3, s7;
	s7 =	simm.s32 @!p0 $0x108  }
0x21: {  	s3 =	sadd.s32 s3, s9;
	s6 =	sadd.s32 @!p0 $0x88, s6;
	s7 =	simm.s32 @p2 $0x1082  }
0x22: {  	[simem:s7], [sflag:s8] =	dma.local @!p0 [hbm:s6], $0xF7A  }
0x23: {  	s9 =	sor.u32 $0xD0000000, s2;
	s6 =	simm.s32 $0x108;
	_ =	swait.ge @!p0 [sflag:s8], $0x0  }
0x24: {  	s3 =	sadd.s32 $0x88, s3;
	s6 =	simm.s32 @!p1 $0x1082;
	[sflag:s4] =	ssyncset.s32 $0xFFFFF086  }
0x25: {  	[simem:s6], [sflag:s4] =	dma.local [hbm:s3], $0xF7A  }
0x26: {  	[smem:$0x3F9B] =	sst s1;
	(tag) =	ssettag s2;
	_ =	strace s9  }
0x27: {  	s1 =	sld [smem:$0x3FAB]  }
0x28: {  	s2 =	sld [smem:$0x3FAC]  }
0x29: {  	s4 =	sld [smem:$0x3FAE]  }
0x2a: {  	p0 =	seq.s32 s5, $0x0;
	s5 =	sld [smem:$0x3FAF]  }
0x2b: {  	s6 =	sld [smem:$0x3FB0]  }
0x2c: {  	s7 =	sld [smem:$0x3FB1]  }
0x2d: {  	s3 =	simm.s32 $0x108;
	s8 =	sld [smem:$0x3FB2]  }
0x2e: {  	s3 =	simm.s32 @!p0 $0x1082;
	s9 =	sld [smem:$0x3FB3]  }
0x2f: {  	lr =	sadd.s32 s0, s3;
	s0 =	sld [smem:$0x3FAA]  }
0x30: {  	s3 =	sld [smem:$0x3FAD]  }
0x31: {  	[smem:$0x3FB6] =	sst s10  }
0x32: {  	s10 =	sld [smem:$0x3FB4];
	_ =	sdelay $0x3  }
0x33: {  	p0 =	seq.s32 s10, $0x1;
	s10 =	sld [smem:$0x3FB6];
	_ =	sdelay $0x3  }
0x34: {  	[smem:$0x3FB6] =	sst s10  }
0x35: {  	s10 =	sld [smem:$0x3FB5];
	_ =	sdelay $0x3  }
0x36: {  	p1 =	seq.s32 s10, $0x1;
	s10 =	sld [smem:$0x3FB6];
	_ =	sdelay $0x3  }
0x37: {  	[smem:$0x3FB6] =	sst s10  }
0x38: {  	s10 =	sld [smem:$0x3FB7]  }
0x39: {  	_ = 	snop;
	(pc) =	sbr.ind lr, $3  }
0x3a: {  	_ = 	snop  }
0x3b: {  	_ = 	snop  }
0x3c: {  	p2 =	seq.s32 s10, $0x1;
	s10 =	sld [smem:$0x3FB6]  }
0x3d: {  	_ =	shalt  }
0x3e: {  	_ =	shalt  }
0x3f: {  	_ =	shalt  }
0x40: {  	_ =	shalt  }
0x41: {  	_ =	shalt  }
0x42: {  	_ =	shalt  }
0x43: {  	_ =	shalt  }
0x44: {  	_ =	shalt  }
0x45: {  	_ =	shalt  }
0x46: {  	_ =	shalt  }
0x47: {  	_ =	shalt  }
0x48: {  	_ =	shalt  }
0x49: {  	_ =	shalt  }
0x4a: {  	_ =	shalt  }
0x4b: {  	_ =	shalt  }
0x4c: {  	_ =	shalt  }
0x4d: {  	_ =	shalt  }
0x4e: {  	_ =	shalt  }
0x4f: {  	_ =	shalt  }
0x50: {  	_ =	shalt  }
0x51: {  	_ =	shalt  }
0x52: {  	_ =	shalt  }
0x53: {  	_ =	shalt  }
0x54: {  	_ =	shalt  }
0x55: {  	_ =	shalt  }
0x56: {  	_ =	shalt  }
0x57: {  	_ =	shalt  }
0x58: {  	_ =	shalt  }
0x59: {  	_ =	shalt  }
0x5a: {  	_ =	shalt  }
0x5b: {  	_ =	shalt  }
0x5c: {  	_ =	shalt  }
0x5d: {  	_ =	shalt  }
0x5e: {  	_ =	shalt  }
0x5f: {  	_ =	shalt  }
0x60: {  	_ =	shalt  }
0x61: {  	_ =	shalt  }
0x62: {  	_ =	shalt  }
0x63: {  	_ =	shalt  }
0x64: {  	_ =	shalt  }
0x65: {  	_ =	shalt  }
0x66: {  	_ =	shalt  }
0x67: {  	_ =	shalt  }
0x68: {  	_ =	shalt  }
0x69: {  	_ =	shalt  }
0x6a: {  	_ =	shalt  }
0x6b: {  	_ =	shalt  }
0x6c: {  	_ =	shalt  }
0x6d: {  	_ =	shalt  }
0x6e: {  	_ =	shalt  }
0x6f: {  	_ =	shalt  }
0x70: {  	_ =	shalt  }
0x71: {  	_ =	shalt  }
0x72: {  	_ =	shalt  }
0x73: {  	_ =	shalt  }
0x74: {  	_ =	shalt  }
0x75: {  	_ =	shalt  }
0x76: {  	_ =	shalt  }
0x77: {  	_ =	shalt  }
0x78: {  	_ =	shalt  }
0x79: {  	_ =	shalt  }
0x7a: {  	_ =	shalt  }
0x7b: {  	_ =	shalt  }
0x7c: {  	_ =	shalt  }
0x7d: {  	_ =	shalt  }
0x7e: {  	_ =	shalt  }
0x7f: {  	_ =	shalt  }
0x80: {  	_ =	shalt  }
0x81: {  	_ =	shalt  }
0x82: {  	_ =	shalt  }
0x83: {  	_ =	shalt  }
0x84: {  	_ =	shalt  }
0x85: {  	_ =	shalt  }
0x86: {  	_ =	shalt  }
0x87: {  	_ =	shalt  }
.Lfunc_end0:
.L_simem_size_0:
called_computation_lowered:
.L_overlay_start_0:
0x88: {  	s2 =	sld [smem:$0x3FD9]  }
0x89: {  	s3 =	sld [smem:$0x3FFE];
	_ =	sdelay $0x1  }
0x8a: {  	s1 =	srdreg.scid  }
0x8b: {  	s0 =	sand.u32 $0x1, s1  }
0x8c: {  	s16 =	sshll.u32 s0, $0xA;
	s2 =	sadd.s32 s3, s2  }
0x8d: {  	s2 =	sadd.s32 s2, s16  }
0x8e: {  	[smem:$0x3FC2] =	sst s2  }
0x8f: {  	_ = 	snop  }
0x90: {  	(tm) =	ssettm $0x1  }
0x91: {  	s17 =	sld [smem:$0x3FFB];
	_ =	sdelay $0x3  }
0x92: {  	_ =	strace s17  }
0x93: {  	s2 =	sld [smem:$0x3FFC];
	_ =	sdelay $0x3  }
0x94: {  	_ =	strace s2  }
0x95: {  	s2 =	sld [smem:$0x3FFD];
	_ =	sdelay $0x3  }
0x96: {  	_ =	strace s2  }
0x97: {  	_ =	strace $0x8FFFFFFF  }
0x98: {  	s18 =	sld [smem:$0x3FDB];
	_ =	sdelay $0x1  }
0x99: {  	s19 =	simm.s32 $_scs_section_size  }
0x9a: {  	s4 =	simm.s32 $_size__tile_overlayer_lowered;
	s5 =	simm.s32 $_tile_overlayer_lowered  }
0x9b: {  	s22 =	simm.s32 $0x1BFF;
	s21 =	sshll.u32 s5, $0x1;
	s2 =	sadd.s32 s19, s18  }
0x9c: {  	s6 =	simm.s32 $0x0;
	s20 =	sshll.u32 s4, $0x1;
	s4 =	sadd.s32 s21, s2  }
0x9d: {  	[timem:s6], [sflag:s22] =	dma.local [hbm:s4], s20  }
0x9e: {  	_ =	swait.ge [sflag:s22], s20  }
0x9f: {  	s3 =	ssub.s32 $0x0, s20;
	[sflag:s22] =	ssyncset.done $0x0  }
0xa0: {  	[sflag:s22] =	ssyncadd.s32 s3;
	_ =	sdelay $0x1  }
0xa1: {  	s23 =	simm.s32 $0x1B8B  }
0xa2: {  	_ =	swait.ge [sflag:s23], $0x1  }
0xa3: {  	[sflag:s23] =	ssyncset.done $0x0  }
0xa4: {  	s25 =	simm.s32 $0x1B8E;
	s24 =	sld [smem:$0x3FFE];
	[sflag:s23] =	ssyncadd.s32 $0xFFFFFFFF  }
0xa5: {  	s26 =	simm.s32 $execute0_lowered;
	[smem:$0x3FD2] =	sst s25  }
0xa6: {  	s4 =	sshll.u32 s26, $0x1;
	_ =	strace $0x80000046;
	[dreg:$0x1] =	wrdreg $0xFFFFFFFF  }
0xa7: {  	s28 =	simm.s32 $_size_execute0_lowered;
	s2 =	sadd.s32 s2, s4;
	[dreg:$0x0] =	wrdreg $0x0  }
0xa8: {  	s4 =	sshll.u32 s28, $0x1;
	[dreg:$0x2] =	wrdreg s2  }
0xa9: {  	[dreg:$0x3] =	wrdreg s4  }
0xaa: {  	[dreg:$0x4] =	wrdreg $0xC0  }
0xab: {  	_ =	task [dreg:s6], $0x5FFFF  }
0xac: {  	[dreg:$0x1] =	wrdreg $0xFFFFFFFF  }
0xad: {  	[dreg:$0x0] =	wrdreg $0x60  }
0xae: {  	[dreg:$0x2] =	wrdreg s24  }
0xaf: {  	[dreg:$0x3] =	wrdreg $0x70000  }
0xb0: {  	[dreg:$0x4] =	wrdreg $0x9  }
0xb1: {  	_ =	task.clear_ibuf [dreg:s6], $0x5FFFF;
	_ =	strace $0x90000046  }
0xb2: {  	s29 =	simm.s32 $0x9;
	_ =	strace $0x80000048  }
0xb3: {  	_ =	swait.ge [sflag:s29], $0x1  }
0xb4: {  	[sflag:s29] =	ssyncadd.s32 $0xFFFFFFFF  }
0xb5: {  	_ =	strace $0x90000048  }
0xb6: {  	_ =	sfence  }
0xb7: {  	s30 =	sld [smem:$0x0];
	_ =	sdelay $0x2  }
0xb8: {  	s31 =	sshll.u32 s1, $0xD;
	s1 =	sshrl.u32 s1, $0x2  }
0xb9: {  	s3 =	sand.u32 $0x4000, s31;
	s1 =	sadd.s32 s1, s30  }
0xba: {  	s0 =	sor.u32 s3, s0;
	s1 =	sshll.u32 s1, $0x11  }
0xbb: {  	s0 =	sor.u32 s1, s0  }
0xbc: {  	s0 =	sadd.s32 $0x8F2B, s0  }
0xbd: {  	[sflag:s0] =	ssyncadd.remote.s32 $0x1  }
0xbe: {  	_ =	sfence.sel $0xFFFF  }
0xbf: {  	[dreg:$0x0] =	wrdreg $0xFFFFFFFF;
	(pc) =	sbr.abs _section_cstart, $3  }
0xc0: {  	[dreg:$0x1] =	wrdreg $0xFFFFFFFF  }
0xc1: {  	_ =	task.clear_ibuf [dreg:s6], $0x2FFFF;
	_ =	strace $0x9FFFFFFF  }
0xc2: {  	(tm) =	ssettm $0x7FFFFFFF  }
0xc3: {  	_ =	shalt  }
tec
execute0_lowered:
.L_overlay_start_1:
0x0: {  	(tag) =	ssettag $0x1  }
0x1: {  	s0 =	srdreg.scid;
	s18 =	stileid.u32  }
0x2: {  	s0 =	sand.u32 $0x1, s0;
	s24 =	smul.u32 $0x50000, s18  }
0x3: {  	s3 =	sshll.u32 s18, $0x1;
	s25 =	smul.u32 $0x2800, s18;
	s26 =	sor.u32 $0x10, s18  }
0x4: {  	s3 =	sor.u32 s0, s3;
	s5 =	ssub.s32 $0x2, s0;
	s0 =	smul.u32 $0x138800, s0  }
0x5: {  	s7 =	sor.u32 $0x20, s18;
	s19 =	smul.u32 $0x2800, s26  }
0x6: {  	s9 =	sor.u32 $0x30, s18;
	s20 =	smul.u32 $0x2800, s7  }
0x7: {  	s11 =	sor.u32 $0x40, s18;
	s21 =	smul.u32 $0x2800, s9  }
0x8: {  	s13 =	sor.u32 $0x50, s18;
	s12 =	smul.u32 $0x2800, s11  }
0x9: {  	s15 =	sor.u32 $0x60, s18;
	s14 =	smul.u32 $0x2800, s13  }
0xa: {  	s1 =	rddreg [dreg:$0x0];
	s17 =	sor.u32 $0x70, s18;
	s16 =	smul.u32 $0x2800, s15  }
0xb: {  	s2 =	rddreg [dreg:$0x1];
	s4 =	simm.s32 $0x0;
	s23 =	smul.u32 $0x2800, s17  }
0xc: {  	[smem:$0x7FF] =	sst s4;
	p1 =	sgt.u32 s18, $0xC;
	s7 =	smul.u32 $0xA000, s7  }
0xd: {  	_ =	strace $0x80000047;
	p0 =	sgt.u32 s17, $0x7C;
	s3 =	smul.u32 $0x500, s3  }
0xe: {  	s6 =	sshrl.u32 s5, $0x1;
	s4 =	sshrl.u32 s24, $0x2;
	s24 =	smul.u32 $0xA000, s18  }
0xf: {  	s5 =	ssub.s32 s5, s6;
	s4 =	sadd.s32 s4, s2;
	s12 =	sadd.s32 s0, s12  }
0x10: {  	s14 =	sadd.s32 s0, s14;
	s16 =	sadd.s32 s0, s16;
	s6 =	smul.u32 $0xA000, s26  }
0x11: {  	s7 =	sshrl.u32 s7, $0x2;
	s3 =	sadd.s32 s3, s1;
	s1 =	sadd.s32 $0xC400, s1  }
0x12: {  	s5 =	smax.u32 s5, $0x1;
	s8 =	sadd.s32 $0x800, s4;
	s10 =	sadd.s32 $0x1000, s4  }
0x13: {  	s7 =	sadd.s32 s7, s2;
	s18 =	sadd.s32 $0x6800, s4;
	s28 =	sadd.s32 $0x11000, s4  }
0x14: {  	s29 =	sadd.s32 $0x11800, s4;
	s30 =	sadd.s32 $0x12000, s4;
	[dreg:$0x4] =	wrdreg s5  }
0x15: {  	s31 =	sadd.s32 $0x12800, s4;
	s3 =	sadd.s32 $0x2400, s3;
	[dreg:$0x5] =	wrdreg s8  }
0x16: {  	[dreg:$0x6] =	wrdreg s10;
	s5 =	sadd.s32 s0, s19;
	s8 =	sadd.s32 s0, s20  }
0x17: {  	s10 =	sadd.s32 s0, s21;
	s19 =	smul.u32 $0xA000, s9;
	s20 =	sshrl.u32 s24, $0x2  }
0x18: {  	s21 =	sshrl.u32 s6, $0x2;
	s24 =	smul.u32 $0xA000, s15;
	[smem:$0x7F5] =	sst s18  }
0x19: {  	s15 =	sadd.s32 $0x5000, s4;
	s18 =	sadd.s32 $0xC800, s4;
	[dreg:$0x3] =	wrdreg s3  }
0x1a: {  	s3 =	sadd.s32 s0, s25;
	s22 =	sshrl.u32 s5, $0x3;
	s0 =	sadd.s32 s0, s23  }
0x1b: {  	s25 =	sshrl.u32 s8, $0x3;
	s26 =	sshrl.u32 s10, $0x3;
	s8 =	sshrl.u32 s12, $0x3  }
0x1c: {  	s10 =	sshrl.u32 s14, $0x3;
	s12 =	sshrl.u32 s16, $0x3;
	s16 =	sadd.s32 $0x1800, s4  }
0x1d: {  	s23 =	smul.u32 $0xA000, s13;
	s13 =	sadd.s32 $0x4000, s4;
	[dreg:$0x1e] =	wrdreg s15  }
0x1e: {  	s15 =	sadd.s32 $0xB000, s4;
	s3 =	sshrl.u32 s3, $0x3;
	[dreg:$0xf] =	wrdreg s16  }
0x1f: {  	s14 =	sadd.s32 s1, s12;
	s0 =	sshrl.u32 s0, $0x3;
	[dreg:$0x1c] =	wrdreg s13  }
0x20: {  	s12 =	sadd.s32 $0x3800, s4;
	s16 =	sadd.s32 $0x5800, s4;
	[dreg:$0xd] =	wrdreg s14  }
0x21: {  	s3 =	sadd.s32 s1, s3;
	s0 =	sadd.s32 s1, s0;
	[dreg:$0x1b] =	wrdreg s12  }
0x22: {  	s6 =	sshrl.u32 s23, $0x2;
	s14 =	sadd.s32 $0x4800, s4;
	[dreg:$0x1f] =	wrdreg s16  }
0x23: {  	s23 =	sadd.s32 $0x9000, s4;
	s16 =	sadd.s32 $0xB800, s4;
	[dreg:$0x7] =	wrdreg s3  }
0x24: {  	s3 =	sadd.s32 s1, s22;
	[dreg:$0xe] =	wrdreg s0;
	s22 =	smul.u32 $0xA000, s11  }
0x25: {  	s0 =	sshrl.u32 s19, $0x2;
	s6 =	sadd.s32 s6, s2;
	[dreg:$0x1d] =	wrdreg s14  }
0x26: {  	s11 =	sadd.s32 $0x3000, s4;
	s19 =	sadd.s32 $0x7000, s4;
	[smem:$0x7FA] =	sst s23  }
0x27: {  	s23 =	sadd.s32 $0xF000, s4;
	[dreg:$0x8] =	wrdreg s3;
	s3 =	sadd.s32 s1, s25  }
0x28: {  	s25 =	smul.u32 $0xA000, s17;
	s0 =	sadd.s32 s0, s2;
	[dreg:$0x1a] =	wrdreg s11  }
0x29: {  	s17 =	sadd.s32 $0x6000, s4;
	[smem:$0x7F6] =	sst s19;
	s19 =	sadd.s32 $0xD000, s4  }
0x2a: {  	[dreg:$0x9] =	wrdreg s3;
	s3 =	sadd.s32 s1, s26;
	s5 =	sshrl.u32 s22, $0x2  }
0x2b: {  	s0 =	sshrl.u32 s0, $0x3;
	[smem:$0x7F4] =	sst s17;
	s22 =	sadd.s32 $0x8800, s4  }
0x2c: {  	s17 =	sadd.s32 $0xC000, s4;
	[dreg:$0xa] =	wrdreg s3;
	s3 =	sadd.s32 s1, s8  }
0x2d: {  	s5 =	sadd.s32 s5, s2;
	s8 =	sshrl.u32 s24, $0x2;
	[dreg:$0x13] =	wrdreg s0  }
0x2e: {  	s9 =	sshrl.u32 s25, $0x2;
	[smem:$0x7F9] =	sst s22;
	s24 =	sadd.s32 $0x9800, s4  }
0x2f: {  	s25 =	sadd.s32 $0xA000, s4;
	s22 =	sadd.s32 $0xE800, s4;
	[dreg:$0xb] =	wrdreg s3  }
0x30: {  	s3 =	sadd.s32 s1, s10;
	s1 =	sadd.s32 s20, s2;
	[smem:$0x7FB] =	sst s24  }
0x31: {  	s8 =	sadd.s32 s8, s2;
	s9 =	sadd.s32 s9, s2;
	[smem:$0x7FC] =	sst s25  }
0x32: {  	s5 =	sshrl.u32 s5, $0x3;
	s10 =	sadd.s32 $0x2800, s4;
	[dreg:$0xc] =	wrdreg s3  }
0x33: {  	s20 =	sadd.s32 $0x7800, s4;
	s24 =	sadd.s32 $0xF800, s4;
	[dreg:$0x14] =	wrdreg s5  }
0x34: {  	s25 =	sadd.s32 $0x10000, s4;
	s3 =	sadd.s32 s21, s2;
	[dreg:$0x19] =	wrdreg s10  }
0x35: {  	s1 =	sshrl.u32 s1, $0x3;
	s8 =	sshrl.u32 s8, $0x3;
	[smem:$0x7F7] =	sst s20  }
0x36: {  	s0 =	sshrl.u32 @!p0 s9, $0x3;
	s9 =	sadd.s32 $0x2000, s4;
	[dreg:$0x10] =	wrdreg s1  }
0x37: {  	s21 =	sadd.s32 $0x8000, s4;
	s20 =	sadd.s32 $0xD800, s4;
	[dreg:$0x16] =	wrdreg s8  }
0x38: {  	s5 =	simm.s32 $0x1;
	s26 =	sshrl.u32 s3, $0x3;
	[dreg:$0x17] =	wrdreg s0  }
0x39: {  	s3 =	sshrl.u32 s7, $0x3;
	s7 =	sshrl.u32 s6, $0x3;
	[dreg:$0x18] =	wrdreg s9  }
0x3a: {  	[smem:$0x7F8] =	sst s21;
	s21 =	sadd.s32 $0xE000, s4;
	s1 =	sadd.s32 $0x13000, s4  }
0x3b: {  	s0 =	sadd.s32 $0x13800, s4;
	s6 =	simm.s32 $0x2;
	[dreg:$0x11] =	wrdreg s26  }
0x3c: {  	s8 =	simm.s32 $0x2800;
	s9 =	simm.s32 $0x0;
	[dreg:$0x12] =	wrdreg s3  }
0x3d: {  	v0 =	vimm.f32 $0.0e+00;
	vm0 =	vcmask $0x300;
	[dreg:$0x15] =	wrdreg s7;
	s26 =	sadd.s32 $0xA800, s4;
	s3 =	simm.s32 $0x6800  }
0x3e: {  	v1 =	vsel vm0, $0x3F800000, v0;
	s7 =	simm.s32 $0x80;
	[smem:$0x7FD] =	sst s26;
	s26 =	sadd.s32 $0x10800, s4  }
.LBB2_1:
0x3f: {  	s11 =	simm.s32 $0x0  }
0x40: {  	s10 =	sand.u32 $0x1E00, s11  }
0x41: {  	s12 =	sand.u32 $0x70, s11;
	s10 =	sshrl.u32 s10, $0x2  }
0x42: {  	s11 =	simm.s32 $0x40;
	s13 =	sor.u32 s12, s10;
	s12 =	simm.s32 $0x0  }
.LBB2_2:
0x43: {  	p2 =	sne.s32 s11, $0x1FC0  }
0x44: {  	[tilespmem:s13+$0x6800] =	vst v0;
	s12 =	sadd.s32 $0x10, s12;
	s10 =	smov.u32 s11;
	s11 =	sadd.s32 $0x40, s11  }
.Ltmp0:
0x45: {  	(pc) =	sbr.rel @p2 .LBB2_2-.Ltmp0, $4  }
0x46: {  	_ = 	snop  }
0x47: {  	s10 =	sand.u32 $0x1E00, s10  }
0x48: {  	s13 =	sand.u32 $0x70, s12;
	s10 =	sshrl.u32 s10, $0x2  }
0x49: {  	s13 =	sor.u32 s13, s10;
	s10 =	simm.s32 $0x0  }
0x4a: {  	s11 =	sand.u32 $0xFE00, s10  }
0x4b: {  	s12 =	sand.u32 $0x70, s10;
	s14 =	sshrl.u32 s11, $0x2  }
0x4c: {  	[tilespmem:s13+$0x6800] =	vst v0;
	s11 =	simm.s32 $0x40;
	s12 =	sor.u32 s12, s14  }
.LBB2_4:
0x4d: {  	p2 =	sne.s32 s11, $0xFFC0  }
0x4e: {  	[tilespmem:s12+$0x2800] =	vst v0;
	s10 =	sadd.s32 $0x10, s10;
	s12 =	smov.u32 s11;
	s11 =	sadd.s32 $0x40, s11  }
.Ltmp1:
0x4f: {  	(pc) =	sbr.rel @p2 .LBB2_4-.Ltmp1, $4  }
0x50: {  	_ = 	snop  }
0x51: {  	s12 =	sand.u32 $0xFE00, s12  }
0x52: {  	s13 =	sand.u32 $0x70, s10;
	s12 =	sshrl.u32 s12, $0x2  }
0x53: {  	s12 =	sor.u32 s13, s12  }
0x54: {  	[tilespmem:s12+$0x2800] =	vst v0;
	s10 =	simm.s32 $0x200;
	s11 =	simm.s32 $0x0  }
.LBB2_6:
0x55: {  	p2 =	sne.s32 s10, $0xFE00;
	[tilespmem:s11+$0x2800] =	vst v1;
	s11 =	smov.u32 s10;
	s10 =	sadd.s32 $0x200, s10  }
.Ltmp2:
0x56: {  	(pc) =	sbr.rel @p2 .LBB2_6-.Ltmp2, $2  }
0x57: {  	_ =	sdelay $0x2  }
0x58: {  	s11 =	sshra.s32 s11, $0x2  }
0x59: {  	[tilespmem:s11+$0x2800] =	vst v1;
	s10 =	rddreg [dreg:$0x5]  }
0x5a: {  	[spmem:s4] =	stream.linear.scatter [tilespmem:s3], [sflag:$0x1], $0x800, $0x38;
	[tilespmem:$0x1B000] =	vst v63  }
0x5b: {  	s11 =	rddreg [dreg:$0x6]  }
0x5c: {  	[spmem:s10] =	stream.linear.scatter [tilespmem:s3], [sflag:$0x1], $0x800, $0x38;
	[tilespmem:$0x1B000] =	vst v63  }
0x5d: {  	s12 =	rddreg [dreg:$0xf]  }
0x5e: {  	[spmem:s11] =	stream.linear.scatter [tilespmem:s3], [sflag:$0x1], $0x800, $0x38;
	[tilespmem:$0x1B000] =	vst v63  }
0x5f: {  	s13 =	rddreg [dreg:$0x18]  }
0x60: {  	[spmem:s12] =	stream.linear.scatter [tilespmem:s3], [sflag:$0x1], $0x800, $0x38;
	[tilespmem:$0x1B000] =	vst v63  }
0x61: {  	s14 =	rddreg [dreg:$0x19]  }
0x62: {  	[spmem:s13] =	stream.linear.scatter [tilespmem:s3], [sflag:$0x1], $0x800, $0x38;
	[tilespmem:$0x1B000] =	vst v63  }
0x63: {  	s11 =	rddreg [dreg:$0x1a]  }
0x64: {  	[spmem:s14] =	stream.linear.scatter [tilespmem:s3], [sflag:$0x1], $0x800, $0x38;
	[tilespmem:$0x1B000] =	vst v63  }
0x65: {  	s12 =	rddreg [dreg:$0x1b]  }
0x66: {  	[spmem:s11] =	stream.linear.scatter [tilespmem:s3], [sflag:$0x1], $0x800, $0x38;
	[tilespmem:$0x1B000] =	vst v63  }
0x67: {  	s13 =	rddreg [dreg:$0x1c]  }
0x68: {  	[spmem:s12] =	stream.linear.scatter [tilespmem:s3], [sflag:$0x1], $0x800, $0x38;
	[tilespmem:$0x1B000] =	vst v63  }
0x69: {  	s14 =	rddreg [dreg:$0x1d]  }
0x6a: {  	[spmem:s13] =	stream.linear.scatter [tilespmem:s3], [sflag:$0x1], $0x800, $0x38;
	[tilespmem:$0x1B000] =	vst v63  }
0x6b: {  	s11 =	rddreg [dreg:$0x1e]  }
0x6c: {  	[spmem:s14] =	stream.linear.scatter [tilespmem:s3], [sflag:$0x1], $0x800, $0x38;
	[tilespmem:$0x1B000] =	vst v63  }
0x6d: {  	s12 =	rddreg [dreg:$0x1f]  }
0x6e: {  	[spmem:s11] =	stream.linear.scatter [tilespmem:s3], [sflag:$0x1], $0x800, $0x38;
	[tilespmem:$0x1B000] =	vst v63  }
0x6f: {  	s13 =	sld [smem:$0x7F4]  }
0x70: {  	[spmem:s12] =	stream.linear.scatter [tilespmem:s3], [sflag:$0x1], $0x800, $0x38;
	[tilespmem:$0x1B000] =	vst v63  }
0x71: {  	s14 =	sld [smem:$0x7F5]  }
0x72: {  	[spmem:s13] =	stream.linear.scatter [tilespmem:s3], [sflag:$0x1], $0x800, $0x38;
	[tilespmem:$0x1B000] =	vst v63  }
0x73: {  	s11 =	sld [smem:$0x7F6]  }
0x74: {  	[spmem:s14] =	stream.linear.scatter [tilespmem:s3], [sflag:$0x1], $0x800, $0x38;
	[tilespmem:$0x1B000] =	vst v63  }
0x75: {  	s12 =	sld [smem:$0x7F7]  }
0x76: {  	[spmem:s11] =	stream.linear.scatter [tilespmem:s3], [sflag:$0x1], $0x800, $0x38;
	[tilespmem:$0x1B000] =	vst v63  }
0x77: {  	s13 =	sld [smem:$0x7F8]  }
0x78: {  	[spmem:s12] =	stream.linear.scatter [tilespmem:s3], [sflag:$0x1], $0x800, $0x38;
	[tilespmem:$0x1B000] =	vst v63  }
0x79: {  	s14 =	sld [smem:$0x7F9]  }
0x7a: {  	[spmem:s13] =	stream.linear.scatter [tilespmem:s3], [sflag:$0x1], $0x800, $0x38;
	[tilespmem:$0x1B000] =	vst v63  }
0x7b: {  	s11 =	sld [smem:$0x7FA]  }
0x7c: {  	[spmem:s14] =	stream.linear.scatter [tilespmem:s3], [sflag:$0x1], $0x800, $0x38;
	[tilespmem:$0x1B000] =	vst v63  }
0x7d: {  	s12 =	sld [smem:$0x7FB]  }
0x7e: {  	[spmem:s11] =	stream.linear.scatter [tilespmem:s3], [sflag:$0x1], $0x800, $0x38;
	[tilespmem:$0x1B000] =	vst v63  }
0x7f: {  	s13 =	sld [smem:$0x7FC]  }
0x80: {  	[spmem:s12] =	stream.linear.scatter [tilespmem:s3], [sflag:$0x1], $0x800, $0x38;
	[tilespmem:$0x1B000] =	vst v63  }
0x81: {  	s14 =	sld [smem:$0x7FD]  }
0x82: {  	[spmem:s13] =	stream.linear.scatter [tilespmem:s3], [sflag:$0x1], $0x800, $0x38;
	[tilespmem:$0x1B000] =	vst v63  }
0x83: {  	_ = 	snop  }
0x84: {  	[spmem:s14] =	stream.linear.scatter [tilespmem:s3], [sflag:$0x1], $0x800, $0x38;
	[tilespmem:$0x1B000] =	vst v63  }
0x85: {  	_ = 	snop  }
0x86: {  	[spmem:s15] =	stream.linear.scatter [tilespmem:s3], [sflag:$0x1], $0x800, $0x38;
	[tilespmem:$0x1B000] =	vst v63  }
0x87: {  	_ = 	snop  }
0x88: {  	[spmem:s16] =	stream.linear.scatter [tilespmem:s3], [sflag:$0x1], $0x800, $0x38;
	[tilespmem:$0x1B000] =	vst v63  }
0x89: {  	_ = 	snop  }
0x8a: {  	[spmem:s17] =	stream.linear.scatter [tilespmem:s3], [sflag:$0x1], $0x800, $0x38;
	[tilespmem:$0x1B000] =	vst v63  }
0x8b: {  	_ = 	snop  }
0x8c: {  	[spmem:s18] =	stream.linear.scatter [tilespmem:s3], [sflag:$0x1], $0x800, $0x38;
	[tilespmem:$0x1B000] =	vst v63  }
0x8d: {  	_ = 	snop  }
0x8e: {  	[spmem:s19] =	stream.linear.scatter [tilespmem:s3], [sflag:$0x1], $0x800, $0x38;
	[tilespmem:$0x1B000] =	vst v63  }
0x8f: {  	_ = 	snop  }
0x90: {  	[spmem:s20] =	stream.linear.scatter [tilespmem:s3], [sflag:$0x1], $0x800, $0x38;
	[tilespmem:$0x1B000] =	vst v63  }
0x91: {  	_ = 	snop  }
0x92: {  	[spmem:s21] =	stream.linear.scatter [tilespmem:s3], [sflag:$0x1], $0x800, $0x38;
	[tilespmem:$0x1B000] =	vst v63  }
0x93: {  	_ = 	snop  }
0x94: {  	[spmem:s22] =	stream.linear.scatter [tilespmem:s3], [sflag:$0x1], $0x800, $0x38;
	[tilespmem:$0x1B000] =	vst v63  }
0x95: {  	_ = 	snop  }
0x96: {  	[spmem:s23] =	stream.linear.scatter [tilespmem:s3], [sflag:$0x1], $0x800, $0x38;
	[tilespmem:$0x1B000] =	vst v63  }
0x97: {  	_ = 	snop  }
0x98: {  	[spmem:s24] =	stream.linear.scatter [tilespmem:s3], [sflag:$0x1], $0x800, $0x38;
	[tilespmem:$0x1B000] =	vst v63  }
0x99: {  	_ = 	snop  }
0x9a: {  	[spmem:s25] =	stream.linear.scatter [tilespmem:s3], [sflag:$0x1], $0x800, $0x38;
	[tilespmem:$0x1B000] =	vst v63  }
0x9b: {  	_ = 	snop  }
0x9c: {  	[spmem:s26] =	stream.linear.scatter [tilespmem:s3], [sflag:$0x1], $0x800, $0x38;
	[tilespmem:$0x1B000] =	vst v63  }
0x9d: {  	_ = 	snop  }
0x9e: {  	[spmem:s28] =	stream.linear.scatter [tilespmem:s3], [sflag:$0x1], $0x800, $0x38;
	[tilespmem:$0x1B000] =	vst v63  }
0x9f: {  	_ = 	snop  }
0xa0: {  	[spmem:s29] =	stream.linear.scatter [tilespmem:s3], [sflag:$0x1], $0x800, $0x38;
	[tilespmem:$0x1B000] =	vst v63  }
0xa1: {  	_ = 	snop  }
0xa2: {  	[spmem:s30] =	stream.linear.scatter [tilespmem:s3], [sflag:$0x1], $0x800, $0x38;
	[tilespmem:$0x1B000] =	vst v63  }
0xa3: {  	_ = 	snop  }
0xa4: {  	[spmem:s31] =	stream.linear.scatter [tilespmem:s3], [sflag:$0x1], $0x800, $0x38;
	[tilespmem:$0x1B000] =	vst v63  }
0xa5: {  	_ = 	snop  }
0xa6: {  	[spmem:s1] =	stream.linear.scatter [tilespmem:s3], [sflag:$0x1], $0x800, $0x38;
	[tilespmem:$0x1B000] =	vst v63  }
0xa7: {  	_ = 	snop  }
0xa8: {  	[spmem:s0] =	stream.linear.scatter [tilespmem:s3], [sflag:$0x1], $0x800, $0x38;
	[tilespmem:$0x1B000] =	vst v63  }
0xa9: {  	_ =	swait.ge [sflag:s5], $0x800  }
0xaa: {  	s10 =	simm.s32 $0x27;
	[sflag:s5] =	ssyncset.done $0x0  }
.LBB2_8:
0xab: {  	p2 =	sne.s32 s10, $0x1;
	s10 =	sadd.s32 $0xFFFFFFFF, s10;
	[sflag:s5] =	ssyncadd.s32 $0xFFFFF800  }
.Ltmp3:
0xac: {  	(pc) =	sbr.rel @p2 .LBB2_8-.Ltmp3, $3  }
0xad: {  	_ =	sdelay $0x1  }
0xae: {  	_ =	swait.ge [sflag:s5], $0x800  }
0xaf: {  	[sflag:s5] =	ssyncset.done $0x0  }
0xb0: {  	[sflag:s5] =	ssyncadd.s32 $0xFFFFF800;
	s10 =	simm.s32 $0x0;
	s11 =	rddreg [dreg:$0x3]  }
0xb1: {  	[tilespmem:s10], [sflag:$0x2] =	stream.linear.gather [hbm4b:s11+s10], $0x2800, $0x38;
	[tilespmem:$0x1B000] =	vst v63  }
0xb2: {  	_ =	swait.ge [sflag:s6], $0x2800  }
0xb3: {  	[sflag:s6] =	ssyncset.done $0x0  }
0xb4: {  	[sflag:s6] =	ssyncadd.s32 $0xFFFFD800  }
0xb5: {  	s14 =	simm.s32 $0x0;
	[bflag:$0x0] =	sbarrier.arrive $0xFFFF  }
0xb6: {  	[spmem:s2] =	stream.indirect.scatter.add.f32 [tilespmem:s8], [sflag:$0x2], $0x80, s14, s7, $0xb8;
	[tilespmem:$0x1B000] =	vst v63  }
0xb7: {  	_ =	swait.ge [sflag:s6], $0x4000  }
0xb8: {  	s10 =	simm.s32 $0x200;
	[sflag:s6] =	ssyncset.done $0x0  }
.LBB2_10:
0xb9: {  	s11 =	sshra.s32 s10, $0x2;
	[sflag:s6] =	ssyncadd.s32 $0xFFFFC000;
	p2 =	sne.s32 s10, $0x9C00  }
0xba: {  	[spmem:s2] =	stream.indirect.scatter.add.f32 [tilespmem:s8], [sflag:$0x2], $0x80, s11, s7, $0xb8;
	[tilespmem:$0x1B000] =	vst v63  }
.Ltmp4:
0xbb: {  	_ = 	snop;
	(pc) =	sbr.rel @p2 .LBB2_10-.Ltmp4, $4  }
0xbc: {  	_ = 	snop  }
0xbd: {  	s10 =	sadd.s32 $0x200, s10  }
0xbe: {  	_ =	swait.ge [sflag:s6], $0x4000  }
0xbf: {  	[sflag:s6] =	ssyncset.done $0x0  }
0xc0: {  	[sflag:s6] =	ssyncadd.s32 $0xFFFFC000  }
0xc1: {  	s10 =	stileid.u32;
	[bflag:$0x0] =	sbarrier.arrive $0xFFFF  }
0xc2: {  	s10 =	sshll.u32 s10, $0x6;
	s11 =	rddreg [dreg:$0x7]  }
0xc3: {  	s10 =	sor.u32 $0x1C01, s10;
	s12 =	rddreg [dreg:$0x10]  }
0xc4: {  	[hbm:s11], [sflag:s10] =	dma.local [spmem:s12], $0x500  }
0xc5: {  	s11 =	rddreg [dreg:$0x8]  }
0xc6: {  	s12 =	rddreg [dreg:$0x11]  }
0xc7: {  	[hbm:s11], [sflag:s10] =	dma.local [spmem:s12], $0x500  }
0xc8: {  	s11 =	rddreg [dreg:$0x9]  }
0xc9: {  	s12 =	rddreg [dreg:$0x12]  }
0xca: {  	[hbm:s11], [sflag:s10] =	dma.local [spmem:s12], $0x500  }
0xcb: {  	s11 =	rddreg [dreg:$0xa]  }
0xcc: {  	s12 =	rddreg [dreg:$0x13]  }
0xcd: {  	[hbm:s11], [sflag:s10] =	dma.local [spmem:s12], $0x500  }
0xce: {  	s11 =	rddreg [dreg:$0xb]  }
0xcf: {  	s12 =	rddreg [dreg:$0x14]  }
0xd0: {  	[hbm:s11], [sflag:s10] =	dma.local [spmem:s12], $0x500  }
0xd1: {  	s11 =	rddreg [dreg:$0xc]  }
0xd2: {  	s12 =	rddreg [dreg:$0x15]  }
0xd3: {  	[hbm:s11], [sflag:s10] =	dma.local [spmem:s12], $0x500  }
0xd4: {  	s11 =	rddreg [dreg:$0xd]  }
0xd5: {  	s12 =	rddreg [dreg:$0x16]  }
0xd6: {  	[hbm:s11], [sflag:s10] =	dma.local [spmem:s12], $0x500  }
0xd7: {  	s11 =	rddreg [dreg:$0xe]  }
0xd8: {  	s12 =	rddreg [dreg:$0x17]  }
0xd9: {  	[hbm:s11], [sflag:s10] =	dma.local @!p0 [spmem:s12], $0x500  }
0xda: {  	_ =	swait.ge [sflag:s5], $0x500  }
0xdb: {  	[sflag:s5] =	ssyncset.done $0x0  }
0xdc: {  	[sflag:s5] =	ssyncadd.s32 $0xFFFFFB00  }
0xdd: {  	_ =	swait.ge [sflag:s5], $0x500  }
0xde: {  	[sflag:s5] =	ssyncset.done $0x0  }
0xdf: {  	[sflag:s5] =	ssyncadd.s32 $0xFFFFFB00  }
0xe0: {  	_ =	swait.ge [sflag:s5], $0x500  }
0xe1: {  	[sflag:s5] =	ssyncset.done $0x0  }
0xe2: {  	[sflag:s5] =	ssyncadd.s32 $0xFFFFFB00  }
0xe3: {  	_ =	swait.ge [sflag:s5], $0x500  }
0xe4: {  	[sflag:s5] =	ssyncset.done $0x0  }
0xe5: {  	[sflag:s5] =	ssyncadd.s32 $0xFFFFFB00  }
0xe6: {  	_ =	swait.ge [sflag:s5], $0x500  }
0xe7: {  	[sflag:s5] =	ssyncset.done $0x0  }
0xe8: {  	[sflag:s5] =	ssyncadd.s32 $0xFFFFFB00  }
0xe9: {  	_ =	swait.ge [sflag:s5], $0x500  }
0xea: {  	[sflag:s5] =	ssyncset.done $0x0  }
0xeb: {  	[sflag:s5] =	ssyncadd.s32 $0xFFFFFB00  }
0xec: {  	_ =	swait.ge [sflag:s5], $0x500  }
0xed: {  	[sflag:s5] =	ssyncset.done $0x0  }
0xee: {  	s10 =	simm.s32 @!p1 $0x1;
	[sflag:s5] =	ssyncadd.s32 $0xFFFFFB00  }
0xef: {  	_ =	swait.ge @!p1 [sflag:s10], $0x500  }
0xf0: {  	s9 =	sadd.s32 $0x1, s9;
	s14 =	rddreg [dreg:$0x4]  }
0xf1: {  	p2 =	sne.s32 s9, s14  }
.Ltmp5:
0xf2: {  	_ = 	snop;
	(pc) =	sbr.rel @p2 .LBB2_1-.Ltmp5, $3  }
0xf3: {  	_ =	sdelay $0x1  }
0xf4: {  	[sflag:s10] =	ssyncset.done @!p1 $0x0  }
0xf5: {  	[sflag:s10] =	ssyncadd.s32 @!p1 $0xFFFFFB00  }
0xf6: {  	_ =	sfence.sel $0x180000  }
0xf7: {  	[bflag:$0x0] =	sbarrier.arrive $0xFFFF  }
0xf8: {  	_ =	strace $0x90000047  }
0xf9: {  	s0 =	stileid.u32;
	[bflag:$0x2] =	sbarrier.arrive $0xFFFF  }
0xfa: {  	p0 =	sne.s32 s0, $0x0;
	s0 =	rddreg [dreg:$0x2]  }
0xfb: {  	s0 =	sadd.s32 @!p0 $0x100000, s0  }
0xfc: {  	[sflag:s0] =	ssyncadd.tile.s32 @!p0 $0x1;
	_ =	shalt  }
.Lfunc_end2:
_tile_overlayer_lowered:
.L_overlay_start_2:
0xfd: {  	(tag) =	ssettag $0x2  }
0xfe: {  	s0 =	rddreg [dreg:$0x0];
	s2 =	stileid.u32  }
0xff: {  	s1 =	rddreg [dreg:$0x1];
	p0 =	sne.s32 s2, $0x0  }
0x100: {  	s3 =	rddreg [dreg:$0x2];
	[bflag:$0x3] =	sbarrier.arrive $0xFFFF;
	s2 =	simm.s32 @!p0 $0x1C02  }
0x101: {  	[timem:s3], [sflag:s2] =	dma.local @!p0 [hbm:s0], s1  }
0x102: {  	s0 =	simm.s32 @!p0 $0x2  }
0x103: {  	_ =	swait.ge @!p0 [sflag:s0], s1  }
0x104: {  	s1 =	ssub.s32 @!p0 $0x0, s1;
	[sflag:s0] =	ssyncset.done @!p0 $0x0  }
0x105: {  	[sflag:s0] =	ssyncadd.s32 @!p0 s1  }
0x106: {  	[bflag:$0x3] =	sbarrier.arrive $0xFFFF  }
0x107: {  	_ =	shalt  }

</sc_bundles>
